<compile_context>
chip_gen: v7x
topology: tpu7x:2x2x1
jax: 0.10.2.dev20260603
libtpu: 0.0.44.dev20260713+nightly
codegen_flags: <defaults>
</compile_context>

<pallas_src>
import functools

import jax
import jax.numpy as jnp
from jax import lax
from jax.experimental import pallas as pl
from jax.experimental.pallas import tpu as pltpu
from jax.experimental.pallas import tpu_sc as plsc

B, L, V, D = 16384, 200, 23, 128
VP = 24
LANES = 16
NC, NS = 2, 16
NW = NC * NS
ROWS_PER_W = B // NW
CHUNK = 128
NCHUNK = ROWS_PER_W // CHUNK
GROUPS = CHUNK // LANES
LBLK = 25

_sc_mesh = plsc.VectorSubcoreMesh(
    core_axis_name="c", subcore_axis_name="s", num_cores=NC, num_subcores=NS)


@functools.partial(
    pl.kernel,
    out_type=jax.ShapeDtypeStruct((VP, B), jnp.float32),
    mesh=_sc_mesh,
    scratch_types=[
        pltpu.VMEM((L, CHUNK), jnp.int32),
        pltpu.VMEM((VP, CHUNK), jnp.float32),
    ],
    compiler_params=pltpu.CompilerParams(needs_layout_passes=False),
)
def _histogram_sc(xt_hbm, counts_hbm, x_v, c_v):
    wid = lax.axis_index("s") * NC + lax.axis_index("c")
    lane = lax.iota(jnp.int32, LANES)
    ones = jnp.ones((LANES,), jnp.float32)
    zeros = jnp.zeros((LANES,), jnp.float32)

    def chunk_body(ci, carry):
        row_base = wid * ROWS_PER_W + ci * CHUNK
        pltpu.sync_copy(xt_hbm.at[:, pl.ds(row_base, CHUNK)], x_v)
        for r in range(VP):
            for j in range(CHUNK // LANES):
                c_v[r, pl.ds(j * LANES, LANES)] = zeros

        def group_body(g, gcarry):
            row = g * LANES + lane
            xs = [x_v[j, pl.ds(g * LANES, LANES)] for j in range(LBLK)]
            for lb in range(LBLK, L, LBLK):
                nxt = []
                for j in range(LBLK):
                    nxt.append(x_v[lb + j, pl.ds(g * LANES, LANES)])
                    plsc.addupdate_scatter(c_v, [xs[j], row], ones)
                xs = nxt
            for j in range(LBLK):
                plsc.addupdate_scatter(c_v, [xs[j], row], ones)
            return gcarry

        lax.fori_loop(0, GROUPS, group_body, 0)
        pltpu.sync_copy(c_v, counts_hbm.at[:, pl.ds(row_base, CHUNK)])
        return carry

    lax.fori_loop(0, NCHUNK, chunk_body, 0)


_MM_BLK = 2048


def _matmul_tanh_body(c_ref, t_ref, o_ref):
    acc = jax.lax.dot_general(
        c_ref[...], t_ref[...], (((0,), (0,)), ((), ())),
        precision=jax.lax.Precision.HIGHEST,
        preferred_element_type=jnp.float32)
    o_ref[...] = jnp.tanh(acc)


_matmul_tanh = pl.pallas_call(
    _matmul_tanh_body,
    grid=(B // _MM_BLK,),
    in_specs=[
        pl.BlockSpec((VP, _MM_BLK), lambda i: (0, i)),
        pl.BlockSpec((VP, D), lambda i: (0, 0)),
    ],
    out_specs=pl.BlockSpec((_MM_BLK, D), lambda i: (i, 0)),
    out_shape=jax.ShapeDtypeStruct((B, D), jnp.float32),
)


def kernel(x, table):
    xt = x.astype(jnp.int32).T
    counts = _histogram_sc(xt)
    t_pad = jnp.zeros((VP, D), jnp.float32).at[1:V].set(table[1:V])
    return _matmul_tanh(counts, t_pad)

# --- scband reference (transcript-rebuilt; emitter-appended) ---
"""Pipeline reference for scband-data-encoder-56023553409622 (READ-ONLY COPY).

The authoritative reference and input builder live on the scoring server;
editing this copy changes nothing except your own understanding.
"""

import jax, jax.numpy as jnp
import numpy as np

B, L, V, D = 16384, 200, 23, 128

def setup_inputs(seed: int = 0) -> dict:
    key = jax.random.key(seed)
    k1, k2 = jax.random.split(key)
    x = jax.random.randint(k1, (B, L), 0, V)
    # torch nn.Embedding default init: N(0, 1); padding_idx=0 row zeroed
    table = jax.random.normal(k2, (V, D), dtype=jnp.float32)
    table = table.at[0].set(0.0)
    return {"x": x, "table": table}

def reference(x, table):
    # enforce padding_idx=0 semantics (row 0 contributes zeros)
    t = table.at[0].set(0.0)
    emb = jnp.take(t, x, axis=0)          # gather: [B, L, D]
    summed = jnp.sum(emb, axis=1)          # sum over sequence dim: [B, D]
    return jnp.tanh(summed)

if __name__ == "__main__":
    import jax
    _d = setup_inputs()
    print(jax.jit(kernel)(*tuple(_d.values())))

</pallas_src>

<mosaic_0001>
#map = affine_map<(d0, d1) -> (0, 0)>
module attributes {stable_mosaic.version = 14 : i64} {
  func.func @_histogram_sc(%arg0: i32, %arg1: i32, %arg2: memref<200x16384xi32, #tpu.memory_space<hbm>>, %arg3: memref<24x16384xf32, #tpu.memory_space<hbm>>, %arg4: memref<200x128xi32, #tpu.memory_space<vmem>>, %arg5: memref<24x128xf32, #tpu.memory_space<vmem>>) attributes {dimension_semantics = [#tpu.dimension_semantics<core_parallel>, #tpu.dimension_semantics<subcore_parallel>], iteration_bounds = array<i64: 2, 16>, scalar_prefetch = 0 : i64, scratch_operands = 2 : i64, tpu.core_type = #tpu.core_type<sc_vector_subcore>, window_params = [{transform_indices = #map}, {transform_indices = #map}]} {
    %mul3A = arith.constant 2 : i32
    %mul3A_0 = arith.muli %arg1, %mul3A : i32
    %add3A = arith.addi %mul3A_0, %arg0 : i32
    %iota3A = tpu.iota {dimensions = array<i32: 0>} : vector<16xi32>
    %broadcast_in_dim3A = arith.constant 1.000000e+00 : f32
    %broadcast_in_dim3A_1 = vector.broadcast %broadcast_in_dim3A : f32 to vector<16xf32>
    %broadcast_in_dim3A_2 = arith.constant 0.000000e+00 : f32
    %broadcast_in_dim3A_3 = vector.broadcast %broadcast_in_dim3A_2 : f32 to vector<16xf32>
    %scan3A = arith.constant 0 : i32
    %scan3A_4 = arith.constant 0 : i32
    %scan3A_5 = arith.constant 4 : i32
    %scan3A_6 = arith.addi %scan3A_4, %scan3A_5 : i32
    %scan3A_7 = arith.constant 1 : i32
    scf.for %scan3A_9 = %scan3A_4 to %scan3A_6 step %scan3A_7  : i32 {
      %mul3A_10 = arith.constant 512 : i32
      %mul3A_11 = arith.muli %add3A, %mul3A_10 : i32
      %mul3A_12 = arith.constant 128 : i32
      %mul3A_13 = arith.muli %scan3A_9, %mul3A_12 : i32
      %add3A_14 = arith.addi %mul3A_11, %mul3A_13 : i32
      "tpu.region"() ({
        %run_scoped3A = tpu.sem_alloc : memref<!tpu.dma_semaphore, #tpu.memory_space<semaphore_mem>>
        %dma_start3A = arith.constant 0 : i32
        %dma_start3A_788 = tpu.memref_slice %arg2[%dma_start3A, %add3A_14] : memref<200x16384xi32, #tpu.memory_space<hbm>> -> memref<200x128xi32, #tpu.memory_space<hbm>>
        %dma_start3A_789 = arith.constant 0 : i32
        %dma_start3A_790 = tpu.memref_slice %arg2[%dma_start3A_789, %add3A_14] : memref<200x16384xi32, #tpu.memory_space<hbm>> -> memref<200x128xi32, #tpu.memory_space<hbm>>
        tpu.enqueue_dma source(%dma_start3A_790 : memref<200x128xi32, #tpu.memory_space<hbm>>) target(%arg4 : memref<200x128xi32, #tpu.memory_space<vmem>>) target_semaphore(%run_scoped3A : memref<!tpu.dma_semaphore, #tpu.memory_space<semaphore_mem>>)
        %dma_wait3A = arith.constant 0 : i32
        %dma_wait3A_791 = tpu.memref_slice %arg2[%dma_wait3A, %add3A_14] : memref<200x16384xi32, #tpu.memory_space<hbm>> -> memref<200x128xi32, #tpu.memory_space<hbm>>
        %dma_wait3A_792 = arith.constant 0 : i32
        %dma_wait3A_793 = tpu.memref_slice %arg2[%dma_wait3A_792, %add3A_14] : memref<200x16384xi32, #tpu.memory_space<hbm>> -> memref<200x128xi32, #tpu.memory_space<hbm>>
        tpu.wait_dma2 semaphore(%run_scoped3A : memref<!tpu.dma_semaphore, #tpu.memory_space<semaphore_mem>>) src(%dma_wait3A_793 : memref<200x128xi32, #tpu.memory_space<hbm>>) dst(%arg4 : memref<200x128xi32, #tpu.memory_space<vmem>>)
        tpu.yield
      }) : () -> ()
      %swap3A = arith.constant 0 : i32
      %swap3A_15 = arith.index_cast %swap3A : i32 to index
      %swap3A_16 = arith.constant 0 : index
      %swap3A_17 = tpu.vector_load %arg5[%swap3A_15, %swap3A_16] {strides = array<i32>} : memref<24x128xf32, #tpu.memory_space<vmem>>, vector<16xf32>,
      tpu.vector_store %arg5[%swap3A_15, %swap3A_16], %broadcast_in_dim3A_3 {strides = array<i32>} : memref<24x128xf32, #tpu.memory_space<vmem>>, vector<16xf32>,
      %swap3A_18 = arith.constant 0 : i32
      %swap3A_19 = arith.index_cast %swap3A_18 : i32 to index
      %swap3A_20 = arith.constant 16 : index
      %swap3A_21 = tpu.vector_load %arg5[%swap3A_19, %swap3A_20] {strides = array<i32>} : memref<24x128xf32, #tpu.memory_space<vmem>>, vector<16xf32>,
      tpu.vector_store %arg5[%swap3A_19, %swap3A_20], %broadcast_in_dim3A_3 {strides = array<i32>} : memref<24x128xf32, #tpu.memory_space<vmem>>, vector<16xf32>,
      %swap3A_22 = arith.constant 0 : i32
      %swap3A_23 = arith.index_cast %swap3A_22 : i32 to index
      %swap3A_24 = arith.constant 32 : index
      %swap3A_25 = tpu.vector_load %arg5[%swap3A_23, %swap3A_24] {strides = array<i32>} : memref<24x128xf32, #tpu.memory_space<vmem>>, vector<16xf32>,
      tpu.vector_store %arg5[%swap3A_23, %swap3A_24], %broadcast_in_dim3A_3 {strides = array<i32>} : memref<24x128xf32, #tpu.memory_space<vmem>>, vector<16xf32>,
      %swap3A_26 = arith.constant 0 : i32
      %swap3A_27 = arith.index_cast %swap3A_26 : i32 to index
      %swap3A_28 = arith.constant 48 : index
      %swap3A_29 = tpu.vector_load %arg5[%swap3A_27, %swap3A_28] {strides = array<i32>} : memref<24x128xf32, #tpu.memory_space<vmem>>, vector<16xf32>,
      tpu.vector_store %arg5[%swap3A_27, %swap3A_28], %broadcast_in_dim3A_3 {strides = array<i32>} : memref<24x128xf32, #tpu.memory_space<vmem>>, vector<16xf32>,
      %swap3A_30 = arith.constant 0 : i32
      %swap3A_31 = arith.index_cast %swap3A_30 : i32 to index
      %swap3A_32 = arith.constant 64 : index
      %swap3A_33 = tpu.vector_load %arg5[%swap3A_31, %swap3A_32] {strides = array<i32>} : memref<24x128xf32, #tpu.memory_space<vmem>>, vector<16xf32>,
      tpu.vector_store %arg5[%swap3A_31, %swap3A_32], %broadcast_in_dim3A_3 {strides = array<i32>} : memref<24x128xf32, #tpu.memory_space<vmem>>, vector<16xf32>,
      %swap3A_34 = arith.constant 0 : i32
      %swap3A_35 = arith.index_cast %swap3A_34 : i32 to index
      %swap3A_36 = arith.constant 80 : index
      %swap3A_37 = tpu.vector_load %arg5[%swap3A_35, %swap3A_36] {strides = array<i32>} : memref<24x128xf32, #tpu.memory_space<vmem>>, vector<16xf32>,
      tpu.vector_store %arg5[%swap3A_35, %swap3A_36], %broadcast_in_dim3A_3 {strides = array<i32>} : memref<24x128xf32, #tpu.memory_space<vmem>>, vector<16xf32>,
      %swap3A_38 = arith.constant 0 : i32
      %swap3A_39 = arith.index_cast %swap3A_38 : i32 to index
      %swap3A_40 = arith.constant 96 : index
      %swap3A_41 = tpu.vector_load %arg5[%swap3A_39, %swap3A_40] {strides = array<i32>} : memref<24x128xf32, #tpu.memory_space<vmem>>, vector<16xf32>,
      tpu.vector_store %arg5[%swap3A_39, %swap3A_40], %broadcast_in_dim3A_3 {strides = array<i32>} : memref<24x128xf32, #tpu.memory_space<vmem>>, vector<16xf32>,
      %swap3A_42 = arith.constant 0 : i32
      %swap3A_43 = arith.index_cast %swap3A_42 : i32 to index
      %swap3A_44 = arith.constant 112 : index
      %swap3A_45 = tpu.vector_load %arg5[%swap3A_43, %swap3A_44] {strides = array<i32>} : memref<24x128xf32, #tpu.memory_space<vmem>>, vector<16xf32>,
      tpu.vector_store %arg5[%swap3A_43, %swap3A_44], %broadcast_in_dim3A_3 {strides = array<i32>} : memref<24x128xf32, #tpu.memory_space<vmem>>, vector<16xf32>,
      %swap3A_46 = arith.constant 1 : i32
      %swap3A_47 = arith.index_cast %swap3A_46 : i32 to index
      %swap3A_48 = arith.constant 0 : index
      %swap3A_49 = tpu.vector_load %arg5[%swap3A_47, %swap3A_48] {strides = array<i32>} : memref<24x128xf32, #tpu.memory_space<vmem>>, vector<16xf32>,
      tpu.vector_store %arg5[%swap3A_47, %swap3A_48], %broadcast_in_dim3A_3 {strides = array<i32>} : memref<24x128xf32, #tpu.memory_space<vmem>>, vector<16xf32>,
      %swap3A_50 = arith.constant 1 : i32
      %swap3A_51 = arith.index_cast %swap3A_50 : i32 to index
      %swap3A_52 = arith.constant 16 : index
      %swap3A_53 = tpu.vector_load %arg5[%swap3A_51, %swap3A_52] {strides = array<i32>} : memref<24x128xf32, #tpu.memory_space<vmem>>, vector<16xf32>,
      tpu.vector_store %arg5[%swap3A_51, %swap3A_52], %broadcast_in_dim3A_3 {strides = array<i32>} : memref<24x128xf32, #tpu.memory_space<vmem>>, vector<16xf32>,
      %swap3A_54 = arith.constant 1 : i32
      %swap3A_55 = arith.index_cast %swap3A_54 : i32 to index
      %swap3A_56 = arith.constant 32 : index
      %swap3A_57 = tpu.vector_load %arg5[%swap3A_55, %swap3A_56] {strides = array<i32>} : memref<24x128xf32, #tpu.memory_space<vmem>>, vector<16xf32>,
      tpu.vector_store %arg5[%swap3A_55, %swap3A_56], %broadcast_in_dim3A_3 {strides = array<i32>} : memref<24x128xf32, #tpu.memory_space<vmem>>, vector<16xf32>,
      %swap3A_58 = arith.constant 1 : i32
      %swap3A_59 = arith.index_cast %swap3A_58 : i32 to index
      %swap3A_60 = arith.constant 48 : index
      %swap3A_61 = tpu.vector_load %arg5[%swap3A_59, %swap3A_60] {strides = array<i32>} : memref<24x128xf32, #tpu.memory_space<vmem>>, vector<16xf32>,
      tpu.vector_store %arg5[%swap3A_59, %swap3A_60], %broadcast_in_dim3A_3 {strides = array<i32>} : memref<24x128xf32, #tpu.memory_space<vmem>>, vector<16xf32>,
      %swap3A_62 = arith.constant 1 : i32
      %swap3A_63 = arith.index_cast %swap3A_62 : i32 to index
      %swap3A_64 = arith.constant 64 : index
      %swap3A_65 = tpu.vector_load %arg5[%swap3A_63, %swap3A_64] {strides = array<i32>} : memref<24x128xf32, #tpu.memory_space<vmem>>, vector<16xf32>,
      tpu.vector_store %arg5[%swap3A_63, %swap3A_64], %broadcast_in_dim3A_3 {strides = array<i32>} : memref<24x128xf32, #tpu.memory_space<vmem>>, vector<16xf32>,
      %swap3A_66 = arith.constant 1 : i32
      %swap3A_67 = arith.index_cast %swap3A_66 : i32 to index
      %swap3A_68 = arith.constant 80 : index
      %swap3A_69 = tpu.vector_load %arg5[%swap3A_67, %swap3A_68] {strides = array<i32>} : memref<24x128xf32, #tpu.memory_space<vmem>>, vector<16xf32>,
      tpu.vector_store %arg5[%swap3A_67, %swap3A_68], %broadcast_in_dim3A_3 {strides = array<i32>} : memref<24x128xf32, #tpu.memory_space<vmem>>, vector<16xf32>,
      %swap3A_70 = arith.constant 1 : i32
      %swap3A_71 = arith.index_cast %swap3A_70 : i32 to index
      %swap3A_72 = arith.constant 96 : index
      %swap3A_73 = tpu.vector_load %arg5[%swap3A_71, %swap3A_72] {strides = array<i32>} : memref<24x128xf32, #tpu.memory_space<vmem>>, vector<16xf32>,
      tpu.vector_store %arg5[%swap3A_71, %swap3A_72], %broadcast_in_dim3A_3 {strides = array<i32>} : memref<24x128xf32, #tpu.memory_space<vmem>>, vector<16xf32>,
      %swap3A_74 = arith.constant 1 : i32
      %swap3A_75 = arith.index_cast %swap3A_74 : i32 to index
      %swap3A_76 = arith.constant 112 : index
      %swap3A_77 = tpu.vector_load %arg5[%swap3A_75, %swap3A_76] {strides = array<i32>} : memref<24x128xf32, #tpu.memory_space<vmem>>, vector<16xf32>,
      tpu.vector_store %arg5[%swap3A_75, %swap3A_76], %broadcast_in_dim3A_3 {strides = array<i32>} : memref<24x128xf32, #tpu.memory_space<vmem>>, vector<16xf32>,
      %swap3A_78 = arith.constant 2 : i32
      %swap3A_79 = arith.index_cast %swap3A_78 : i32 to index
      %swap3A_80 = arith.constant 0 : index
      %swap3A_81 = tpu.vector_load %arg5[%swap3A_79, %swap3A_80] {strides = array<i32>} : memref<24x128xf32, #tpu.memory_space<vmem>>, vector<16xf32>,
      tpu.vector_store %arg5[%swap3A_79, %swap3A_80], %broadcast_in_dim3A_3 {strides = array<i32>} : memref<24x128xf32, #tpu.memory_space<vmem>>, vector<16xf32>,
      %swap3A_82 = arith.constant 2 : i32
      %swap3A_83 = arith.index_cast %swap3A_82 : i32 to index
      %swap3A_84 = arith.constant 16 : index
      %swap3A_85 = tpu.vector_load %arg5[%swap3A_83, %swap3A_84] {strides = array<i32>} : memref<24x128xf32, #tpu.memory_space<vmem>>, vector<16xf32>,
      tpu.vector_store %arg5[%swap3A_83, %swap3A_84], %broadcast_in_dim3A_3 {strides = array<i32>} : memref<24x128xf32, #tpu.memory_space<vmem>>, vector<16xf32>,
      %swap3A_86 = arith.constant 2 : i32
      %swap3A_87 = arith.index_cast %swap3A_86 : i32 to index
      %swap3A_88 = arith.constant 32 : index
      %swap3A_89 = tpu.vector_load %arg5[%swap3A_87, %swap3A_88] {strides = array<i32>} : memref<24x128xf32, #tpu.memory_space<vmem>>, vector<16xf32>,
      tpu.vector_store %arg5[%swap3A_87, %swap3A_88], %broadcast_in_dim3A_3 {strides = array<i32>} : memref<24x128xf32, #tpu.memory_space<vmem>>, vector<16xf32>,
      %swap3A_90 = arith.constant 2 : i32
      %swap3A_91 = arith.index_cast %swap3A_90 : i32 to index
      %swap3A_92 = arith.constant 48 : index
      %swap3A_93 = tpu.vector_load %arg5[%swap3A_91, %swap3A_92] {strides = array<i32>} : memref<24x128xf32, #tpu.memory_space<vmem>>, vector<16xf32>,
      tpu.vector_store %arg5[%swap3A_91, %swap3A_92], %broadcast_in_dim3A_3 {strides = array<i32>} : memref<24x128xf32, #tpu.memory_space<vmem>>, vector<16xf32>,
      %swap3A_94 = arith.constant 2 : i32
      %swap3A_95 = arith.index_cast %swap3A_94 : i32 to index
      %swap3A_96 = arith.constant 64 : index
      %swap3A_97 = tpu.vector_load %arg5[%swap3A_95, %swap3A_96] {strides = array<i32>} : memref<24x128xf32, #tpu.memory_space<vmem>>, vector<16xf32>,
      tpu.vector_store %arg5[%swap3A_95, %swap3A_96], %broadcast_in_dim3A_3 {strides = array<i32>} : memref<24x128xf32, #tpu.memory_space<vmem>>, vector<16xf32>,
      %swap3A_98 = arith.constant 2 : i32
      %swap3A_99 = arith.index_cast %swap3A_98 : i32 to index
      %swap3A_100 = arith.constant 80 : index
      %swap3A_101 = tpu.vector_load %arg5[%swap3A_99, %swap3A_100] {strides = array<i32>} : memref<24x128xf32, #tpu.memory_space<vmem>>, vector<16xf32>,
      tpu.vector_store %arg5[%swap3A_99, %swap3A_100], %broadcast_in_dim3A_3 {strides = array<i32>} : memref<24x128xf32, #tpu.memory_space<vmem>>, vector<16xf32>,
      %swap3A_102 = arith.constant 2 : i32
      %swap3A_103 = arith.index_cast %swap3A_102 : i32 to index
      %swap3A_104 = arith.constant 96 : index
      %swap3A_105 = tpu.vector_load %arg5[%swap3A_103, %swap3A_104] {strides = array<i32>} : memref<24x128xf32, #tpu.memory_space<vmem>>, vector<16xf32>,
      tpu.vector_store %arg5[%swap3A_103, %swap3A_104], %broadcast_in_dim3A_3 {strides = array<i32>} : memref<24x128xf32, #tpu.memory_space<vmem>>, vector<16xf32>,
      %swap3A_106 = arith.constant 2 : i32
      %swap3A_107 = arith.index_cast %swap3A_106 : i32 to index
      %swap3A_108 = arith.constant 112 : index
      %swap3A_109 = tpu.vector_load %arg5[%swap3A_107, %swap3A_108] {strides = array<i32>} : memref<24x128xf32, #tpu.memory_space<vmem>>, vector<16xf32>,
      tpu.vector_store %arg5[%swap3A_107, %swap3A_108], %broadcast_in_dim3A_3 {strides = array<i32>} : memref<24x128xf32, #tpu.memory_space<vmem>>, vector<16xf32>,
      %swap3A_110 = arith.constant 3 : i32
      %swap3A_111 = arith.index_cast %swap3A_110 : i32 to index
      %swap3A_112 = arith.constant 0 : index
      %swap3A_113 = tpu.vector_load %arg5[%swap3A_111, %swap3A_112] {strides = array<i32>} : memref<24x128xf32, #tpu.memory_space<vmem>>, vector<16xf32>,
      tpu.vector_store %arg5[%swap3A_111, %swap3A_112], %broadcast_in_dim3A_3 {strides = array<i32>} : memref<24x128xf32, #tpu.memory_space<vmem>>, vector<16xf32>,
      %swap3A_114 = arith.constant 3 : i32
      %swap3A_115 = arith.index_cast %swap3A_114 : i32 to index
      %swap3A_116 = arith.constant 16 : index
      %swap3A_117 = tpu.vector_load %arg5[%swap3A_115, %swap3A_116] {strides = array<i32>} : memref<24x128xf32, #tpu.memory_space<vmem>>, vector<16xf32>,
      tpu.vector_store %arg5[%swap3A_115, %swap3A_116], %broadcast_in_dim3A_3 {strides = array<i32>} : memref<24x128xf32, #tpu.memory_space<vmem>>, vector<16xf32>,
      %swap3A_118 = arith.constant 3 : i32
      %swap3A_119 = arith.index_cast %swap3A_118 : i32 to index
      %swap3A_120 = arith.constant 32 : index
      %swap3A_121 = tpu.vector_load %arg5[%swap3A_119, %swap3A_120] {strides = array<i32>} : memref<24x128xf32, #tpu.memory_space<vmem>>, vector<16xf32>,
      tpu.vector_store %arg5[%swap3A_119, %swap3A_120], %broadcast_in_dim3A_3 {strides = array<i32>} : memref<24x128xf32, #tpu.memory_space<vmem>>, vector<16xf32>,
      %swap3A_122 = arith.constant 3 : i32
      %swap3A_123 = arith.index_cast %swap3A_122 : i32 to index
      %swap3A_124 = arith.constant 48 : index
      %swap3A_125 = tpu.vector_load %arg5[%swap3A_123, %swap3A_124] {strides = array<i32>} : memref<24x128xf32, #tpu.memory_space<vmem>>, vector<16xf32>,
      tpu.vector_store %arg5[%swap3A_123, %swap3A_124], %broadcast_in_dim3A_3 {strides = array<i32>} : memref<24x128xf32, #tpu.memory_space<vmem>>, vector<16xf32>,
      %swap3A_126 = arith.constant 3 : i32
      %swap3A_127 = arith.index_cast %swap3A_126 : i32 to index
      %swap3A_128 = arith.constant 64 : index
      %swap3A_129 = tpu.vector_load %arg5[%swap3A_127, %swap3A_128] {strides = array<i32>} : memref<24x128xf32, #tpu.memory_space<vmem>>, vector<16xf32>,
      tpu.vector_store %arg5[%swap3A_127, %swap3A_128], %broadcast_in_dim3A_3 {strides = array<i32>} : memref<24x128xf32, #tpu.memory_space<vmem>>, vector<16xf32>,
      %swap3A_130 = arith.constant 3 : i32
      %swap3A_131 = arith.index_cast %swap3A_130 : i32 to index
      %swap3A_132 = arith.constant 80 : index
      %swap3A_133 = tpu.vector_load %arg5[%swap3A_131, %swap3A_132] {strides = array<i32>} : memref<24x128xf32, #tpu.memory_space<vmem>>, vector<16xf32>,
      tpu.vector_store %arg5[%swap3A_131, %swap3A_132], %broadcast_in_dim3A_3 {strides = array<i32>} : memref<24x128xf32, #tpu.memory_space<vmem>>, vector<16xf32>,
      %swap3A_134 = arith.constant 3 : i32
      %swap3A_135 = arith.index_cast %swap3A_134 : i32 to index
      %swap3A_136 = arith.constant 96 : index
      %swap3A_137 = tpu.vector_load %arg5[%swap3A_135, %swap3A_136] {strides = array<i32>} : memref<24x128xf32, #tpu.memory_space<vmem>>, vector<16xf32>,
      tpu.vector_store %arg5[%swap3A_135, %swap3A_136], %broadcast_in_dim3A_3 {strides = array<i32>} : memref<24x128xf32, #tpu.memory_space<vmem>>, vector<16xf32>,
      %swap3A_138 = arith.constant 3 : i32
      %swap3A_139 = arith.index_cast %swap3A_138 : i32 to index
      %swap3A_140 = arith.constant 112 : index
      %swap3A_141 = tpu.vector_load %arg5[%swap3A_139, %swap3A_140] {strides = array<i32>} : memref<24x128xf32, #tpu.memory_space<vmem>>, vector<16xf32>,
      tpu.vector_store %arg5[%swap3A_139, %swap3A_140], %broadcast_in_dim3A_3 {strides = array<i32>} : memref<24x128xf32, #tpu.memory_space<vmem>>, vector<16xf32>,
      %swap3A_142 = arith.constant 4 : i32
      %swap3A_143 = arith.index_cast %swap3A_142 : i32 to index
      %swap3A_144 = arith.constant 0 : index
      %swap3A_145 = tpu.vector_load %arg5[%swap3A_143, %swap3A_144] {strides = array<i32>} : memref<24x128xf32, #tpu.memory_space<vmem>>, vector<16xf32>,
      tpu.vector_store %arg5[%swap3A_143, %swap3A_144], %broadcast_in_dim3A_3 {strides = array<i32>} : memref<24x128xf32, #tpu.memory_space<vmem>>, vector<16xf32>,
      %swap3A_146 = arith.constant 4 : i32
      %swap3A_147 = arith.index_cast %swap3A_146 : i32 to index
      %swap3A_148 = arith.constant 16 : index
      %swap3A_149 = tpu.vector_load %arg5[%swap3A_147, %swap3A_148] {strides = array<i32>} : memref<24x128xf32, #tpu.memory_space<vmem>>, vector<16xf32>,
      tpu.vector_store %arg5[%swap3A_147, %swap3A_148], %broadcast_in_dim3A_3 {strides = array<i32>} : memref<24x128xf32, #tpu.memory_space<vmem>>, vector<16xf32>,
      %swap3A_150 = arith.constant 4 : i32
      %swap3A_151 = arith.index_cast %swap3A_150 : i32 to index
      %swap3A_152 = arith.constant 32 : index
      %swap3A_153 = tpu.vector_load %arg5[%swap3A_151, %swap3A_152] {strides = array<i32>} : memref<24x128xf32, #tpu.memory_space<vmem>>, vector<16xf32>,
      tpu.vector_store %arg5[%swap3A_151, %swap3A_152], %broadcast_in_dim3A_3 {strides = array<i32>} : memref<24x128xf32, #tpu.memory_space<vmem>>, vector<16xf32>,
      %swap3A_154 = arith.constant 4 : i32
      %swap3A_155 = arith.index_cast %swap3A_154 : i32 to index
      %swap3A_156 = arith.constant 48 : index
      %swap3A_157 = tpu.vector_load %arg5[%swap3A_155, %swap3A_156] {strides = array<i32>} : memref<24x128xf32, #tpu.memory_space<vmem>>, vector<16xf32>,
      tpu.vector_store %arg5[%swap3A_155, %swap3A_156], %broadcast_in_dim3A_3 {strides = array<i32>} : memref<24x128xf32, #tpu.memory_space<vmem>>, vector<16xf32>,
      %swap3A_158 = arith.constant 4 : i32
      %swap3A_159 = arith.index_cast %swap3A_158 : i32 to index
      %swap3A_160 = arith.constant 64 : index
      %swap3A_161 = tpu.vector_load %arg5[%swap3A_159, %swap3A_160] {strides = array<i32>} : memref<24x128xf32, #tpu.memory_space<vmem>>, vector<16xf32>,
      tpu.vector_store %arg5[%swap3A_159, %swap3A_160], %broadcast_in_dim3A_3 {strides = array<i32>} : memref<24x128xf32, #tpu.memory_space<vmem>>, vector<16xf32>,
      %swap3A_162 = arith.constant 4 : i32
      %swap3A_163 = arith.index_cast %swap3A_162 : i32 to index
      %swap3A_164 = arith.constant 80 : index
      %swap3A_165 = tpu.vector_load %arg5[%swap3A_163, %swap3A_164] {strides = array<i32>} : memref<24x128xf32, #tpu.memory_space<vmem>>, vector<16xf32>,
      tpu.vector_store %arg5[%swap3A_163, %swap3A_164], %broadcast_in_dim3A_3 {strides = array<i32>} : memref<24x128xf32, #tpu.memory_space<vmem>>, vector<16xf32>,
      %swap3A_166 = arith.constant 4 : i32
      %swap3A_167 = arith.index_cast %swap3A_166 : i32 to index
      %swap3A_168 = arith.constant 96 : index
      %swap3A_169 = tpu.vector_load %arg5[%swap3A_167, %swap3A_168] {strides = array<i32>} : memref<24x128xf32, #tpu.memory_space<vmem>>, vector<16xf32>,
      tpu.vector_store %arg5[%swap3A_167, %swap3A_168], %broadcast_in_dim3A_3 {strides = array<i32>} : memref<24x128xf32, #tpu.memory_space<vmem>>, vector<16xf32>,
      %swap3A_170 = arith.constant 4 : i32
      %swap3A_171 = arith.index_cast %swap3A_170 : i32 to index
      %swap3A_172 = arith.constant 112 : index
      %swap3A_173 = tpu.vector_load %arg5[%swap3A_171, %swap3A_172] {strides = array<i32>} : memref<24x128xf32, #tpu.memory_space<vmem>>, vector<16xf32>,
      tpu.vector_store %arg5[%swap3A_171, %swap3A_172], %broadcast_in_dim3A_3 {strides = array<i32>} : memref<24x128xf32, #tpu.memory_space<vmem>>, vector<16xf32>,
      %swap3A_174 = arith.constant 5 : i32
      %swap3A_175 = arith.index_cast %swap3A_174 : i32 to index
      %swap3A_176 = arith.constant 0 : index
      %swap3A_177 = tpu.vector_load %arg5[%swap3A_175, %swap3A_176] {strides = array<i32>} : memref<24x128xf32, #tpu.memory_space<vmem>>, vector<16xf32>,
      tpu.vector_store %arg5[%swap3A_175, %swap3A_176], %broadcast_in_dim3A_3 {strides = array<i32>} : memref<24x128xf32, #tpu.memory_space<vmem>>, vector<16xf32>,
      %swap3A_178 = arith.constant 5 : i32
      %swap3A_179 = arith.index_cast %swap3A_178 : i32 to index
      %swap3A_180 = arith.constant 16 : index
      %swap3A_181 = tpu.vector_load %arg5[%swap3A_179, %swap3A_180] {strides = array<i32>} : memref<24x128xf32, #tpu.memory_space<vmem>>, vector<16xf32>,
      tpu.vector_store %arg5[%swap3A_179, %swap3A_180], %broadcast_in_dim3A_3 {strides = array<i32>} : memref<24x128xf32, #tpu.memory_space<vmem>>, vector<16xf32>,
      %swap3A_182 = arith.constant 5 : i32
      %swap3A_183 = arith.index_cast %swap3A_182 : i32 to index
      %swap3A_184 = arith.constant 32 : index
      %swap3A_185 = tpu.vector_load %arg5[%swap3A_183, %swap3A_184] {strides = array<i32>} : memref<24x128xf32, #tpu.memory_space<vmem>>, vector<16xf32>,
      tpu.vector_store %arg5[%swap3A_183, %swap3A_184], %broadcast_in_dim3A_3 {strides = array<i32>} : memref<24x128xf32, #tpu.memory_space<vmem>>, vector<16xf32>,
      %swap3A_186 = arith.constant 5 : i32
      %swap3A_187 = arith.index_cast %swap3A_186 : i32 to index
      %swap3A_188 = arith.constant 48 : index
      %swap3A_189 = tpu.vector_load %arg5[%swap3A_187, %swap3A_188] {strides = array<i32>} : memref<24x128xf32, #tpu.memory_space<vmem>>, vector<16xf32>,
      tpu.vector_store %arg5[%swap3A_187, %swap3A_188], %broadcast_in_dim3A_3 {strides = array<i32>} : memref<24x128xf32, #tpu.memory_space<vmem>>, vector<16xf32>,
      %swap3A_190 = arith.constant 5 : i32
      %swap3A_191 = arith.index_cast %swap3A_190 : i32 to index
      %swap3A_192 = arith.constant 64 : index
      %swap3A_193 = tpu.vector_load %arg5[%swap3A_191, %swap3A_192] {strides = array<i32>} : memref<24x128xf32, #tpu.memory_space<vmem>>, vector<16xf32>,
      tpu.vector_store %arg5[%swap3A_191, %swap3A_192], %broadcast_in_dim3A_3 {strides = array<i32>} : memref<24x128xf32, #tpu.memory_space<vmem>>, vector<16xf32>,
      %swap3A_194 = arith.constant 5 : i32
      %swap3A_195 = arith.index_cast %swap3A_194 : i32 to index
      %swap3A_196 = arith.constant 80 : index
      %swap3A_197 = tpu.vector_load %arg5[%swap3A_195, %swap3A_196] {strides = array<i32>} : memref<24x128xf32, #tpu.memory_space<vmem>>, vector<16xf32>,
      tpu.vector_store %arg5[%swap3A_195, %swap3A_196], %broadcast_in_dim3A_3 {strides = array<i32>} : memref<24x128xf32, #tpu.memory_space<vmem>>, vector<16xf32>,
      %swap3A_198 = arith.constant 5 : i32
      %swap3A_199 = arith.index_cast %swap3A_198 : i32 to index
      %swap3A_200 = arith.constant 96 : index
      %swap3A_201 = tpu.vector_load %arg5[%swap3A_199, %swap3A_200] {strides = array<i32>} : memref<24x128xf32, #tpu.memory_space<vmem>>, vector<16xf32>,
      tpu.vector_store %arg5[%swap3A_199, %swap3A_200], %broadcast_in_dim3A_3 {strides = array<i32>} : memref<24x128xf32, #tpu.memory_space<vmem>>, vector<16xf32>,
      %swap3A_202 = arith.constant 5 : i32
      %swap3A_203 = arith.index_cast %swap3A_202 : i32 to index
      %swap3A_204 = arith.constant 112 : index
      %swap3A_205 = tpu.vector_load %arg5[%swap3A_203, %swap3A_204] {strides = array<i32>} : memref<24x128xf32, #tpu.memory_space<vmem>>, vector<16xf32>,
      tpu.vector_store %arg5[%swap3A_203, %swap3A_204], %broadcast_in_dim3A_3 {strides = array<i32>} : memref<24x128xf32, #tpu.memory_space<vmem>>, vector<16xf32>,
      %swap3A_206 = arith.constant 6 : i32
      %swap3A_207 = arith.index_cast %swap3A_206 : i32 to index
      %swap3A_208 = arith.constant 0 : index
      %swap3A_209 = tpu.vector_load %arg5[%swap3A_207, %swap3A_208] {strides = array<i32>} : memref<24x128xf32, #tpu.memory_space<vmem>>, vector<16xf32>,
      tpu.vector_store %arg5[%swap3A_207, %swap3A_208], %broadcast_in_dim3A_3 {strides = array<i32>} : memref<24x128xf32, #tpu.memory_space<vmem>>, vector<16xf32>,
      %swap3A_210 = arith.constant 6 : i32
      %swap3A_211 = arith.index_cast %swap3A_210 : i32 to index
      %swap3A_212 = arith.constant 16 : index
      %swap3A_213 = tpu.vector_load %arg5[%swap3A_211, %swap3A_212] {strides = array<i32>} : memref<24x128xf32, #tpu.memory_space<vmem>>, vector<16xf32>,
      tpu.vector_store %arg5[%swap3A_211, %swap3A_212], %broadcast_in_dim3A_3 {strides = array<i32>} : memref<24x128xf32, #tpu.memory_space<vmem>>, vector<16xf32>,
      %swap3A_214 = arith.constant 6 : i32
      %swap3A_215 = arith.index_cast %swap3A_214 : i32 to index
      %swap3A_216 = arith.constant 32 : index
      %swap3A_217 = tpu.vector_load %arg5[%swap3A_215, %swap3A_216] {strides = array<i32>} : memref<24x128xf32, #tpu.memory_space<vmem>>, vector<16xf32>,
      tpu.vector_store %arg5[%swap3A_215, %swap3A_216], %broadcast_in_dim3A_3 {strides = array<i32>} : memref<24x128xf32, #tpu.memory_space<vmem>>, vector<16xf32>,
      %swap3A_218 = arith.constant 6 : i32
      %swap3A_219 = arith.index_cast %swap3A_218 : i32 to index
      %swap3A_220 = arith.constant 48 : index
      %swap3A_221 = tpu.vector_load %arg5[%swap3A_219, %swap3A_220] {strides = array<i32>} : memref<24x128xf32, #tpu.memory_space<vmem>>, vector<16xf32>,
      tpu.vector_store %arg5[%swap3A_219, %swap3A_220], %broadcast_in_dim3A_3 {strides = array<i32>} : memref<24x128xf32, #tpu.memory_space<vmem>>, vector<16xf32>,
      %swap3A_222 = arith.constant 6 : i32
      %swap3A_223 = arith.index_cast %swap3A_222 : i32 to index
      %swap3A_224 = arith.constant 64 : index
      %swap3A_225 = tpu.vector_load %arg5[%swap3A_223, %swap3A_224] {strides = array<i32>} : memref<24x128xf32, #tpu.memory_space<vmem>>, vector<16xf32>,
      tpu.vector_store %arg5[%swap3A_223, %swap3A_224], %broadcast_in_dim3A_3 {strides = array<i32>} : memref<24x128xf32, #tpu.memory_space<vmem>>, vector<16xf32>,
      %swap3A_226 = arith.constant 6 : i32
      %swap3A_227 = arith.index_cast %swap3A_226 : i32 to index
      %swap3A_228 = arith.constant 80 : index
      %swap3A_229 = tpu.vector_load %arg5[%swap3A_227, %swap3A_228] {strides = array<i32>} : memref<24x128xf32, #tpu.memory_space<vmem>>, vector<16xf32>,
      tpu.vector_store %arg5[%swap3A_227, %swap3A_228], %broadcast_in_dim3A_3 {strides = array<i32>} : memref<24x128xf32, #tpu.memory_space<vmem>>, vector<16xf32>,
      %swap3A_230 = arith.constant 6 : i32
      %swap3A_231 = arith.index_cast %swap3A_230 : i32 to index
      %swap3A_232 = arith.constant 96 : index
      %swap3A_233 = tpu.vector_load %arg5[%swap3A_231, %swap3A_232] {strides = array<i32>} : memref<24x128xf32, #tpu.memory_space<vmem>>, vector<16xf32>,
      tpu.vector_store %arg5[%swap3A_231, %swap3A_232], %broadcast_in_dim3A_3 {strides = array<i32>} : memref<24x128xf32, #tpu.memory_space<vmem>>, vector<16xf32>,
      %swap3A_234 = arith.constant 6 : i32
      %swap3A_235 = arith.index_cast %swap3A_234 : i32 to index
      %swap3A_236 = arith.constant 112 : index
      %swap3A_237 = tpu.vector_load %arg5[%swap3A_235, %swap3A_236] {strides = array<i32>} : memref<24x128xf32, #tpu.memory_space<vmem>>, vector<16xf32>,
      tpu.vector_store %arg5[%swap3A_235, %swap3A_236], %broadcast_in_dim3A_3 {strides = array<i32>} : memref<24x128xf32, #tpu.memory_space<vmem>>, vector<16xf32>,
      %swap3A_238 = arith.constant 7 : i32
      %swap3A_239 = arith.index_cast %swap3A_238 : i32 to index
      %swap3A_240 = arith.constant 0 : index
      %swap3A_241 = tpu.vector_load %arg5[%swap3A_239, %swap3A_240] {strides = array<i32>} : memref<24x128xf32, #tpu.memory_space<vmem>>, vector<16xf32>,
      tpu.vector_store %arg5[%swap3A_239, %swap3A_240], %broadcast_in_dim3A_3 {strides = array<i32>} : memref<24x128xf32, #tpu.memory_space<vmem>>, vector<16xf32>,
      %swap3A_242 = arith.constant 7 : i32
      %swap3A_243 = arith.index_cast %swap3A_242 : i32 to index
      %swap3A_244 = arith.constant 16 : index
      %swap3A_245 = tpu.vector_load %arg5[%swap3A_243, %swap3A_244] {strides = array<i32>} : memref<24x128xf32, #tpu.memory_space<vmem>>, vector<16xf32>,
      tpu.vector_store %arg5[%swap3A_243, %swap3A_244], %broadcast_in_dim3A_3 {strides = array<i32>} : memref<24x128xf32, #tpu.memory_space<vmem>>, vector<16xf32>,
      %swap3A_246 = arith.constant 7 : i32
      %swap3A_247 = arith.index_cast %swap3A_246 : i32 to index
      %swap3A_248 = arith.constant 32 : index
      %swap3A_249 = tpu.vector_load %arg5[%swap3A_247, %swap3A_248] {strides = array<i32>} : memref<24x128xf32, #tpu.memory_space<vmem>>, vector<16xf32>,
      tpu.vector_store %arg5[%swap3A_247, %swap3A_248], %broadcast_in_dim3A_3 {strides = array<i32>} : memref<24x128xf32, #tpu.memory_space<vmem>>, vector<16xf32>,
      %swap3A_250 = arith.constant 7 : i32
      %swap3A_251 = arith.index_cast %swap3A_250 : i32 to index
      %swap3A_252 = arith.constant 48 : index
      %swap3A_253 = tpu.vector_load %arg5[%swap3A_251, %swap3A_252] {strides = array<i32>} : memref<24x128xf32, #tpu.memory_space<vmem>>, vector<16xf32>,
      tpu.vector_store %arg5[%swap3A_251, %swap3A_252], %broadcast_in_dim3A_3 {strides = array<i32>} : memref<24x128xf32, #tpu.memory_space<vmem>>, vector<16xf32>,
      %swap3A_254 = arith.constant 7 : i32
      %swap3A_255 = arith.index_cast %swap3A_254 : i32 to index
      %swap3A_256 = arith.constant 64 : index
      %swap3A_257 = tpu.vector_load %arg5[%swap3A_255, %swap3A_256] {strides = array<i32>} : memref<24x128xf32, #tpu.memory_space<vmem>>, vector<16xf32>,
      tpu.vector_store %arg5[%swap3A_255, %swap3A_256], %broadcast_in_dim3A_3 {strides = array<i32>} : memref<24x128xf32, #tpu.memory_space<vmem>>, vector<16xf32>,
      %swap3A_258 = arith.constant 7 : i32
      %swap3A_259 = arith.index_cast %swap3A_258 : i32 to index
      %swap3A_260 = arith.constant 80 : index
      %swap3A_261 = tpu.vector_load %arg5[%swap3A_259, %swap3A_260] {strides = array<i32>} : memref<24x128xf32, #tpu.memory_space<vmem>>, vector<16xf32>,
      tpu.vector_store %arg5[%swap3A_259, %swap3A_260], %broadcast_in_dim3A_3 {strides = array<i32>} : memref<24x128xf32, #tpu.memory_space<vmem>>, vector<16xf32>,
      %swap3A_262 = arith.constant 7 : i32
      %swap3A_263 = arith.index_cast %swap3A_262 : i32 to index
      %swap3A_264 = arith.constant 96 : index
      %swap3A_265 = tpu.vector_load %arg5[%swap3A_263, %swap3A_264] {strides = array<i32>} : memref<24x128xf32, #tpu.memory_space<vmem>>, vector<16xf32>,
      tpu.vector_store %arg5[%swap3A_263, %swap3A_264], %broadcast_in_dim3A_3 {strides = array<i32>} : memref<24x128xf32, #tpu.memory_space<vmem>>, vector<16xf32>,
      %swap3A_266 = arith.constant 7 : i32
      %swap3A_267 = arith.index_cast %swap3A_266 : i32 to index
      %swap3A_268 = arith.constant 112 : index
      %swap3A_269 = tpu.vector_load %arg5[%swap3A_267, %swap3A_268] {strides = array<i32>} : memref<24x128xf32, #tpu.memory_space<vmem>>, vector<16xf32>,
      tpu.vector_store %arg5[%swap3A_267, %swap3A_268], %broadcast_in_dim3A_3 {strides = array<i32>} : memref<24x128xf32, #tpu.memory_space<vmem>>, vector<16xf32>,
      %swap3A_270 = arith.constant 8 : i32
      %swap3A_271 = arith.index_cast %swap3A_270 : i32 to index
      %swap3A_272 = arith.constant 0 : index
      %swap3A_273 = tpu.vector_load %arg5[%swap3A_271, %swap3A_272] {strides = array<i32>} : memref<24x128xf32, #tpu.memory_space<vmem>>, vector<16xf32>,
      tpu.vector_store %arg5[%swap3A_271, %swap3A_272], %broadcast_in_dim3A_3 {strides = array<i32>} : memref<24x128xf32, #tpu.memory_space<vmem>>, vector<16xf32>,
      %swap3A_274 = arith.constant 8 : i32
      %swap3A_275 = arith.index_cast %swap3A_274 : i32 to index
      %swap3A_276 = arith.constant 16 : index
      %swap3A_277 = tpu.vector_load %arg5[%swap3A_275, %swap3A_276] {strides = array<i32>} : memref<24x128xf32, #tpu.memory_space<vmem>>, vector<16xf32>,
      tpu.vector_store %arg5[%swap3A_275, %swap3A_276], %broadcast_in_dim3A_3 {strides = array<i32>} : memref<24x128xf32, #tpu.memory_space<vmem>>, vector<16xf32>,
      %swap3A_278 = arith.constant 8 : i32
      %swap3A_279 = arith.index_cast %swap3A_278 : i32 to index
      %swap3A_280 = arith.constant 32 : index
      %swap3A_281 = tpu.vector_load %arg5[%swap3A_279, %swap3A_280] {strides = array<i32>} : memref<24x128xf32, #tpu.memory_space<vmem>>, vector<16xf32>,
      tpu.vector_store %arg5[%swap3A_279, %swap3A_280], %broadcast_in_dim3A_3 {strides = array<i32>} : memref<24x128xf32, #tpu.memory_space<vmem>>, vector<16xf32>,
      %swap3A_282 = arith.constant 8 : i32
      %swap3A_283 = arith.index_cast %swap3A_282 : i32 to index
      %swap3A_284 = arith.constant 48 : index
      %swap3A_285 = tpu.vector_load %arg5[%swap3A_283, %swap3A_284] {strides = array<i32>} : memref<24x128xf32, #tpu.memory_space<vmem>>, vector<16xf32>,
      tpu.vector_store %arg5[%swap3A_283, %swap3A_284], %broadcast_in_dim3A_3 {strides = array<i32>} : memref<24x128xf32, #tpu.memory_space<vmem>>, vector<16xf32>,
      %swap3A_286 = arith.constant 8 : i32
      %swap3A_287 = arith.index_cast %swap3A_286 : i32 to index
      %swap3A_288 = arith.constant 64 : index
      %swap3A_289 = tpu.vector_load %arg5[%swap3A_287, %swap3A_288] {strides = array<i32>} : memref<24x128xf32, #tpu.memory_space<vmem>>, vector<16xf32>,
      tpu.vector_store %arg5[%swap3A_287, %swap3A_288], %broadcast_in_dim3A_3 {strides = array<i32>} : memref<24x128xf32, #tpu.memory_space<vmem>>, vector<16xf32>,
      %swap3A_290 = arith.constant 8 : i32
      %swap3A_291 = arith.index_cast %swap3A_290 : i32 to index
      %swap3A_292 = arith.constant 80 : index
      %swap3A_293 = tpu.vector_load %arg5[%swap3A_291, %swap3A_292] {strides = array<i32>} : memref<24x128xf32, #tpu.memory_space<vmem>>, vector<16xf32>,
      tpu.vector_store %arg5[%swap3A_291, %swap3A_292], %broadcast_in_dim3A_3 {strides = array<i32>} : memref<24x128xf32, #tpu.memory_space<vmem>>, vector<16xf32>,
      %swap3A_294 = arith.constant 8 : i32
      %swap3A_295 = arith.index_cast %swap3A_294 : i32 to index
      %swap3A_296 = arith.constant 96 : index
      %swap3A_297 = tpu.vector_load %arg5[%swap3A_295, %swap3A_296] {strides = array<i32>} : memref<24x128xf32, #tpu.memory_space<vmem>>, vector<16xf32>,
      tpu.vector_store %arg5[%swap3A_295, %swap3A_296], %broadcast_in_dim3A_3 {strides = array<i32>} : memref<24x128xf32, #tpu.memory_space<vmem>>, vector<16xf32>,
      %swap3A_298 = arith.constant 8 : i32
      %swap3A_299 = arith.index_cast %swap3A_298 : i32 to index
      %swap3A_300 = arith.constant 112 : index
      %swap3A_301 = tpu.vector_load %arg5[%swap3A_299, %swap3A_300] {strides = array<i32>} : memref<24x128xf32, #tpu.memory_space<vmem>>, vector<16xf32>,
      tpu.vector_store %arg5[%swap3A_299, %swap3A_300], %broadcast_in_dim3A_3 {strides = array<i32>} : memref<24x128xf32, #tpu.memory_space<vmem>>, vector<16xf32>,
      %swap3A_302 = arith.constant 9 : i32
      %swap3A_303 = arith.index_cast %swap3A_302 : i32 to index
      %swap3A_304 = arith.constant 0 : index
      %swap3A_305 = tpu.vector_load %arg5[%swap3A_303, %swap3A_304] {strides = array<i32>} : memref<24x128xf32, #tpu.memory_space<vmem>>, vector<16xf32>,
      tpu.vector_store %arg5[%swap3A_303, %swap3A_304], %broadcast_in_dim3A_3 {strides = array<i32>} : memref<24x128xf32, #tpu.memory_space<vmem>>, vector<16xf32>,
      %swap3A_306 = arith.constant 9 : i32
      %swap3A_307 = arith.index_cast %swap3A_306 : i32 to index
      %swap3A_308 = arith.constant 16 : index
      %swap3A_309 = tpu.vector_load %arg5[%swap3A_307, %swap3A_308] {strides = array<i32>} : memref<24x128xf32, #tpu.memory_space<vmem>>, vector<16xf32>,
      tpu.vector_store %arg5[%swap3A_307, %swap3A_308], %broadcast_in_dim3A_3 {strides = array<i32>} : memref<24x128xf32, #tpu.memory_space<vmem>>, vector<16xf32>,
      %swap3A_310 = arith.constant 9 : i32
      %swap3A_311 = arith.index_cast %swap3A_310 : i32 to index
      %swap3A_312 = arith.constant 32 : index
      %swap3A_313 = tpu.vector_load %arg5[%swap3A_311, %swap3A_312] {strides = array<i32>} : memref<24x128xf32, #tpu.memory_space<vmem>>, vector<16xf32>,
      tpu.vector_store %arg5[%swap3A_311, %swap3A_312], %broadcast_in_dim3A_3 {strides = array<i32>} : memref<24x128xf32, #tpu.memory_space<vmem>>, vector<16xf32>,
      %swap3A_314 = arith.constant 9 : i32
      %swap3A_315 = arith.index_cast %swap3A_314 : i32 to index
      %swap3A_316 = arith.constant 48 : index
      %swap3A_317 = tpu.vector_load %arg5[%swap3A_315, %swap3A_316] {strides = array<i32>} : memref<24x128xf32, #tpu.memory_space<vmem>>, vector<16xf32>,
      tpu.vector_store %arg5[%swap3A_315, %swap3A_316], %broadcast_in_dim3A_3 {strides = array<i32>} : memref<24x128xf32, #tpu.memory_space<vmem>>, vector<16xf32>,
      %swap3A_318 = arith.constant 9 : i32
      %swap3A_319 = arith.index_cast %swap3A_318 : i32 to index
      %swap3A_320 = arith.constant 64 : index
      %swap3A_321 = tpu.vector_load %arg5[%swap3A_319, %swap3A_320] {strides = array<i32>} : memref<24x128xf32, #tpu.memory_space<vmem>>, vector<16xf32>,
      tpu.vector_store %arg5[%swap3A_319, %swap3A_320], %broadcast_in_dim3A_3 {strides = array<i32>} : memref<24x128xf32, #tpu.memory_space<vmem>>, vector<16xf32>,
      %swap3A_322 = arith.constant 9 : i32
      %swap3A_323 = arith.index_cast %swap3A_322 : i32 to index
      %swap3A_324 = arith.constant 80 : index
      %swap3A_325 = tpu.vector_load %arg5[%swap3A_323, %swap3A_324] {strides = array<i32>} : memref<24x128xf32, #tpu.memory_space<vmem>>, vector<16xf32>,
      tpu.vector_store %arg5[%swap3A_323, %swap3A_324], %broadcast_in_dim3A_3 {strides = array<i32>} : memref<24x128xf32, #tpu.memory_space<vmem>>, vector<16xf32>,
      %swap3A_326 = arith.constant 9 : i32
      %swap3A_327 = arith.index_cast %swap3A_326 : i32 to index
      %swap3A_328 = arith.constant 96 : index
      %swap3A_329 = tpu.vector_load %arg5[%swap3A_327, %swap3A_328] {strides = array<i32>} : memref<24x128xf32, #tpu.memory_space<vmem>>, vector<16xf32>,
      tpu.vector_store %arg5[%swap3A_327, %swap3A_328], %broadcast_in_dim3A_3 {strides = array<i32>} : memref<24x128xf32, #tpu.memory_space<vmem>>, vector<16xf32>,
      %swap3A_330 = arith.constant 9 : i32
      %swap3A_331 = arith.index_cast %swap3A_330 : i32 to index
      %swap3A_332 = arith.constant 112 : index
      %swap3A_333 = tpu.vector_load %arg5[%swap3A_331, %swap3A_332] {strides = array<i32>} : memref<24x128xf32, #tpu.memory_space<vmem>>, vector<16xf32>,
      tpu.vector_store %arg5[%swap3A_331, %swap3A_332], %broadcast_in_dim3A_3 {strides = array<i32>} : memref<24x128xf32, #tpu.memory_space<vmem>>, vector<16xf32>,
      %swap3A_334 = arith.constant 10 : i32
      %swap3A_335 = arith.index_cast %swap3A_334 : i32 to index
      %swap3A_336 = arith.constant 0 : index
      %swap3A_337 = tpu.vector_load %arg5[%swap3A_335, %swap3A_336] {strides = array<i32>} : memref<24x128xf32, #tpu.memory_space<vmem>>, vector<16xf32>,
      tpu.vector_store %arg5[%swap3A_335, %swap3A_336], %broadcast_in_dim3A_3 {strides = array<i32>} : memref<24x128xf32, #tpu.memory_space<vmem>>, vector<16xf32>,
      %swap3A_338 = arith.constant 10 : i32
      %swap3A_339 = arith.index_cast %swap3A_338 : i32 to index
      %swap3A_340 = arith.constant 16 : index
      %swap3A_341 = tpu.vector_load %arg5[%swap3A_339, %swap3A_340] {strides = array<i32>} : memref<24x128xf32, #tpu.memory_space<vmem>>, vector<16xf32>,
      tpu.vector_store %arg5[%swap3A_339, %swap3A_340], %broadcast_in_dim3A_3 {strides = array<i32>} : memref<24x128xf32, #tpu.memory_space<vmem>>, vector<16xf32>,
      %swap3A_342 = arith.constant 10 : i32
      %swap3A_343 = arith.index_cast %swap3A_342 : i32 to index
      %swap3A_344 = arith.constant 32 : index
      %swap3A_345 = tpu.vector_load %arg5[%swap3A_343, %swap3A_344] {strides = array<i32>} : memref<24x128xf32, #tpu.memory_space<vmem>>, vector<16xf32>,
      tpu.vector_store %arg5[%swap3A_343, %swap3A_344], %broadcast_in_dim3A_3 {strides = array<i32>} : memref<24x128xf32, #tpu.memory_space<vmem>>, vector<16xf32>,
      %swap3A_346 = arith.constant 10 : i32
      %swap3A_347 = arith.index_cast %swap3A_346 : i32 to index
      %swap3A_348 = arith.constant 48 : index
      %swap3A_349 = tpu.vector_load %arg5[%swap3A_347, %swap3A_348] {strides = array<i32>} : memref<24x128xf32, #tpu.memory_space<vmem>>, vector<16xf32>,
      tpu.vector_store %arg5[%swap3A_347, %swap3A_348], %broadcast_in_dim3A_3 {strides = array<i32>} : memref<24x128xf32, #tpu.memory_space<vmem>>, vector<16xf32>,
      %swap3A_350 = arith.constant 10 : i32
      %swap3A_351 = arith.index_cast %swap3A_350 : i32 to index
      %swap3A_352 = arith.constant 64 : index
      %swap3A_353 = tpu.vector_load %arg5[%swap3A_351, %swap3A_352] {strides = array<i32>} : memref<24x128xf32, #tpu.memory_space<vmem>>, vector<16xf32>,
      tpu.vector_store %arg5[%swap3A_351, %swap3A_352], %broadcast_in_dim3A_3 {strides = array<i32>} : memref<24x128xf32, #tpu.memory_space<vmem>>, vector<16xf32>,
      %swap3A_354 = arith.constant 10 : i32
      %swap3A_355 = arith.index_cast %swap3A_354 : i32 to index
      %swap3A_356 = arith.constant 80 : index
      %swap3A_357 = tpu.vector_load %arg5[%swap3A_355, %swap3A_356] {strides = array<i32>} : memref<24x128xf32, #tpu.memory_space<vmem>>, vector<16xf32>,
      tpu.vector_store %arg5[%swap3A_355, %swap3A_356], %broadcast_in_dim3A_3 {strides = array<i32>} : memref<24x128xf32, #tpu.memory_space<vmem>>, vector<16xf32>,
      %swap3A_358 = arith.constant 10 : i32
      %swap3A_359 = arith.index_cast %swap3A_358 : i32 to index
      %swap3A_360 = arith.constant 96 : index
      %swap3A_361 = tpu.vector_load %arg5[%swap3A_359, %swap3A_360] {strides = array<i32>} : memref<24x128xf32, #tpu.memory_space<vmem>>, vector<16xf32>,
      tpu.vector_store %arg5[%swap3A_359, %swap3A_360], %broadcast_in_dim3A_3 {strides = array<i32>} : memref<24x128xf32, #tpu.memory_space<vmem>>, vector<16xf32>,
      %swap3A_362 = arith.constant 10 : i32
      %swap3A_363 = arith.index_cast %swap3A_362 : i32 to index
      %swap3A_364 = arith.constant 112 : index
      %swap3A_365 = tpu.vector_load %arg5[%swap3A_363, %swap3A_364] {strides = array<i32>} : memref<24x128xf32, #tpu.memory_space<vmem>>, vector<16xf32>,
      tpu.vector_store %arg5[%swap3A_363, %swap3A_364], %broadcast_in_dim3A_3 {strides = array<i32>} : memref<24x128xf32, #tpu.memory_space<vmem>>, vector<16xf32>,
      %swap3A_366 = arith.constant 11 : i32
      %swap3A_367 = arith.index_cast %swap3A_366 : i32 to index
      %swap3A_368 = arith.constant 0 : index
      %swap3A_369 = tpu.vector_load %arg5[%swap3A_367, %swap3A_368] {strides = array<i32>} : memref<24x128xf32, #tpu.memory_space<vmem>>, vector<16xf32>,
      tpu.vector_store %arg5[%swap3A_367, %swap3A_368], %broadcast_in_dim3A_3 {strides = array<i32>} : memref<24x128xf32, #tpu.memory_space<vmem>>, vector<16xf32>,
      %swap3A_370 = arith.constant 11 : i32
      %swap3A_371 = arith.index_cast %swap3A_370 : i32 to index
      %swap3A_372 = arith.constant 16 : index
      %swap3A_373 = tpu.vector_load %arg5[%swap3A_371, %swap3A_372] {strides = array<i32>} : memref<24x128xf32, #tpu.memory_space<vmem>>, vector<16xf32>,
      tpu.vector_store %arg5[%swap3A_371, %swap3A_372], %broadcast_in_dim3A_3 {strides = array<i32>} : memref<24x128xf32, #tpu.memory_space<vmem>>, vector<16xf32>,
      %swap3A_374 = arith.constant 11 : i32
      %swap3A_375 = arith.index_cast %swap3A_374 : i32 to index
      %swap3A_376 = arith.constant 32 : index
      %swap3A_377 = tpu.vector_load %arg5[%swap3A_375, %swap3A_376] {strides = array<i32>} : memref<24x128xf32, #tpu.memory_space<vmem>>, vector<16xf32>,
      tpu.vector_store %arg5[%swap3A_375, %swap3A_376], %broadcast_in_dim3A_3 {strides = array<i32>} : memref<24x128xf32, #tpu.memory_space<vmem>>, vector<16xf32>,
      %swap3A_378 = arith.constant 11 : i32
      %swap3A_379 = arith.index_cast %swap3A_378 : i32 to index
      %swap3A_380 = arith.constant 48 : index
      %swap3A_381 = tpu.vector_load %arg5[%swap3A_379, %swap3A_380] {strides = array<i32>} : memref<24x128xf32, #tpu.memory_space<vmem>>, vector<16xf32>,
      tpu.vector_store %arg5[%swap3A_379, %swap3A_380], %broadcast_in_dim3A_3 {strides = array<i32>} : memref<24x128xf32, #tpu.memory_space<vmem>>, vector<16xf32>,
      %swap3A_382 = arith.constant 11 : i32
      %swap3A_383 = arith.index_cast %swap3A_382 : i32 to index
      %swap3A_384 = arith.constant 64 : index
      %swap3A_385 = tpu.vector_load %arg5[%swap3A_383, %swap3A_384] {strides = array<i32>} : memref<24x128xf32, #tpu.memory_space<vmem>>, vector<16xf32>,
      tpu.vector_store %arg5[%swap3A_383, %swap3A_384], %broadcast_in_dim3A_3 {strides = array<i32>} : memref<24x128xf32, #tpu.memory_space<vmem>>, vector<16xf32>,
      %swap3A_386 = arith.constant 11 : i32
      %swap3A_387 = arith.index_cast %swap3A_386 : i32 to index
      %swap3A_388 = arith.constant 80 : index
      %swap3A_389 = tpu.vector_load %arg5[%swap3A_387, %swap3A_388] {strides = array<i32>} : memref<24x128xf32, #tpu.memory_space<vmem>>, vector<16xf32>,
      tpu.vector_store %arg5[%swap3A_387, %swap3A_388], %broadcast_in_dim3A_3 {strides = array<i32>} : memref<24x128xf32, #tpu.memory_space<vmem>>, vector<16xf32>,
      %swap3A_390 = arith.constant 11 : i32
      %swap3A_391 = arith.index_cast %swap3A_390 : i32 to index
      %swap3A_392 = arith.constant 96 : index
      %swap3A_393 = tpu.vector_load %arg5[%swap3A_391, %swap3A_392] {strides = array<i32>} : memref<24x128xf32, #tpu.memory_space<vmem>>, vector<16xf32>,
      tpu.vector_store %arg5[%swap3A_391, %swap3A_392], %broadcast_in_dim3A_3 {strides = array<i32>} : memref<24x128xf32, #tpu.memory_space<vmem>>, vector<16xf32>,
      %swap3A_394 = arith.constant 11 : i32
      %swap3A_395 = arith.index_cast %swap3A_394 : i32 to index
      %swap3A_396 = arith.constant 112 : index
      %swap3A_397 = tpu.vector_load %arg5[%swap3A_395, %swap3A_396] {strides = array<i32>} : memref<24x128xf32, #tpu.memory_space<vmem>>, vector<16xf32>,
      tpu.vector_store %arg5[%swap3A_395, %swap3A_396], %broadcast_in_dim3A_3 {strides = array<i32>} : memref<24x128xf32, #tpu.memory_space<vmem>>, vector<16xf32>,
      %swap3A_398 = arith.constant 12 : i32
      %swap3A_399 = arith.index_cast %swap3A_398 : i32 to index
      %swap3A_400 = arith.constant 0 : index
      %swap3A_401 = tpu.vector_load %arg5[%swap3A_399, %swap3A_400] {strides = array<i32>} : memref<24x128xf32, #tpu.memory_space<vmem>>, vector<16xf32>,
      tpu.vector_store %arg5[%swap3A_399, %swap3A_400], %broadcast_in_dim3A_3 {strides = array<i32>} : memref<24x128xf32, #tpu.memory_space<vmem>>, vector<16xf32>,
      %swap3A_402 = arith.constant 12 : i32
      %swap3A_403 = arith.index_cast %swap3A_402 : i32 to index
      %swap3A_404 = arith.constant 16 : index
      %swap3A_405 = tpu.vector_load %arg5[%swap3A_403, %swap3A_404] {strides = array<i32>} : memref<24x128xf32, #tpu.memory_space<vmem>>, vector<16xf32>,
      tpu.vector_store %arg5[%swap3A_403, %swap3A_404], %broadcast_in_dim3A_3 {strides = array<i32>} : memref<24x128xf32, #tpu.memory_space<vmem>>, vector<16xf32>,
      %swap3A_406 = arith.constant 12 : i32
      %swap3A_407 = arith.index_cast %swap3A_406 : i32 to index
      %swap3A_408 = arith.constant 32 : index
      %swap3A_409 = tpu.vector_load %arg5[%swap3A_407, %swap3A_408] {strides = array<i32>} : memref<24x128xf32, #tpu.memory_space<vmem>>, vector<16xf32>,
      tpu.vector_store %arg5[%swap3A_407, %swap3A_408], %broadcast_in_dim3A_3 {strides = array<i32>} : memref<24x128xf32, #tpu.memory_space<vmem>>, vector<16xf32>,
      %swap3A_410 = arith.constant 12 : i32
      %swap3A_411 = arith.index_cast %swap3A_410 : i32 to index
      %swap3A_412 = arith.constant 48 : index
      %swap3A_413 = tpu.vector_load %arg5[%swap3A_411, %swap3A_412] {strides = array<i32>} : memref<24x128xf32, #tpu.memory_space<vmem>>, vector<16xf32>,
      tpu.vector_store %arg5[%swap3A_411, %swap3A_412], %broadcast_in_dim3A_3 {strides = array<i32>} : memref<24x128xf32, #tpu.memory_space<vmem>>, vector<16xf32>,
      %swap3A_414 = arith.constant 12 : i32
      %swap3A_415 = arith.index_cast %swap3A_414 : i32 to index
      %swap3A_416 = arith.constant 64 : index
      %swap3A_417 = tpu.vector_load %arg5[%swap3A_415, %swap3A_416] {strides = array<i32>} : memref<24x128xf32, #tpu.memory_space<vmem>>, vector<16xf32>,
      tpu.vector_store %arg5[%swap3A_415, %swap3A_416], %broadcast_in_dim3A_3 {strides = array<i32>} : memref<24x128xf32, #tpu.memory_space<vmem>>, vector<16xf32>,
      %swap3A_418 = arith.constant 12 : i32
      %swap3A_419 = arith.index_cast %swap3A_418 : i32 to index
      %swap3A_420 = arith.constant 80 : index
      %swap3A_421 = tpu.vector_load %arg5[%swap3A_419, %swap3A_420] {strides = array<i32>} : memref<24x128xf32, #tpu.memory_space<vmem>>, vector<16xf32>,
      tpu.vector_store %arg5[%swap3A_419, %swap3A_420], %broadcast_in_dim3A_3 {strides = array<i32>} : memref<24x128xf32, #tpu.memory_space<vmem>>, vector<16xf32>,
      %swap3A_422 = arith.constant 12 : i32
      %swap3A_423 = arith.index_cast %swap3A_422 : i32 to index
      %swap3A_424 = arith.constant 96 : index
      %swap3A_425 = tpu.vector_load %arg5[%swap3A_423, %swap3A_424] {strides = array<i32>} : memref<24x128xf32, #tpu.memory_space<vmem>>, vector<16xf32>,
      tpu.vector_store %arg5[%swap3A_423, %swap3A_424], %broadcast_in_dim3A_3 {strides = array<i32>} : memref<24x128xf32, #tpu.memory_space<vmem>>, vector<16xf32>,
      %swap3A_426 = arith.constant 12 : i32
      %swap3A_427 = arith.index_cast %swap3A_426 : i32 to index
      %swap3A_428 = arith.constant 112 : index
      %swap3A_429 = tpu.vector_load %arg5[%swap3A_427, %swap3A_428] {strides = array<i32>} : memref<24x128xf32, #tpu.memory_space<vmem>>, vector<16xf32>,
      tpu.vector_store %arg5[%swap3A_427, %swap3A_428], %broadcast_in_dim3A_3 {strides = array<i32>} : memref<24x128xf32, #tpu.memory_space<vmem>>, vector<16xf32>,
      %swap3A_430 = arith.constant 13 : i32
      %swap3A_431 = arith.index_cast %swap3A_430 : i32 to index
      %swap3A_432 = arith.constant 0 : index
      %swap3A_433 = tpu.vector_load %arg5[%swap3A_431, %swap3A_432] {strides = array<i32>} : memref<24x128xf32, #tpu.memory_space<vmem>>, vector<16xf32>,
      tpu.vector_store %arg5[%swap3A_431, %swap3A_432], %broadcast_in_dim3A_3 {strides = array<i32>} : memref<24x128xf32, #tpu.memory_space<vmem>>, vector<16xf32>,
      %swap3A_434 = arith.constant 13 : i32
      %swap3A_435 = arith.index_cast %swap3A_434 : i32 to index
      %swap3A_436 = arith.constant 16 : index
      %swap3A_437 = tpu.vector_load %arg5[%swap3A_435, %swap3A_436] {strides = array<i32>} : memref<24x128xf32, #tpu.memory_space<vmem>>, vector<16xf32>,
      tpu.vector_store %arg5[%swap3A_435, %swap3A_436], %broadcast_in_dim3A_3 {strides = array<i32>} : memref<24x128xf32, #tpu.memory_space<vmem>>, vector<16xf32>,
      %swap3A_438 = arith.constant 13 : i32
      %swap3A_439 = arith.index_cast %swap3A_438 : i32 to index
      %swap3A_440 = arith.constant 32 : index
      %swap3A_441 = tpu.vector_load %arg5[%swap3A_439, %swap3A_440] {strides = array<i32>} : memref<24x128xf32, #tpu.memory_space<vmem>>, vector<16xf32>,
      tpu.vector_store %arg5[%swap3A_439, %swap3A_440], %broadcast_in_dim3A_3 {strides = array<i32>} : memref<24x128xf32, #tpu.memory_space<vmem>>, vector<16xf32>,
      %swap3A_442 = arith.constant 13 : i32
      %swap3A_443 = arith.index_cast %swap3A_442 : i32 to index
      %swap3A_444 = arith.constant 48 : index
      %swap3A_445 = tpu.vector_load %arg5[%swap3A_443, %swap3A_444] {strides = array<i32>} : memref<24x128xf32, #tpu.memory_space<vmem>>, vector<16xf32>,
      tpu.vector_store %arg5[%swap3A_443, %swap3A_444], %broadcast_in_dim3A_3 {strides = array<i32>} : memref<24x128xf32, #tpu.memory_space<vmem>>, vector<16xf32>,
      %swap3A_446 = arith.constant 13 : i32
      %swap3A_447 = arith.index_cast %swap3A_446 : i32 to index
      %swap3A_448 = arith.constant 64 : index
      %swap3A_449 = tpu.vector_load %arg5[%swap3A_447, %swap3A_448] {strides = array<i32>} : memref<24x128xf32, #tpu.memory_space<vmem>>, vector<16xf32>,
      tpu.vector_store %arg5[%swap3A_447, %swap3A_448], %broadcast_in_dim3A_3 {strides = array<i32>} : memref<24x128xf32, #tpu.memory_space<vmem>>, vector<16xf32>,
      %swap3A_450 = arith.constant 13 : i32
      %swap3A_451 = arith.index_cast %swap3A_450 : i32 to index
      %swap3A_452 = arith.constant 80 : index
      %swap3A_453 = tpu.vector_load %arg5[%swap3A_451, %swap3A_452] {strides = array<i32>} : memref<24x128xf32, #tpu.memory_space<vmem>>, vector<16xf32>,
      tpu.vector_store %arg5[%swap3A_451, %swap3A_452], %broadcast_in_dim3A_3 {strides = array<i32>} : memref<24x128xf32, #tpu.memory_space<vmem>>, vector<16xf32>,
      %swap3A_454 = arith.constant 13 : i32
      %swap3A_455 = arith.index_cast %swap3A_454 : i32 to index
      %swap3A_456 = arith.constant 96 : index
      %swap3A_457 = tpu.vector_load %arg5[%swap3A_455, %swap3A_456] {strides = array<i32>} : memref<24x128xf32, #tpu.memory_space<vmem>>, vector<16xf32>,
      tpu.vector_store %arg5[%swap3A_455, %swap3A_456], %broadcast_in_dim3A_3 {strides = array<i32>} : memref<24x128xf32, #tpu.memory_space<vmem>>, vector<16xf32>,
      %swap3A_458 = arith.constant 13 : i32
      %swap3A_459 = arith.index_cast %swap3A_458 : i32 to index
      %swap3A_460 = arith.constant 112 : index
      %swap3A_461 = tpu.vector_load %arg5[%swap3A_459, %swap3A_460] {strides = array<i32>} : memref<24x128xf32, #tpu.memory_space<vmem>>, vector<16xf32>,
      tpu.vector_store %arg5[%swap3A_459, %swap3A_460], %broadcast_in_dim3A_3 {strides = array<i32>} : memref<24x128xf32, #tpu.memory_space<vmem>>, vector<16xf32>,
      %swap3A_462 = arith.constant 14 : i32
      %swap3A_463 = arith.index_cast %swap3A_462 : i32 to index
      %swap3A_464 = arith.constant 0 : index
      %swap3A_465 = tpu.vector_load %arg5[%swap3A_463, %swap3A_464] {strides = array<i32>} : memref<24x128xf32, #tpu.memory_space<vmem>>, vector<16xf32>,
      tpu.vector_store %arg5[%swap3A_463, %swap3A_464], %broadcast_in_dim3A_3 {strides = array<i32>} : memref<24x128xf32, #tpu.memory_space<vmem>>, vector<16xf32>,
      %swap3A_466 = arith.constant 14 : i32
      %swap3A_467 = arith.index_cast %swap3A_466 : i32 to index
      %swap3A_468 = arith.constant 16 : index
      %swap3A_469 = tpu.vector_load %arg5[%swap3A_467, %swap3A_468] {strides = array<i32>} : memref<24x128xf32, #tpu.memory_space<vmem>>, vector<16xf32>,
      tpu.vector_store %arg5[%swap3A_467, %swap3A_468], %broadcast_in_dim3A_3 {strides = array<i32>} : memref<24x128xf32, #tpu.memory_space<vmem>>, vector<16xf32>,
      %swap3A_470 = arith.constant 14 : i32
      %swap3A_471 = arith.index_cast %swap3A_470 : i32 to index
      %swap3A_472 = arith.constant 32 : index
      %swap3A_473 = tpu.vector_load %arg5[%swap3A_471, %swap3A_472] {strides = array<i32>} : memref<24x128xf32, #tpu.memory_space<vmem>>, vector<16xf32>,
      tpu.vector_store %arg5[%swap3A_471, %swap3A_472], %broadcast_in_dim3A_3 {strides = array<i32>} : memref<24x128xf32, #tpu.memory_space<vmem>>, vector<16xf32>,
      %swap3A_474 = arith.constant 14 : i32
      %swap3A_475 = arith.index_cast %swap3A_474 : i32 to index
      %swap3A_476 = arith.constant 48 : index
      %swap3A_477 = tpu.vector_load %arg5[%swap3A_475, %swap3A_476] {strides = array<i32>} : memref<24x128xf32, #tpu.memory_space<vmem>>, vector<16xf32>,
      tpu.vector_store %arg5[%swap3A_475, %swap3A_476], %broadcast_in_dim3A_3 {strides = array<i32>} : memref<24x128xf32, #tpu.memory_space<vmem>>, vector<16xf32>,
      %swap3A_478 = arith.constant 14 : i32
      %swap3A_479 = arith.index_cast %swap3A_478 : i32 to index
      %swap3A_480 = arith.constant 64 : index
      %swap3A_481 = tpu.vector_load %arg5[%swap3A_479, %swap3A_480] {strides = array<i32>} : memref<24x128xf32, #tpu.memory_space<vmem>>, vector<16xf32>,
      tpu.vector_store %arg5[%swap3A_479, %swap3A_480], %broadcast_in_dim3A_3 {strides = array<i32>} : memref<24x128xf32, #tpu.memory_space<vmem>>, vector<16xf32>,
      %swap3A_482 = arith.constant 14 : i32
      %swap3A_483 = arith.index_cast %swap3A_482 : i32 to index
      %swap3A_484 = arith.constant 80 : index
      %swap3A_485 = tpu.vector_load %arg5[%swap3A_483, %swap3A_484] {strides = array<i32>} : memref<24x128xf32, #tpu.memory_space<vmem>>, vector<16xf32>,
      tpu.vector_store %arg5[%swap3A_483, %swap3A_484], %broadcast_in_dim3A_3 {strides = array<i32>} : memref<24x128xf32, #tpu.memory_space<vmem>>, vector<16xf32>,
      %swap3A_486 = arith.constant 14 : i32
      %swap3A_487 = arith.index_cast %swap3A_486 : i32 to index
      %swap3A_488 = arith.constant 96 : index
      %swap3A_489 = tpu.vector_load %arg5[%swap3A_487, %swap3A_488] {strides = array<i32>} : memref<24x128xf32, #tpu.memory_space<vmem>>, vector<16xf32>,
      tpu.vector_store %arg5[%swap3A_487, %swap3A_488], %broadcast_in_dim3A_3 {strides = array<i32>} : memref<24x128xf32, #tpu.memory_space<vmem>>, vector<16xf32>,
      %swap3A_490 = arith.constant 14 : i32
      %swap3A_491 = arith.index_cast %swap3A_490 : i32 to index
      %swap3A_492 = arith.constant 112 : index
      %swap3A_493 = tpu.vector_load %arg5[%swap3A_491, %swap3A_492] {strides = array<i32>} : memref<24x128xf32, #tpu.memory_space<vmem>>, vector<16xf32>,
      tpu.vector_store %arg5[%swap3A_491, %swap3A_492], %broadcast_in_dim3A_3 {strides = array<i32>} : memref<24x128xf32, #tpu.memory_space<vmem>>, vector<16xf32>,
      %swap3A_494 = arith.constant 15 : i32
      %swap3A_495 = arith.index_cast %swap3A_494 : i32 to index
      %swap3A_496 = arith.constant 0 : index
      %swap3A_497 = tpu.vector_load %arg5[%swap3A_495, %swap3A_496] {strides = array<i32>} : memref<24x128xf32, #tpu.memory_space<vmem>>, vector<16xf32>,
      tpu.vector_store %arg5[%swap3A_495, %swap3A_496], %broadcast_in_dim3A_3 {strides = array<i32>} : memref<24x128xf32, #tpu.memory_space<vmem>>, vector<16xf32>,
      %swap3A_498 = arith.constant 15 : i32
      %swap3A_499 = arith.index_cast %swap3A_498 : i32 to index
      %swap3A_500 = arith.constant 16 : index
      %swap3A_501 = tpu.vector_load %arg5[%swap3A_499, %swap3A_500] {strides = array<i32>} : memref<24x128xf32, #tpu.memory_space<vmem>>, vector<16xf32>,
      tpu.vector_store %arg5[%swap3A_499, %swap3A_500], %broadcast_in_dim3A_3 {strides = array<i32>} : memref<24x128xf32, #tpu.memory_space<vmem>>, vector<16xf32>,
      %swap3A_502 = arith.constant 15 : i32
      %swap3A_503 = arith.index_cast %swap3A_502 : i32 to index
      %swap3A_504 = arith.constant 32 : index
      %swap3A_505 = tpu.vector_load %arg5[%swap3A_503, %swap3A_504] {strides = array<i32>} : memref<24x128xf32, #tpu.memory_space<vmem>>, vector<16xf32>,
      tpu.vector_store %arg5[%swap3A_503, %swap3A_504], %broadcast_in_dim3A_3 {strides = array<i32>} : memref<24x128xf32, #tpu.memory_space<vmem>>, vector<16xf32>,
      %swap3A_506 = arith.constant 15 : i32
      %swap3A_507 = arith.index_cast %swap3A_506 : i32 to index
      %swap3A_508 = arith.constant 48 : index
      %swap3A_509 = tpu.vector_load %arg5[%swap3A_507, %swap3A_508] {strides = array<i32>} : memref<24x128xf32, #tpu.memory_space<vmem>>, vector<16xf32>,
      tpu.vector_store %arg5[%swap3A_507, %swap3A_508], %broadcast_in_dim3A_3 {strides = array<i32>} : memref<24x128xf32, #tpu.memory_space<vmem>>, vector<16xf32>,
      %swap3A_510 = arith.constant 15 : i32
      %swap3A_511 = arith.index_cast %swap3A_510 : i32 to index
      %swap3A_512 = arith.constant 64 : index
      %swap3A_513 = tpu.vector_load %arg5[%swap3A_511, %swap3A_512] {strides = array<i32>} : memref<24x128xf32, #tpu.memory_space<vmem>>, vector<16xf32>,
      tpu.vector_store %arg5[%swap3A_511, %swap3A_512], %broadcast_in_dim3A_3 {strides = array<i32>} : memref<24x128xf32, #tpu.memory_space<vmem>>, vector<16xf32>,
      %swap3A_514 = arith.constant 15 : i32
      %swap3A_515 = arith.index_cast %swap3A_514 : i32 to index
      %swap3A_516 = arith.constant 80 : index
      %swap3A_517 = tpu.vector_load %arg5[%swap3A_515, %swap3A_516] {strides = array<i32>} : memref<24x128xf32, #tpu.memory_space<vmem>>, vector<16xf32>,
      tpu.vector_store %arg5[%swap3A_515, %swap3A_516], %broadcast_in_dim3A_3 {strides = array<i32>} : memref<24x128xf32, #tpu.memory_space<vmem>>, vector<16xf32>,
      %swap3A_518 = arith.constant 15 : i32
      %swap3A_519 = arith.index_cast %swap3A_518 : i32 to index
      %swap3A_520 = arith.constant 96 : index
      %swap3A_521 = tpu.vector_load %arg5[%swap3A_519, %swap3A_520] {strides = array<i32>} : memref<24x128xf32, #tpu.memory_space<vmem>>, vector<16xf32>,
      tpu.vector_store %arg5[%swap3A_519, %swap3A_520], %broadcast_in_dim3A_3 {strides = array<i32>} : memref<24x128xf32, #tpu.memory_space<vmem>>, vector<16xf32>,
      %swap3A_522 = arith.constant 15 : i32
      %swap3A_523 = arith.index_cast %swap3A_522 : i32 to index
      %swap3A_524 = arith.constant 112 : index
      %swap3A_525 = tpu.vector_load %arg5[%swap3A_523, %swap3A_524] {strides = array<i32>} : memref<24x128xf32, #tpu.memory_space<vmem>>, vector<16xf32>,
      tpu.vector_store %arg5[%swap3A_523, %swap3A_524], %broadcast_in_dim3A_3 {strides = array<i32>} : memref<24x128xf32, #tpu.memory_space<vmem>>, vector<16xf32>,
      %swap3A_526 = arith.constant 16 : i32
      %swap3A_527 = arith.index_cast %swap3A_526 : i32 to index
      %swap3A_528 = arith.constant 0 : index
      %swap3A_529 = tpu.vector_load %arg5[%swap3A_527, %swap3A_528] {strides = array<i32>} : memref<24x128xf32, #tpu.memory_space<vmem>>, vector<16xf32>,
      tpu.vector_store %arg5[%swap3A_527, %swap3A_528], %broadcast_in_dim3A_3 {strides = array<i32>} : memref<24x128xf32, #tpu.memory_space<vmem>>, vector<16xf32>,
      %swap3A_530 = arith.constant 16 : i32
      %swap3A_531 = arith.index_cast %swap3A_530 : i32 to index
      %swap3A_532 = arith.constant 16 : index
      %swap3A_533 = tpu.vector_load %arg5[%swap3A_531, %swap3A_532] {strides = array<i32>} : memref<24x128xf32, #tpu.memory_space<vmem>>, vector<16xf32>,
      tpu.vector_store %arg5[%swap3A_531, %swap3A_532], %broadcast_in_dim3A_3 {strides = array<i32>} : memref<24x128xf32, #tpu.memory_space<vmem>>, vector<16xf32>,
      %swap3A_534 = arith.constant 16 : i32
      %swap3A_535 = arith.index_cast %swap3A_534 : i32 to index
      %swap3A_536 = arith.constant 32 : index
      %swap3A_537 = tpu.vector_load %arg5[%swap3A_535, %swap3A_536] {strides = array<i32>} : memref<24x128xf32, #tpu.memory_space<vmem>>, vector<16xf32>,
      tpu.vector_store %arg5[%swap3A_535, %swap3A_536], %broadcast_in_dim3A_3 {strides = array<i32>} : memref<24x128xf32, #tpu.memory_space<vmem>>, vector<16xf32>,
      %swap3A_538 = arith.constant 16 : i32
      %swap3A_539 = arith.index_cast %swap3A_538 : i32 to index
      %swap3A_540 = arith.constant 48 : index
      %swap3A_541 = tpu.vector_load %arg5[%swap3A_539, %swap3A_540] {strides = array<i32>} : memref<24x128xf32, #tpu.memory_space<vmem>>, vector<16xf32>,
      tpu.vector_store %arg5[%swap3A_539, %swap3A_540], %broadcast_in_dim3A_3 {strides = array<i32>} : memref<24x128xf32, #tpu.memory_space<vmem>>, vector<16xf32>,
      %swap3A_542 = arith.constant 16 : i32
      %swap3A_543 = arith.index_cast %swap3A_542 : i32 to index
      %swap3A_544 = arith.constant 64 : index
      %swap3A_545 = tpu.vector_load %arg5[%swap3A_543, %swap3A_544] {strides = array<i32>} : memref<24x128xf32, #tpu.memory_space<vmem>>, vector<16xf32>,
      tpu.vector_store %arg5[%swap3A_543, %swap3A_544], %broadcast_in_dim3A_3 {strides = array<i32>} : memref<24x128xf32, #tpu.memory_space<vmem>>, vector<16xf32>,
      %swap3A_546 = arith.constant 16 : i32
      %swap3A_547 = arith.index_cast %swap3A_546 : i32 to index
      %swap3A_548 = arith.constant 80 : index
      %swap3A_549 = tpu.vector_load %arg5[%swap3A_547, %swap3A_548] {strides = array<i32>} : memref<24x128xf32, #tpu.memory_space<vmem>>, vector<16xf32>,
      tpu.vector_store %arg5[%swap3A_547, %swap3A_548], %broadcast_in_dim3A_3 {strides = array<i32>} : memref<24x128xf32, #tpu.memory_space<vmem>>, vector<16xf32>,
      %swap3A_550 = arith.constant 16 : i32
      %swap3A_551 = arith.index_cast %swap3A_550 : i32 to index
      %swap3A_552 = arith.constant 96 : index
      %swap3A_553 = tpu.vector_load %arg5[%swap3A_551, %swap3A_552] {strides = array<i32>} : memref<24x128xf32, #tpu.memory_space<vmem>>, vector<16xf32>,
      tpu.vector_store %arg5[%swap3A_551, %swap3A_552], %broadcast_in_dim3A_3 {strides = array<i32>} : memref<24x128xf32, #tpu.memory_space<vmem>>, vector<16xf32>,
      %swap3A_554 = arith.constant 16 : i32
      %swap3A_555 = arith.index_cast %swap3A_554 : i32 to index
      %swap3A_556 = arith.constant 112 : index
      %swap3A_557 = tpu.vector_load %arg5[%swap3A_555, %swap3A_556] {strides = array<i32>} : memref<24x128xf32, #tpu.memory_space<vmem>>, vector<16xf32>,
      tpu.vector_store %arg5[%swap3A_555, %swap3A_556], %broadcast_in_dim3A_3 {strides = array<i32>} : memref<24x128xf32, #tpu.memory_space<vmem>>, vector<16xf32>,
      %swap3A_558 = arith.constant 17 : i32
      %swap3A_559 = arith.index_cast %swap3A_558 : i32 to index
      %swap3A_560 = arith.constant 0 : index
      %swap3A_561 = tpu.vector_load %arg5[%swap3A_559, %swap3A_560] {strides = array<i32>} : memref<24x128xf32, #tpu.memory_space<vmem>>, vector<16xf32>,
      tpu.vector_store %arg5[%swap3A_559, %swap3A_560], %broadcast_in_dim3A_3 {strides = array<i32>} : memref<24x128xf32, #tpu.memory_space<vmem>>, vector<16xf32>,
      %swap3A_562 = arith.constant 17 : i32
      %swap3A_563 = arith.index_cast %swap3A_562 : i32 to index
      %swap3A_564 = arith.constant 16 : index
      %swap3A_565 = tpu.vector_load %arg5[%swap3A_563, %swap3A_564] {strides = array<i32>} : memref<24x128xf32, #tpu.memory_space<vmem>>, vector<16xf32>,
      tpu.vector_store %arg5[%swap3A_563, %swap3A_564], %broadcast_in_dim3A_3 {strides = array<i32>} : memref<24x128xf32, #tpu.memory_space<vmem>>, vector<16xf32>,
      %swap3A_566 = arith.constant 17 : i32
      %swap3A_567 = arith.index_cast %swap3A_566 : i32 to index
      %swap3A_568 = arith.constant 32 : index
      %swap3A_569 = tpu.vector_load %arg5[%swap3A_567, %swap3A_568] {strides = array<i32>} : memref<24x128xf32, #tpu.memory_space<vmem>>, vector<16xf32>,
      tpu.vector_store %arg5[%swap3A_567, %swap3A_568], %broadcast_in_dim3A_3 {strides = array<i32>} : memref<24x128xf32, #tpu.memory_space<vmem>>, vector<16xf32>,
      %swap3A_570 = arith.constant 17 : i32
      %swap3A_571 = arith.index_cast %swap3A_570 : i32 to index
      %swap3A_572 = arith.constant 48 : index
      %swap3A_573 = tpu.vector_load %arg5[%swap3A_571, %swap3A_572] {strides = array<i32>} : memref<24x128xf32, #tpu.memory_space<vmem>>, vector<16xf32>,
      tpu.vector_store %arg5[%swap3A_571, %swap3A_572], %broadcast_in_dim3A_3 {strides = array<i32>} : memref<24x128xf32, #tpu.memory_space<vmem>>, vector<16xf32>,
      %swap3A_574 = arith.constant 17 : i32
      %swap3A_575 = arith.index_cast %swap3A_574 : i32 to index
      %swap3A_576 = arith.constant 64 : index
      %swap3A_577 = tpu.vector_load %arg5[%swap3A_575, %swap3A_576] {strides = array<i32>} : memref<24x128xf32, #tpu.memory_space<vmem>>, vector<16xf32>,
      tpu.vector_store %arg5[%swap3A_575, %swap3A_576], %broadcast_in_dim3A_3 {strides = array<i32>} : memref<24x128xf32, #tpu.memory_space<vmem>>, vector<16xf32>,
      %swap3A_578 = arith.constant 17 : i32
      %swap3A_579 = arith.index_cast %swap3A_578 : i32 to index
      %swap3A_580 = arith.constant 80 : index
      %swap3A_581 = tpu.vector_load %arg5[%swap3A_579, %swap3A_580] {strides = array<i32>} : memref<24x128xf32, #tpu.memory_space<vmem>>, vector<16xf32>,
      tpu.vector_store %arg5[%swap3A_579, %swap3A_580], %broadcast_in_dim3A_3 {strides = array<i32>} : memref<24x128xf32, #tpu.memory_space<vmem>>, vector<16xf32>,
      %swap3A_582 = arith.constant 17 : i32
      %swap3A_583 = arith.index_cast %swap3A_582 : i32 to index
      %swap3A_584 = arith.constant 96 : index
      %swap3A_585 = tpu.vector_load %arg5[%swap3A_583, %swap3A_584] {strides = array<i32>} : memref<24x128xf32, #tpu.memory_space<vmem>>, vector<16xf32>,
      tpu.vector_store %arg5[%swap3A_583, %swap3A_584], %broadcast_in_dim3A_3 {strides = array<i32>} : memref<24x128xf32, #tpu.memory_space<vmem>>, vector<16xf32>,
      %swap3A_586 = arith.constant 17 : i32
      %swap3A_587 = arith.index_cast %swap3A_586 : i32 to index
      %swap3A_588 = arith.constant 112 : index
      %swap3A_589 = tpu.vector_load %arg5[%swap3A_587, %swap3A_588] {strides = array<i32>} : memref<24x128xf32, #tpu.memory_space<vmem>>, vector<16xf32>,
      tpu.vector_store %arg5[%swap3A_587, %swap3A_588], %broadcast_in_dim3A_3 {strides = array<i32>} : memref<24x128xf32, #tpu.memory_space<vmem>>, vector<16xf32>,
      %swap3A_590 = arith.constant 18 : i32
      %swap3A_591 = arith.index_cast %swap3A_590 : i32 to index
      %swap3A_592 = arith.constant 0 : index
      %swap3A_593 = tpu.vector_load %arg5[%swap3A_591, %swap3A_592] {strides = array<i32>} : memref<24x128xf32, #tpu.memory_space<vmem>>, vector<16xf32>,
      tpu.vector_store %arg5[%swap3A_591, %swap3A_592], %broadcast_in_dim3A_3 {strides = array<i32>} : memref<24x128xf32, #tpu.memory_space<vmem>>, vector<16xf32>,
      %swap3A_594 = arith.constant 18 : i32
      %swap3A_595 = arith.index_cast %swap3A_594 : i32 to index
      %swap3A_596 = arith.constant 16 : index
      %swap3A_597 = tpu.vector_load %arg5[%swap3A_595, %swap3A_596] {strides = array<i32>} : memref<24x128xf32, #tpu.memory_space<vmem>>, vector<16xf32>,
      tpu.vector_store %arg5[%swap3A_595, %swap3A_596], %broadcast_in_dim3A_3 {strides = array<i32>} : memref<24x128xf32, #tpu.memory_space<vmem>>, vector<16xf32>,
      %swap3A_598 = arith.constant 18 : i32
      %swap3A_599 = arith.index_cast %swap3A_598 : i32 to index
      %swap3A_600 = arith.constant 32 : index
      %swap3A_601 = tpu.vector_load %arg5[%swap3A_599, %swap3A_600] {strides = array<i32>} : memref<24x128xf32, #tpu.memory_space<vmem>>, vector<16xf32>,
      tpu.vector_store %arg5[%swap3A_599, %swap3A_600], %broadcast_in_dim3A_3 {strides = array<i32>} : memref<24x128xf32, #tpu.memory_space<vmem>>, vector<16xf32>,
      %swap3A_602 = arith.constant 18 : i32
      %swap3A_603 = arith.index_cast %swap3A_602 : i32 to index
      %swap3A_604 = arith.constant 48 : index
      %swap3A_605 = tpu.vector_load %arg5[%swap3A_603, %swap3A_604] {strides = array<i32>} : memref<24x128xf32, #tpu.memory_space<vmem>>, vector<16xf32>,
      tpu.vector_store %arg5[%swap3A_603, %swap3A_604], %broadcast_in_dim3A_3 {strides = array<i32>} : memref<24x128xf32, #tpu.memory_space<vmem>>, vector<16xf32>,
      %swap3A_606 = arith.constant 18 : i32
      %swap3A_607 = arith.index_cast %swap3A_606 : i32 to index
      %swap3A_608 = arith.constant 64 : index
      %swap3A_609 = tpu.vector_load %arg5[%swap3A_607, %swap3A_608] {strides = array<i32>} : memref<24x128xf32, #tpu.memory_space<vmem>>, vector<16xf32>,
      tpu.vector_store %arg5[%swap3A_607, %swap3A_608], %broadcast_in_dim3A_3 {strides = array<i32>} : memref<24x128xf32, #tpu.memory_space<vmem>>, vector<16xf32>,
      %swap3A_610 = arith.constant 18 : i32
      %swap3A_611 = arith.index_cast %swap3A_610 : i32 to index
      %swap3A_612 = arith.constant 80 : index
      %swap3A_613 = tpu.vector_load %arg5[%swap3A_611, %swap3A_612] {strides = array<i32>} : memref<24x128xf32, #tpu.memory_space<vmem>>, vector<16xf32>,
      tpu.vector_store %arg5[%swap3A_611, %swap3A_612], %broadcast_in_dim3A_3 {strides = array<i32>} : memref<24x128xf32, #tpu.memory_space<vmem>>, vector<16xf32>,
      %swap3A_614 = arith.constant 18 : i32
      %swap3A_615 = arith.index_cast %swap3A_614 : i32 to index
      %swap3A_616 = arith.constant 96 : index
      %swap3A_617 = tpu.vector_load %arg5[%swap3A_615, %swap3A_616] {strides = array<i32>} : memref<24x128xf32, #tpu.memory_space<vmem>>, vector<16xf32>,
      tpu.vector_store %arg5[%swap3A_615, %swap3A_616], %broadcast_in_dim3A_3 {strides = array<i32>} : memref<24x128xf32, #tpu.memory_space<vmem>>, vector<16xf32>,
      %swap3A_618 = arith.constant 18 : i32
      %swap3A_619 = arith.index_cast %swap3A_618 : i32 to index
      %swap3A_620 = arith.constant 112 : index
      %swap3A_621 = tpu.vector_load %arg5[%swap3A_619, %swap3A_620] {strides = array<i32>} : memref<24x128xf32, #tpu.memory_space<vmem>>, vector<16xf32>,
      tpu.vector_store %arg5[%swap3A_619, %swap3A_620], %broadcast_in_dim3A_3 {strides = array<i32>} : memref<24x128xf32, #tpu.memory_space<vmem>>, vector<16xf32>,
      %swap3A_622 = arith.constant 19 : i32
      %swap3A_623 = arith.index_cast %swap3A_622 : i32 to index
      %swap3A_624 = arith.constant 0 : index
      %swap3A_625 = tpu.vector_load %arg5[%swap3A_623, %swap3A_624] {strides = array<i32>} : memref<24x128xf32, #tpu.memory_space<vmem>>, vector<16xf32>,
      tpu.vector_store %arg5[%swap3A_623, %swap3A_624], %broadcast_in_dim3A_3 {strides = array<i32>} : memref<24x128xf32, #tpu.memory_space<vmem>>, vector<16xf32>,
      %swap3A_626 = arith.constant 19 : i32
      %swap3A_627 = arith.index_cast %swap3A_626 : i32 to index
      %swap3A_628 = arith.constant 16 : index
      %swap3A_629 = tpu.vector_load %arg5[%swap3A_627, %swap3A_628] {strides = array<i32>} : memref<24x128xf32, #tpu.memory_space<vmem>>, vector<16xf32>,
      tpu.vector_store %arg5[%swap3A_627, %swap3A_628], %broadcast_in_dim3A_3 {strides = array<i32>} : memref<24x128xf32, #tpu.memory_space<vmem>>, vector<16xf32>,
      %swap3A_630 = arith.constant 19 : i32
      %swap3A_631 = arith.index_cast %swap3A_630 : i32 to index
      %swap3A_632 = arith.constant 32 : index
      %swap3A_633 = tpu.vector_load %arg5[%swap3A_631, %swap3A_632] {strides = array<i32>} : memref<24x128xf32, #tpu.memory_space<vmem>>, vector<16xf32>,
      tpu.vector_store %arg5[%swap3A_631, %swap3A_632], %broadcast_in_dim3A_3 {strides = array<i32>} : memref<24x128xf32, #tpu.memory_space<vmem>>, vector<16xf32>,
      %swap3A_634 = arith.constant 19 : i32
      %swap3A_635 = arith.index_cast %swap3A_634 : i32 to index
      %swap3A_636 = arith.constant 48 : index
      %swap3A_637 = tpu.vector_load %arg5[%swap3A_635, %swap3A_636] {strides = array<i32>} : memref<24x128xf32, #tpu.memory_space<vmem>>, vector<16xf32>,
      tpu.vector_store %arg5[%swap3A_635, %swap3A_636], %broadcast_in_dim3A_3 {strides = array<i32>} : memref<24x128xf32, #tpu.memory_space<vmem>>, vector<16xf32>,
      %swap3A_638 = arith.constant 19 : i32
      %swap3A_639 = arith.index_cast %swap3A_638 : i32 to index
      %swap3A_640 = arith.constant 64 : index
      %swap3A_641 = tpu.vector_load %arg5[%swap3A_639, %swap3A_640] {strides = array<i32>} : memref<24x128xf32, #tpu.memory_space<vmem>>, vector<16xf32>,
      tpu.vector_store %arg5[%swap3A_639, %swap3A_640], %broadcast_in_dim3A_3 {strides = array<i32>} : memref<24x128xf32, #tpu.memory_space<vmem>>, vector<16xf32>,
      %swap3A_642 = arith.constant 19 : i32
      %swap3A_643 = arith.index_cast %swap3A_642 : i32 to index
      %swap3A_644 = arith.constant 80 : index
      %swap3A_645 = tpu.vector_load %arg5[%swap3A_643, %swap3A_644] {strides = array<i32>} : memref<24x128xf32, #tpu.memory_space<vmem>>, vector<16xf32>,
      tpu.vector_store %arg5[%swap3A_643, %swap3A_644], %broadcast_in_dim3A_3 {strides = array<i32>} : memref<24x128xf32, #tpu.memory_space<vmem>>, vector<16xf32>,
      %swap3A_646 = arith.constant 19 : i32
      %swap3A_647 = arith.index_cast %swap3A_646 : i32 to index
      %swap3A_648 = arith.constant 96 : index
      %swap3A_649 = tpu.vector_load %arg5[%swap3A_647, %swap3A_648] {strides = array<i32>} : memref<24x128xf32, #tpu.memory_space<vmem>>, vector<16xf32>,
      tpu.vector_store %arg5[%swap3A_647, %swap3A_648], %broadcast_in_dim3A_3 {strides = array<i32>} : memref<24x128xf32, #tpu.memory_space<vmem>>, vector<16xf32>,
      %swap3A_650 = arith.constant 19 : i32
      %swap3A_651 = arith.index_cast %swap3A_650 : i32 to index
      %swap3A_652 = arith.constant 112 : index
      %swap3A_653 = tpu.vector_load %arg5[%swap3A_651, %swap3A_652] {strides = array<i32>} : memref<24x128xf32, #tpu.memory_space<vmem>>, vector<16xf32>,
      tpu.vector_store %arg5[%swap3A_651, %swap3A_652], %broadcast_in_dim3A_3 {strides = array<i32>} : memref<24x128xf32, #tpu.memory_space<vmem>>, vector<16xf32>,
      %swap3A_654 = arith.constant 20 : i32
      %swap3A_655 = arith.index_cast %swap3A_654 : i32 to index
      %swap3A_656 = arith.constant 0 : index
      %swap3A_657 = tpu.vector_load %arg5[%swap3A_655, %swap3A_656] {strides = array<i32>} : memref<24x128xf32, #tpu.memory_space<vmem>>, vector<16xf32>,
      tpu.vector_store %arg5[%swap3A_655, %swap3A_656], %broadcast_in_dim3A_3 {strides = array<i32>} : memref<24x128xf32, #tpu.memory_space<vmem>>, vector<16xf32>,
      %swap3A_658 = arith.constant 20 : i32
      %swap3A_659 = arith.index_cast %swap3A_658 : i32 to index
      %swap3A_660 = arith.constant 16 : index
      %swap3A_661 = tpu.vector_load %arg5[%swap3A_659, %swap3A_660] {strides = array<i32>} : memref<24x128xf32, #tpu.memory_space<vmem>>, vector<16xf32>,
      tpu.vector_store %arg5[%swap3A_659, %swap3A_660], %broadcast_in_dim3A_3 {strides = array<i32>} : memref<24x128xf32, #tpu.memory_space<vmem>>, vector<16xf32>,
      %swap3A_662 = arith.constant 20 : i32
      %swap3A_663 = arith.index_cast %swap3A_662 : i32 to index
      %swap3A_664 = arith.constant 32 : index
      %swap3A_665 = tpu.vector_load %arg5[%swap3A_663, %swap3A_664] {strides = array<i32>} : memref<24x128xf32, #tpu.memory_space<vmem>>, vector<16xf32>,
      tpu.vector_store %arg5[%swap3A_663, %swap3A_664], %broadcast_in_dim3A_3 {strides = array<i32>} : memref<24x128xf32, #tpu.memory_space<vmem>>, vector<16xf32>,
      %swap3A_666 = arith.constant 20 : i32
      %swap3A_667 = arith.index_cast %swap3A_666 : i32 to index
      %swap3A_668 = arith.constant 48 : index
      %swap3A_669 = tpu.vector_load %arg5[%swap3A_667, %swap3A_668] {strides = array<i32>} : memref<24x128xf32, #tpu.memory_space<vmem>>, vector<16xf32>,
      tpu.vector_store %arg5[%swap3A_667, %swap3A_668], %broadcast_in_dim3A_3 {strides = array<i32>} : memref<24x128xf32, #tpu.memory_space<vmem>>, vector<16xf32>,
      %swap3A_670 = arith.constant 20 : i32
      %swap3A_671 = arith.index_cast %swap3A_670 : i32 to index
      %swap3A_672 = arith.constant 64 : index
      %swap3A_673 = tpu.vector_load %arg5[%swap3A_671, %swap3A_672] {strides = array<i32>} : memref<24x128xf32, #tpu.memory_space<vmem>>, vector<16xf32>,
      tpu.vector_store %arg5[%swap3A_671, %swap3A_672], %broadcast_in_dim3A_3 {strides = array<i32>} : memref<24x128xf32, #tpu.memory_space<vmem>>, vector<16xf32>,
      %swap3A_674 = arith.constant 20 : i32
      %swap3A_675 = arith.index_cast %swap3A_674 : i32 to index
      %swap3A_676 = arith.constant 80 : index
      %swap3A_677 = tpu.vector_load %arg5[%swap3A_675, %swap3A_676] {strides = array<i32>} : memref<24x128xf32, #tpu.memory_space<vmem>>, vector<16xf32>,
      tpu.vector_store %arg5[%swap3A_675, %swap3A_676], %broadcast_in_dim3A_3 {strides = array<i32>} : memref<24x128xf32, #tpu.memory_space<vmem>>, vector<16xf32>,
      %swap3A_678 = arith.constant 20 : i32
      %swap3A_679 = arith.index_cast %swap3A_678 : i32 to index
      %swap3A_680 = arith.constant 96 : index
      %swap3A_681 = tpu.vector_load %arg5[%swap3A_679, %swap3A_680] {strides = array<i32>} : memref<24x128xf32, #tpu.memory_space<vmem>>, vector<16xf32>,
      tpu.vector_store %arg5[%swap3A_679, %swap3A_680], %broadcast_in_dim3A_3 {strides = array<i32>} : memref<24x128xf32, #tpu.memory_space<vmem>>, vector<16xf32>,
      %swap3A_682 = arith.constant 20 : i32
      %swap3A_683 = arith.index_cast %swap3A_682 : i32 to index
      %swap3A_684 = arith.constant 112 : index
      %swap3A_685 = tpu.vector_load %arg5[%swap3A_683, %swap3A_684] {strides = array<i32>} : memref<24x128xf32, #tpu.memory_space<vmem>>, vector<16xf32>,
      tpu.vector_store %arg5[%swap3A_683, %swap3A_684], %broadcast_in_dim3A_3 {strides = array<i32>} : memref<24x128xf32, #tpu.memory_space<vmem>>, vector<16xf32>,
      %swap3A_686 = arith.constant 21 : i32
      %swap3A_687 = arith.index_cast %swap3A_686 : i32 to index
      %swap3A_688 = arith.constant 0 : index
      %swap3A_689 = tpu.vector_load %arg5[%swap3A_687, %swap3A_688] {strides = array<i32>} : memref<24x128xf32, #tpu.memory_space<vmem>>, vector<16xf32>,
      tpu.vector_store %arg5[%swap3A_687, %swap3A_688], %broadcast_in_dim3A_3 {strides = array<i32>} : memref<24x128xf32, #tpu.memory_space<vmem>>, vector<16xf32>,
      %swap3A_690 = arith.constant 21 : i32
      %swap3A_691 = arith.index_cast %swap3A_690 : i32 to index
      %swap3A_692 = arith.constant 16 : index
      %swap3A_693 = tpu.vector_load %arg5[%swap3A_691, %swap3A_692] {strides = array<i32>} : memref<24x128xf32, #tpu.memory_space<vmem>>, vector<16xf32>,
      tpu.vector_store %arg5[%swap3A_691, %swap3A_692], %broadcast_in_dim3A_3 {strides = array<i32>} : memref<24x128xf32, #tpu.memory_space<vmem>>, vector<16xf32>,
      %swap3A_694 = arith.constant 21 : i32
      %swap3A_695 = arith.index_cast %swap3A_694 : i32 to index
      %swap3A_696 = arith.constant 32 : index
      %swap3A_697 = tpu.vector_load %arg5[%swap3A_695, %swap3A_696] {strides = array<i32>} : memref<24x128xf32, #tpu.memory_space<vmem>>, vector<16xf32>,
      tpu.vector_store %arg5[%swap3A_695, %swap3A_696], %broadcast_in_dim3A_3 {strides = array<i32>} : memref<24x128xf32, #tpu.memory_space<vmem>>, vector<16xf32>,
      %swap3A_698 = arith.constant 21 : i32
      %swap3A_699 = arith.index_cast %swap3A_698 : i32 to index
      %swap3A_700 = arith.constant 48 : index
      %swap3A_701 = tpu.vector_load %arg5[%swap3A_699, %swap3A_700] {strides = array<i32>} : memref<24x128xf32, #tpu.memory_space<vmem>>, vector<16xf32>,
      tpu.vector_store %arg5[%swap3A_699, %swap3A_700], %broadcast_in_dim3A_3 {strides = array<i32>} : memref<24x128xf32, #tpu.memory_space<vmem>>, vector<16xf32>,
      %swap3A_702 = arith.constant 21 : i32
      %swap3A_703 = arith.index_cast %swap3A_702 : i32 to index
      %swap3A_704 = arith.constant 64 : index
      %swap3A_705 = tpu.vector_load %arg5[%swap3A_703, %swap3A_704] {strides = array<i32>} : memref<24x128xf32, #tpu.memory_space<vmem>>, vector<16xf32>,
      tpu.vector_store %arg5[%swap3A_703, %swap3A_704], %broadcast_in_dim3A_3 {strides = array<i32>} : memref<24x128xf32, #tpu.memory_space<vmem>>, vector<16xf32>,
      %swap3A_706 = arith.constant 21 : i32
      %swap3A_707 = arith.index_cast %swap3A_706 : i32 to index
      %swap3A_708 = arith.constant 80 : index
      %swap3A_709 = tpu.vector_load %arg5[%swap3A_707, %swap3A_708] {strides = array<i32>} : memref<24x128xf32, #tpu.memory_space<vmem>>, vector<16xf32>,
      tpu.vector_store %arg5[%swap3A_707, %swap3A_708], %broadcast_in_dim3A_3 {strides = array<i32>} : memref<24x128xf32, #tpu.memory_space<vmem>>, vector<16xf32>,
      %swap3A_710 = arith.constant 21 : i32
      %swap3A_711 = arith.index_cast %swap3A_710 : i32 to index
      %swap3A_712 = arith.constant 96 : index
      %swap3A_713 = tpu.vector_load %arg5[%swap3A_711, %swap3A_712] {strides = array<i32>} : memref<24x128xf32, #tpu.memory_space<vmem>>, vector<16xf32>,
      tpu.vector_store %arg5[%swap3A_711, %swap3A_712], %broadcast_in_dim3A_3 {strides = array<i32>} : memref<24x128xf32, #tpu.memory_space<vmem>>, vector<16xf32>,
      %swap3A_714 = arith.constant 21 : i32
      %swap3A_715 = arith.index_cast %swap3A_714 : i32 to index
      %swap3A_716 = arith.constant 112 : index
      %swap3A_717 = tpu.vector_load %arg5[%swap3A_715, %swap3A_716] {strides = array<i32>} : memref<24x128xf32, #tpu.memory_space<vmem>>, vector<16xf32>,
      tpu.vector_store %arg5[%swap3A_715, %swap3A_716], %broadcast_in_dim3A_3 {strides = array<i32>} : memref<24x128xf32, #tpu.memory_space<vmem>>, vector<16xf32>,
      %swap3A_718 = arith.constant 22 : i32
      %swap3A_719 = arith.index_cast %swap3A_718 : i32 to index
      %swap3A_720 = arith.constant 0 : index
      %swap3A_721 = tpu.vector_load %arg5[%swap3A_719, %swap3A_720] {strides = array<i32>} : memref<24x128xf32, #tpu.memory_space<vmem>>, vector<16xf32>,
      tpu.vector_store %arg5[%swap3A_719, %swap3A_720], %broadcast_in_dim3A_3 {strides = array<i32>} : memref<24x128xf32, #tpu.memory_space<vmem>>, vector<16xf32>,
      %swap3A_722 = arith.constant 22 : i32
      %swap3A_723 = arith.index_cast %swap3A_722 : i32 to index
      %swap3A_724 = arith.constant 16 : index
      %swap3A_725 = tpu.vector_load %arg5[%swap3A_723, %swap3A_724] {strides = array<i32>} : memref<24x128xf32, #tpu.memory_space<vmem>>, vector<16xf32>,
      tpu.vector_store %arg5[%swap3A_723, %swap3A_724], %broadcast_in_dim3A_3 {strides = array<i32>} : memref<24x128xf32, #tpu.memory_space<vmem>>, vector<16xf32>,
      %swap3A_726 = arith.constant 22 : i32
      %swap3A_727 = arith.index_cast %swap3A_726 : i32 to index
      %swap3A_728 = arith.constant 32 : index
      %swap3A_729 = tpu.vector_load %arg5[%swap3A_727, %swap3A_728] {strides = array<i32>} : memref<24x128xf32, #tpu.memory_space<vmem>>, vector<16xf32>,
      tpu.vector_store %arg5[%swap3A_727, %swap3A_728], %broadcast_in_dim3A_3 {strides = array<i32>} : memref<24x128xf32, #tpu.memory_space<vmem>>, vector<16xf32>,
      %swap3A_730 = arith.constant 22 : i32
      %swap3A_731 = arith.index_cast %swap3A_730 : i32 to index
      %swap3A_732 = arith.constant 48 : index
      %swap3A_733 = tpu.vector_load %arg5[%swap3A_731, %swap3A_732] {strides = array<i32>} : memref<24x128xf32, #tpu.memory_space<vmem>>, vector<16xf32>,
      tpu.vector_store %arg5[%swap3A_731, %swap3A_732], %broadcast_in_dim3A_3 {strides = array<i32>} : memref<24x128xf32, #tpu.memory_space<vmem>>, vector<16xf32>,
      %swap3A_734 = arith.constant 22 : i32
      %swap3A_735 = arith.index_cast %swap3A_734 : i32 to index
      %swap3A_736 = arith.constant 64 : index
      %swap3A_737 = tpu.vector_load %arg5[%swap3A_735, %swap3A_736] {strides = array<i32>} : memref<24x128xf32, #tpu.memory_space<vmem>>, vector<16xf32>,
      tpu.vector_store %arg5[%swap3A_735, %swap3A_736], %broadcast_in_dim3A_3 {strides = array<i32>} : memref<24x128xf32, #tpu.memory_space<vmem>>, vector<16xf32>,
      %swap3A_738 = arith.constant 22 : i32
      %swap3A_739 = arith.index_cast %swap3A_738 : i32 to index
      %swap3A_740 = arith.constant 80 : index
      %swap3A_741 = tpu.vector_load %arg5[%swap3A_739, %swap3A_740] {strides = array<i32>} : memref<24x128xf32, #tpu.memory_space<vmem>>, vector<16xf32>,
      tpu.vector_store %arg5[%swap3A_739, %swap3A_740], %broadcast_in_dim3A_3 {strides = array<i32>} : memref<24x128xf32, #tpu.memory_space<vmem>>, vector<16xf32>,
      %swap3A_742 = arith.constant 22 : i32
      %swap3A_743 = arith.index_cast %swap3A_742 : i32 to index
      %swap3A_744 = arith.constant 96 : index
      %swap3A_745 = tpu.vector_load %arg5[%swap3A_743, %swap3A_744] {strides = array<i32>} : memref<24x128xf32, #tpu.memory_space<vmem>>, vector<16xf32>,
      tpu.vector_store %arg5[%swap3A_743, %swap3A_744], %broadcast_in_dim3A_3 {strides = array<i32>} : memref<24x128xf32, #tpu.memory_space<vmem>>, vector<16xf32>,
      %swap3A_746 = arith.constant 22 : i32
      %swap3A_747 = arith.index_cast %swap3A_746 : i32 to index
      %swap3A_748 = arith.constant 112 : index
      %swap3A_749 = tpu.vector_load %arg5[%swap3A_747, %swap3A_748] {strides = array<i32>} : memref<24x128xf32, #tpu.memory_space<vmem>>, vector<16xf32>,
      tpu.vector_store %arg5[%swap3A_747, %swap3A_748], %broadcast_in_dim3A_3 {strides = array<i32>} : memref<24x128xf32, #tpu.memory_space<vmem>>, vector<16xf32>,
      %swap3A_750 = arith.constant 23 : i32
      %swap3A_751 = arith.index_cast %swap3A_750 : i32 to index
      %swap3A_752 = arith.constant 0 : index
      %swap3A_753 = tpu.vector_load %arg5[%swap3A_751, %swap3A_752] {strides = array<i32>} : memref<24x128xf32, #tpu.memory_space<vmem>>, vector<16xf32>,
      tpu.vector_store %arg5[%swap3A_751, %swap3A_752], %broadcast_in_dim3A_3 {strides = array<i32>} : memref<24x128xf32, #tpu.memory_space<vmem>>, vector<16xf32>,
      %swap3A_754 = arith.constant 23 : i32
      %swap3A_755 = arith.index_cast %swap3A_754 : i32 to index
      %swap3A_756 = arith.constant 16 : index
      %swap3A_757 = tpu.vector_load %arg5[%swap3A_755, %swap3A_756] {strides = array<i32>} : memref<24x128xf32, #tpu.memory_space<vmem>>, vector<16xf32>,
      tpu.vector_store %arg5[%swap3A_755, %swap3A_756], %broadcast_in_dim3A_3 {strides = array<i32>} : memref<24x128xf32, #tpu.memory_space<vmem>>, vector<16xf32>,
      %swap3A_758 = arith.constant 23 : i32
      %swap3A_759 = arith.index_cast %swap3A_758 : i32 to index
      %swap3A_760 = arith.constant 32 : index
      %swap3A_761 = tpu.vector_load %arg5[%swap3A_759, %swap3A_760] {strides = array<i32>} : memref<24x128xf32, #tpu.memory_space<vmem>>, vector<16xf32>,
      tpu.vector_store %arg5[%swap3A_759, %swap3A_760], %broadcast_in_dim3A_3 {strides = array<i32>} : memref<24x128xf32, #tpu.memory_space<vmem>>, vector<16xf32>,
      %swap3A_762 = arith.constant 23 : i32
      %swap3A_763 = arith.index_cast %swap3A_762 : i32 to index
      %swap3A_764 = arith.constant 48 : index
      %swap3A_765 = tpu.vector_load %arg5[%swap3A_763, %swap3A_764] {strides = array<i32>} : memref<24x128xf32, #tpu.memory_space<vmem>>, vector<16xf32>,
      tpu.vector_store %arg5[%swap3A_763, %swap3A_764], %broadcast_in_dim3A_3 {strides = array<i32>} : memref<24x128xf32, #tpu.memory_space<vmem>>, vector<16xf32>,
      %swap3A_766 = arith.constant 23 : i32
      %swap3A_767 = arith.index_cast %swap3A_766 : i32 to index
      %swap3A_768 = arith.constant 64 : index
      %swap3A_769 = tpu.vector_load %arg5[%swap3A_767, %swap3A_768] {strides = array<i32>} : memref<24x128xf32, #tpu.memory_space<vmem>>, vector<16xf32>,
      tpu.vector_store %arg5[%swap3A_767, %swap3A_768], %broadcast_in_dim3A_3 {strides = array<i32>} : memref<24x128xf32, #tpu.memory_space<vmem>>, vector<16xf32>,
      %swap3A_770 = arith.constant 23 : i32
      %swap3A_771 = arith.index_cast %swap3A_770 : i32 to index
      %swap3A_772 = arith.constant 80 : index
      %swap3A_773 = tpu.vector_load %arg5[%swap3A_771, %swap3A_772] {strides = array<i32>} : memref<24x128xf32, #tpu.memory_space<vmem>>, vector<16xf32>,
      tpu.vector_store %arg5[%swap3A_771, %swap3A_772], %broadcast_in_dim3A_3 {strides = array<i32>} : memref<24x128xf32, #tpu.memory_space<vmem>>, vector<16xf32>,
      %swap3A_774 = arith.constant 23 : i32
      %swap3A_775 = arith.index_cast %swap3A_774 : i32 to index
      %swap3A_776 = arith.constant 96 : index
      %swap3A_777 = tpu.vector_load %arg5[%swap3A_775, %swap3A_776] {strides = array<i32>} : memref<24x128xf32, #tpu.memory_space<vmem>>, vector<16xf32>,
      tpu.vector_store %arg5[%swap3A_775, %swap3A_776], %broadcast_in_dim3A_3 {strides = array<i32>} : memref<24x128xf32, #tpu.memory_space<vmem>>, vector<16xf32>,
      %swap3A_778 = arith.constant 23 : i32
      %swap3A_779 = arith.index_cast %swap3A_778 : i32 to index
      %swap3A_780 = arith.constant 112 : index
      %swap3A_781 = tpu.vector_load %arg5[%swap3A_779, %swap3A_780] {strides = array<i32>} : memref<24x128xf32, #tpu.memory_space<vmem>>, vector<16xf32>,
      tpu.vector_store %arg5[%swap3A_779, %swap3A_780], %broadcast_in_dim3A_3 {strides = array<i32>} : memref<24x128xf32, #tpu.memory_space<vmem>>, vector<16xf32>,
      %scan3A_782 = arith.constant 0 : i32
      %scan3A_783 = arith.constant 0 : i32
      %scan3A_784 = arith.constant 8 : i32
      %scan3A_785 = arith.addi %scan3A_783, %scan3A_784 : i32
      %scan3A_786 = arith.constant 1 : i32
      scf.for %scan3A_788 = %scan3A_783 to %scan3A_785 step %scan3A_786  : i32 {
        %mul3A_789 = arith.constant 16 : i32
        %mul3A_790 = arith.muli %scan3A_788, %mul3A_789 : i32
        %add3A_791 = vector.broadcast %mul3A_790 : i32 to vector<16xi32>
        %add3A_792 = arith.addi %add3A_791, %iota3A : vector<16xi32>
        %mul3A_793 = arith.constant 16 : i32
        %mul3A_794 = arith.muli %scan3A_788, %mul3A_793 : i32
        %get3A = arith.constant 0 : i32
        %get3A_795 = arith.index_cast %get3A : i32 to index
        %get3A_796 = arith.index_cast %mul3A_794 : i32 to index
        %get3A_797 = tpu.vector_load %arg4[%get3A_795, %get3A_796] {strides = array<i32>} : memref<200x128xi32, #tpu.memory_space<vmem>>, vector<16xi32>,
        %mul3A_798 = arith.constant 16 : i32
        %mul3A_799 = arith.muli %scan3A_788, %mul3A_798 : i32
        %get3A_800 = arith.constant 1 : i32
        %get3A_801 = arith.index_cast %get3A_800 : i32 to index
        %get3A_802 = arith.index_cast %mul3A_799 : i32 to index
        %get3A_803 = tpu.vector_load %arg4[%get3A_801, %get3A_802] {strides = array<i32>} : memref<200x128xi32, #tpu.memory_space<vmem>>, vector<16xi32>,
        %mul3A_804 = arith.constant 16 : i32
        %mul3A_805 = arith.muli %scan3A_788, %mul3A_804 : i32
        %get3A_806 = arith.constant 2 : i32
        %get3A_807 = arith.index_cast %get3A_806 : i32 to index
        %get3A_808 = arith.index_cast %mul3A_805 : i32 to index
        %get3A_809 = tpu.vector_load %arg4[%get3A_807, %get3A_808] {strides = array<i32>} : memref<200x128xi32, #tpu.memory_space<vmem>>, vector<16xi32>,
        %mul3A_810 = arith.constant 16 : i32
        %mul3A_811 = arith.muli %scan3A_788, %mul3A_810 : i32
        %get3A_812 = arith.constant 3 : i32
        %get3A_813 = arith.index_cast %get3A_812 : i32 to index
        %get3A_814 = arith.index_cast %mul3A_811 : i32 to index
        %get3A_815 = tpu.vector_load %arg4[%get3A_813, %get3A_814] {strides = array<i32>} : memref<200x128xi32, #tpu.memory_space<vmem>>, vector<16xi32>,
        %mul3A_816 = arith.constant 16 : i32
        %mul3A_817 = arith.muli %scan3A_788, %mul3A_816 : i32
        %get3A_818 = arith.constant 4 : i32
        %get3A_819 = arith.index_cast %get3A_818 : i32 to index
        %get3A_820 = arith.index_cast %mul3A_817 : i32 to index
        %get3A_821 = tpu.vector_load %arg4[%get3A_819, %get3A_820] {strides = array<i32>} : memref<200x128xi32, #tpu.memory_space<vmem>>, vector<16xi32>,
        %mul3A_822 = arith.constant 16 : i32
        %mul3A_823 = arith.muli %scan3A_788, %mul3A_822 : i32
        %get3A_824 = arith.constant 5 : i32
        %get3A_825 = arith.index_cast %get3A_824 : i32 to index
        %get3A_826 = arith.index_cast %mul3A_823 : i32 to index
        %get3A_827 = tpu.vector_load %arg4[%get3A_825, %get3A_826] {strides = array<i32>} : memref<200x128xi32, #tpu.memory_space<vmem>>, vector<16xi32>,
        %mul3A_828 = arith.constant 16 : i32
        %mul3A_829 = arith.muli %scan3A_788, %mul3A_828 : i32
        %get3A_830 = arith.constant 6 : i32
        %get3A_831 = arith.index_cast %get3A_830 : i32 to index
        %get3A_832 = arith.index_cast %mul3A_829 : i32 to index
        %get3A_833 = tpu.vector_load %arg4[%get3A_831, %get3A_832] {strides = array<i32>} : memref<200x128xi32, #tpu.memory_space<vmem>>, vector<16xi32>,
        %mul3A_834 = arith.constant 16 : i32
        %mul3A_835 = arith.muli %scan3A_788, %mul3A_834 : i32
        %get3A_836 = arith.constant 7 : i32
        %get3A_837 = arith.index_cast %get3A_836 : i32 to index
        %get3A_838 = arith.index_cast %mul3A_835 : i32 to index
        %get3A_839 = tpu.vector_load %arg4[%get3A_837, %get3A_838] {strides = array<i32>} : memref<200x128xi32, #tpu.memory_space<vmem>>, vector<16xi32>,
        %mul3A_840 = arith.constant 16 : i32
        %mul3A_841 = arith.muli %scan3A_788, %mul3A_840 : i32
        %get3A_842 = arith.constant 8 : i32
        %get3A_843 = arith.index_cast %get3A_842 : i32 to index
        %get3A_844 = arith.index_cast %mul3A_841 : i32 to index
        %get3A_845 = tpu.vector_load %arg4[%get3A_843, %get3A_844] {strides = array<i32>} : memref<200x128xi32, #tpu.memory_space<vmem>>, vector<16xi32>,
        %mul3A_846 = arith.constant 16 : i32
        %mul3A_847 = arith.muli %scan3A_788, %mul3A_846 : i32
        %get3A_848 = arith.constant 9 : i32
        %get3A_849 = arith.index_cast %get3A_848 : i32 to index
        %get3A_850 = arith.index_cast %mul3A_847 : i32 to index
        %get3A_851 = tpu.vector_load %arg4[%get3A_849, %get3A_850] {strides = array<i32>} : memref<200x128xi32, #tpu.memory_space<vmem>>, vector<16xi32>,
        %mul3A_852 = arith.constant 16 : i32
        %mul3A_853 = arith.muli %scan3A_788, %mul3A_852 : i32
        %get3A_854 = arith.constant 10 : i32
        %get3A_855 = arith.index_cast %get3A_854 : i32 to index
        %get3A_856 = arith.index_cast %mul3A_853 : i32 to index
        %get3A_857 = tpu.vector_load %arg4[%get3A_855, %get3A_856] {strides = array<i32>} : memref<200x128xi32, #tpu.memory_space<vmem>>, vector<16xi32>,
        %mul3A_858 = arith.constant 16 : i32
        %mul3A_859 = arith.muli %scan3A_788, %mul3A_858 : i32
        %get3A_860 = arith.constant 11 : i32
        %get3A_861 = arith.index_cast %get3A_860 : i32 to index
        %get3A_862 = arith.index_cast %mul3A_859 : i32 to index
        %get3A_863 = tpu.vector_load %arg4[%get3A_861, %get3A_862] {strides = array<i32>} : memref<200x128xi32, #tpu.memory_space<vmem>>, vector<16xi32>,
        %mul3A_864 = arith.constant 16 : i32
        %mul3A_865 = arith.muli %scan3A_788, %mul3A_864 : i32
        %get3A_866 = arith.constant 12 : i32
        %get3A_867 = arith.index_cast %get3A_866 : i32 to index
        %get3A_868 = arith.index_cast %mul3A_865 : i32 to index
        %get3A_869 = tpu.vector_load %arg4[%get3A_867, %get3A_868] {strides = array<i32>} : memref<200x128xi32, #tpu.memory_space<vmem>>, vector<16xi32>,
        %mul3A_870 = arith.constant 16 : i32
        %mul3A_871 = arith.muli %scan3A_788, %mul3A_870 : i32
        %get3A_872 = arith.constant 13 : i32
        %get3A_873 = arith.index_cast %get3A_872 : i32 to index
        %get3A_874 = arith.index_cast %mul3A_871 : i32 to index
        %get3A_875 = tpu.vector_load %arg4[%get3A_873, %get3A_874] {strides = array<i32>} : memref<200x128xi32, #tpu.memory_space<vmem>>, vector<16xi32>,
        %mul3A_876 = arith.constant 16 : i32
        %mul3A_877 = arith.muli %scan3A_788, %mul3A_876 : i32
        %get3A_878 = arith.constant 14 : i32
        %get3A_879 = arith.index_cast %get3A_878 : i32 to index
        %get3A_880 = arith.index_cast %mul3A_877 : i32 to index
        %get3A_881 = tpu.vector_load %arg4[%get3A_879, %get3A_880] {strides = array<i32>} : memref<200x128xi32, #tpu.memory_space<vmem>>, vector<16xi32>,
        %mul3A_882 = arith.constant 16 : i32
        %mul3A_883 = arith.muli %scan3A_788, %mul3A_882 : i32
        %get3A_884 = arith.constant 15 : i32
        %get3A_885 = arith.index_cast %get3A_884 : i32 to index
        %get3A_886 = arith.index_cast %mul3A_883 : i32 to index
        %get3A_887 = tpu.vector_load %arg4[%get3A_885, %get3A_886] {strides = array<i32>} : memref<200x128xi32, #tpu.memory_space<vmem>>, vector<16xi32>,
        %mul3A_888 = arith.constant 16 : i32
        %mul3A_889 = arith.muli %scan3A_788, %mul3A_888 : i32
        %get3A_890 = arith.constant 16 : i32
        %get3A_891 = arith.index_cast %get3A_890 : i32 to index
        %get3A_892 = arith.index_cast %mul3A_889 : i32 to index
        %get3A_893 = tpu.vector_load %arg4[%get3A_891, %get3A_892] {strides = array<i32>} : memref<200x128xi32, #tpu.memory_space<vmem>>, vector<16xi32>,
        %mul3A_894 = arith.constant 16 : i32
        %mul3A_895 = arith.muli %scan3A_788, %mul3A_894 : i32
        %get3A_896 = arith.constant 17 : i32
        %get3A_897 = arith.index_cast %get3A_896 : i32 to index
        %get3A_898 = arith.index_cast %mul3A_895 : i32 to index
        %get3A_899 = tpu.vector_load %arg4[%get3A_897, %get3A_898] {strides = array<i32>} : memref<200x128xi32, #tpu.memory_space<vmem>>, vector<16xi32>,
        %mul3A_900 = arith.constant 16 : i32
        %mul3A_901 = arith.muli %scan3A_788, %mul3A_900 : i32
        %get3A_902 = arith.constant 18 : i32
        %get3A_903 = arith.index_cast %get3A_902 : i32 to index
        %get3A_904 = arith.index_cast %mul3A_901 : i32 to index
        %get3A_905 = tpu.vector_load %arg4[%get3A_903, %get3A_904] {strides = array<i32>} : memref<200x128xi32, #tpu.memory_space<vmem>>, vector<16xi32>,
        %mul3A_906 = arith.constant 16 : i32
        %mul3A_907 = arith.muli %scan3A_788, %mul3A_906 : i32
        %get3A_908 = arith.constant 19 : i32
        %get3A_909 = arith.index_cast %get3A_908 : i32 to index
        %get3A_910 = arith.index_cast %mul3A_907 : i32 to index
        %get3A_911 = tpu.vector_load %arg4[%get3A_909, %get3A_910] {strides = array<i32>} : memref<200x128xi32, #tpu.memory_space<vmem>>, vector<16xi32>,
        %mul3A_912 = arith.constant 16 : i32
        %mul3A_913 = arith.muli %scan3A_788, %mul3A_912 : i32
        %get3A_914 = arith.constant 20 : i32
        %get3A_915 = arith.index_cast %get3A_914 : i32 to index
        %get3A_916 = arith.index_cast %mul3A_913 : i32 to index
        %get3A_917 = tpu.vector_load %arg4[%get3A_915, %get3A_916] {strides = array<i32>} : memref<200x128xi32, #tpu.memory_space<vmem>>, vector<16xi32>,
        %mul3A_918 = arith.constant 16 : i32
        %mul3A_919 = arith.muli %scan3A_788, %mul3A_918 : i32
        %get3A_920 = arith.constant 21 : i32
        %get3A_921 = arith.index_cast %get3A_920 : i32 to index
        %get3A_922 = arith.index_cast %mul3A_919 : i32 to index
        %get3A_923 = tpu.vector_load %arg4[%get3A_921, %get3A_922] {strides = array<i32>} : memref<200x128xi32, #tpu.memory_space<vmem>>, vector<16xi32>,
        %mul3A_924 = arith.constant 16 : i32
        %mul3A_925 = arith.muli %scan3A_788, %mul3A_924 : i32
        %get3A_926 = arith.constant 22 : i32
        %get3A_927 = arith.index_cast %get3A_926 : i32 to index
        %get3A_928 = arith.index_cast %mul3A_925 : i32 to index
        %get3A_929 = tpu.vector_load %arg4[%get3A_927, %get3A_928] {strides = array<i32>} : memref<200x128xi32, #tpu.memory_space<vmem>>, vector<16xi32>,
        %mul3A_930 = arith.constant 16 : i32
        %mul3A_931 = arith.muli %scan3A_788, %mul3A_930 : i32
        %get3A_932 = arith.constant 23 : i32
        %get3A_933 = arith.index_cast %get3A_932 : i32 to index
        %get3A_934 = arith.index_cast %mul3A_931 : i32 to index
        %get3A_935 = tpu.vector_load %arg4[%get3A_933, %get3A_934] {strides = array<i32>} : memref<200x128xi32, #tpu.memory_space<vmem>>, vector<16xi32>,
        %mul3A_936 = arith.constant 16 : i32
        %mul3A_937 = arith.muli %scan3A_788, %mul3A_936 : i32
        %get3A_938 = arith.constant 24 : i32
        %get3A_939 = arith.index_cast %get3A_938 : i32 to index
        %get3A_940 = arith.index_cast %mul3A_937 : i32 to index
        %get3A_941 = tpu.vector_load %arg4[%get3A_939, %get3A_940] {strides = array<i32>} : memref<200x128xi32, #tpu.memory_space<vmem>>, vector<16xi32>,
        %mul3A_942 = arith.constant 16 : i32
        %mul3A_943 = arith.muli %scan3A_788, %mul3A_942 : i32
        %get3A_944 = arith.constant 25 : i32
        %get3A_945 = arith.index_cast %get3A_944 : i32 to index
        %get3A_946 = arith.index_cast %mul3A_943 : i32 to index
        %get3A_947 = tpu.vector_load %arg4[%get3A_945, %get3A_946] {strides = array<i32>} : memref<200x128xi32, #tpu.memory_space<vmem>>, vector<16xi32>,
        tpu.vector_store_idx %arg5[%get3A_797, %add3A_792], %broadcast_in_dim3A_1 {add = true} : memref<24x128xf32, #tpu.memory_space<vmem>>[vector<16xi32>, vector<16xi32>], vector<16xf32>,
        %mul3A_948 = arith.constant 16 : i32
        %mul3A_949 = arith.muli %scan3A_788, %mul3A_948 : i32
        %get3A_950 = arith.constant 26 : i32
        %get3A_951 = arith.index_cast %get3A_950 : i32 to index
        %get3A_952 = arith.index_cast %mul3A_949 : i32 to index
        %get3A_953 = tpu.vector_load %arg4[%get3A_951, %get3A_952] {strides = array<i32>} : memref<200x128xi32, #tpu.memory_space<vmem>>, vector<16xi32>,
        tpu.vector_store_idx %arg5[%get3A_803, %add3A_792], %broadcast_in_dim3A_1 {add = true} : memref<24x128xf32, #tpu.memory_space<vmem>>[vector<16xi32>, vector<16xi32>], vector<16xf32>,
        %mul3A_954 = arith.constant 16 : i32
        %mul3A_955 = arith.muli %scan3A_788, %mul3A_954 : i32
        %get3A_956 = arith.constant 27 : i32
        %get3A_957 = arith.index_cast %get3A_956 : i32 to index
        %get3A_958 = arith.index_cast %mul3A_955 : i32 to index
        %get3A_959 = tpu.vector_load %arg4[%get3A_957, %get3A_958] {strides = array<i32>} : memref<200x128xi32, #tpu.memory_space<vmem>>, vector<16xi32>,
        tpu.vector_store_idx %arg5[%get3A_809, %add3A_792], %broadcast_in_dim3A_1 {add = true} : memref<24x128xf32, #tpu.memory_space<vmem>>[vector<16xi32>, vector<16xi32>], vector<16xf32>,
        %mul3A_960 = arith.constant 16 : i32
        %mul3A_961 = arith.muli %scan3A_788, %mul3A_960 : i32
        %get3A_962 = arith.constant 28 : i32
        %get3A_963 = arith.index_cast %get3A_962 : i32 to index
        %get3A_964 = arith.index_cast %mul3A_961 : i32 to index
        %get3A_965 = tpu.vector_load %arg4[%get3A_963, %get3A_964] {strides = array<i32>} : memref<200x128xi32, #tpu.memory_space<vmem>>, vector<16xi32>,
        tpu.vector_store_idx %arg5[%get3A_815, %add3A_792], %broadcast_in_dim3A_1 {add = true} : memref<24x128xf32, #tpu.memory_space<vmem>>[vector<16xi32>, vector<16xi32>], vector<16xf32>,
        %mul3A_966 = arith.constant 16 : i32
        %mul3A_967 = arith.muli %scan3A_788, %mul3A_966 : i32
        %get3A_968 = arith.constant 29 : i32
        %get3A_969 = arith.index_cast %get3A_968 : i32 to index
        %get3A_970 = arith.index_cast %mul3A_967 : i32 to index
        %get3A_971 = tpu.vector_load %arg4[%get3A_969, %get3A_970] {strides = array<i32>} : memref<200x128xi32, #tpu.memory_space<vmem>>, vector<16xi32>,
        tpu.vector_store_idx %arg5[%get3A_821, %add3A_792], %broadcast_in_dim3A_1 {add = true} : memref<24x128xf32, #tpu.memory_space<vmem>>[vector<16xi32>, vector<16xi32>], vector<16xf32>,
        %mul3A_972 = arith.constant 16 : i32
        %mul3A_973 = arith.muli %scan3A_788, %mul3A_972 : i32
        %get3A_974 = arith.constant 30 : i32
        %get3A_975 = arith.index_cast %get3A_974 : i32 to index
        %get3A_976 = arith.index_cast %mul3A_973 : i32 to index
        %get3A_977 = tpu.vector_load %arg4[%get3A_975, %get3A_976] {strides = array<i32>} : memref<200x128xi32, #tpu.memory_space<vmem>>, vector<16xi32>,
        tpu.vector_store_idx %arg5[%get3A_827, %add3A_792], %broadcast_in_dim3A_1 {add = true} : memref<24x128xf32, #tpu.memory_space<vmem>>[vector<16xi32>, vector<16xi32>], vector<16xf32>,
        %mul3A_978 = arith.constant 16 : i32
        %mul3A_979 = arith.muli %scan3A_788, %mul3A_978 : i32
        %get3A_980 = arith.constant 31 : i32
        %get3A_981 = arith.index_cast %get3A_980 : i32 to index
        %get3A_982 = arith.index_cast %mul3A_979 : i32 to index
        %get3A_983 = tpu.vector_load %arg4[%get3A_981, %get3A_982] {strides = array<i32>} : memref<200x128xi32, #tpu.memory_space<vmem>>, vector<16xi32>,
        tpu.vector_store_idx %arg5[%get3A_833, %add3A_792], %broadcast_in_dim3A_1 {add = true} : memref<24x128xf32, #tpu.memory_space<vmem>>[vector<16xi32>, vector<16xi32>], vector<16xf32>,
        %mul3A_984 = arith.constant 16 : i32
        %mul3A_985 = arith.muli %scan3A_788, %mul3A_984 : i32
        %get3A_986 = arith.constant 32 : i32
        %get3A_987 = arith.index_cast %get3A_986 : i32 to index
        %get3A_988 = arith.index_cast %mul3A_985 : i32 to index
        %get3A_989 = tpu.vector_load %arg4[%get3A_987, %get3A_988] {strides = array<i32>} : memref<200x128xi32, #tpu.memory_space<vmem>>, vector<16xi32>,
        tpu.vector_store_idx %arg5[%get3A_839, %add3A_792], %broadcast_in_dim3A_1 {add = true} : memref<24x128xf32, #tpu.memory_space<vmem>>[vector<16xi32>, vector<16xi32>], vector<16xf32>,
        %mul3A_990 = arith.constant 16 : i32
        %mul3A_991 = arith.muli %scan3A_788, %mul3A_990 : i32
        %get3A_992 = arith.constant 33 : i32
        %get3A_993 = arith.index_cast %get3A_992 : i32 to index
        %get3A_994 = arith.index_cast %mul3A_991 : i32 to index
        %get3A_995 = tpu.vector_load %arg4[%get3A_993, %get3A_994] {strides = array<i32>} : memref<200x128xi32, #tpu.memory_space<vmem>>, vector<16xi32>,
        tpu.vector_store_idx %arg5[%get3A_845, %add3A_792], %broadcast_in_dim3A_1 {add = true} : memref<24x128xf32, #tpu.memory_space<vmem>>[vector<16xi32>, vector<16xi32>], vector<16xf32>,
        %mul3A_996 = arith.constant 16 : i32
        %mul3A_997 = arith.muli %scan3A_788, %mul3A_996 : i32
        %get3A_998 = arith.constant 34 : i32
        %get3A_999 = arith.index_cast %get3A_998 : i32 to index
        %get3A_1000 = arith.index_cast %mul3A_997 : i32 to index
        %get3A_1001 = tpu.vector_load %arg4[%get3A_999, %get3A_1000] {strides = array<i32>} : memref<200x128xi32, #tpu.memory_space<vmem>>, vector<16xi32>,
        tpu.vector_store_idx %arg5[%get3A_851, %add3A_792], %broadcast_in_dim3A_1 {add = true} : memref<24x128xf32, #tpu.memory_space<vmem>>[vector<16xi32>, vector<16xi32>], vector<16xf32>,
        %mul3A_1002 = arith.constant 16 : i32
        %mul3A_1003 = arith.muli %scan3A_788, %mul3A_1002 : i32
        %get3A_1004 = arith.constant 35 : i32
        %get3A_1005 = arith.index_cast %get3A_1004 : i32 to index
        %get3A_1006 = arith.index_cast %mul3A_1003 : i32 to index
        %get3A_1007 = tpu.vector_load %arg4[%get3A_1005, %get3A_1006] {strides = array<i32>} : memref<200x128xi32, #tpu.memory_space<vmem>>, vector<16xi32>,
        tpu.vector_store_idx %arg5[%get3A_857, %add3A_792], %broadcast_in_dim3A_1 {add = true} : memref<24x128xf32, #tpu.memory_space<vmem>>[vector<16xi32>, vector<16xi32>], vector<16xf32>,
        %mul3A_1008 = arith.constant 16 : i32
        %mul3A_1009 = arith.muli %scan3A_788, %mul3A_1008 : i32
        %get3A_1010 = arith.constant 36 : i32
        %get3A_1011 = arith.index_cast %get3A_1010 : i32 to index
        %get3A_1012 = arith.index_cast %mul3A_1009 : i32 to index
        %get3A_1013 = tpu.vector_load %arg4[%get3A_1011, %get3A_1012] {strides = array<i32>} : memref<200x128xi32, #tpu.memory_space<vmem>>, vector<16xi32>,
        tpu.vector_store_idx %arg5[%get3A_863, %add3A_792], %broadcast_in_dim3A_1 {add = true} : memref<24x128xf32, #tpu.memory_space<vmem>>[vector<16xi32>, vector<16xi32>], vector<16xf32>,
        %mul3A_1014 = arith.constant 16 : i32
        %mul3A_1015 = arith.muli %scan3A_788, %mul3A_1014 : i32
        %get3A_1016 = arith.constant 37 : i32
        %get3A_1017 = arith.index_cast %get3A_1016 : i32 to index
        %get3A_1018 = arith.index_cast %mul3A_1015 : i32 to index
        %get3A_1019 = tpu.vector_load %arg4[%get3A_1017, %get3A_1018] {strides = array<i32>} : memref<200x128xi32, #tpu.memory_space<vmem>>, vector<16xi32>,
        tpu.vector_store_idx %arg5[%get3A_869, %add3A_792], %broadcast_in_dim3A_1 {add = true} : memref<24x128xf32, #tpu.memory_space<vmem>>[vector<16xi32>, vector<16xi32>], vector<16xf32>,
        %mul3A_1020 = arith.constant 16 : i32
        %mul3A_1021 = arith.muli %scan3A_788, %mul3A_1020 : i32
        %get3A_1022 = arith.constant 38 : i32
        %get3A_1023 = arith.index_cast %get3A_1022 : i32 to index
        %get3A_1024 = arith.index_cast %mul3A_1021 : i32 to index
        %get3A_1025 = tpu.vector_load %arg4[%get3A_1023, %get3A_1024] {strides = array<i32>} : memref<200x128xi32, #tpu.memory_space<vmem>>, vector<16xi32>,
        tpu.vector_store_idx %arg5[%get3A_875, %add3A_792], %broadcast_in_dim3A_1 {add = true} : memref<24x128xf32, #tpu.memory_space<vmem>>[vector<16xi32>, vector<16xi32>], vector<16xf32>,
        %mul3A_1026 = arith.constant 16 : i32
        %mul3A_1027 = arith.muli %scan3A_788, %mul3A_1026 : i32
        %get3A_1028 = arith.constant 39 : i32
        %get3A_1029 = arith.index_cast %get3A_1028 : i32 to index
        %get3A_1030 = arith.index_cast %mul3A_1027 : i32 to index
        %get3A_1031 = tpu.vector_load %arg4[%get3A_1029, %get3A_1030] {strides = array<i32>} : memref<200x128xi32, #tpu.memory_space<vmem>>, vector<16xi32>,
        tpu.vector_store_idx %arg5[%get3A_881, %add3A_792], %broadcast_in_dim3A_1 {add = true} : memref<24x128xf32, #tpu.memory_space<vmem>>[vector<16xi32>, vector<16xi32>], vector<16xf32>,
        %mul3A_1032 = arith.constant 16 : i32
        %mul3A_1033 = arith.muli %scan3A_788, %mul3A_1032 : i32
        %get3A_1034 = arith.constant 40 : i32
        %get3A_1035 = arith.index_cast %get3A_1034 : i32 to index
        %get3A_1036 = arith.index_cast %mul3A_1033 : i32 to index
        %get3A_1037 = tpu.vector_load %arg4[%get3A_1035, %get3A_1036] {strides = array<i32>} : memref<200x128xi32, #tpu.memory_space<vmem>>, vector<16xi32>,
        tpu.vector_store_idx %arg5[%get3A_887, %add3A_792], %broadcast_in_dim3A_1 {add = true} : memref<24x128xf32, #tpu.memory_space<vmem>>[vector<16xi32>, vector<16xi32>], vector<16xf32>,
        %mul3A_1038 = arith.constant 16 : i32
        %mul3A_1039 = arith.muli %scan3A_788, %mul3A_1038 : i32
        %get3A_1040 = arith.constant 41 : i32
        %get3A_1041 = arith.index_cast %get3A_1040 : i32 to index
        %get3A_1042 = arith.index_cast %mul3A_1039 : i32 to index
        %get3A_1043 = tpu.vector_load %arg4[%get3A_1041, %get3A_1042] {strides = array<i32>} : memref<200x128xi32, #tpu.memory_space<vmem>>, vector<16xi32>,
        tpu.vector_store_idx %arg5[%get3A_893, %add3A_792], %broadcast_in_dim3A_1 {add = true} : memref<24x128xf32, #tpu.memory_space<vmem>>[vector<16xi32>, vector<16xi32>], vector<16xf32>,
        %mul3A_1044 = arith.constant 16 : i32
        %mul3A_1045 = arith.muli %scan3A_788, %mul3A_1044 : i32
        %get3A_1046 = arith.constant 42 : i32
        %get3A_1047 = arith.index_cast %get3A_1046 : i32 to index
        %get3A_1048 = arith.index_cast %mul3A_1045 : i32 to index
        %get3A_1049 = tpu.vector_load %arg4[%get3A_1047, %get3A_1048] {strides = array<i32>} : memref<200x128xi32, #tpu.memory_space<vmem>>, vector<16xi32>,
        tpu.vector_store_idx %arg5[%get3A_899, %add3A_792], %broadcast_in_dim3A_1 {add = true} : memref<24x128xf32, #tpu.memory_space<vmem>>[vector<16xi32>, vector<16xi32>], vector<16xf32>,
        %mul3A_1050 = arith.constant 16 : i32
        %mul3A_1051 = arith.muli %scan3A_788, %mul3A_1050 : i32
        %get3A_1052 = arith.constant 43 : i32
        %get3A_1053 = arith.index_cast %get3A_1052 : i32 to index
        %get3A_1054 = arith.index_cast %mul3A_1051 : i32 to index
        %get3A_1055 = tpu.vector_load %arg4[%get3A_1053, %get3A_1054] {strides = array<i32>} : memref<200x128xi32, #tpu.memory_space<vmem>>, vector<16xi32>,
        tpu.vector_store_idx %arg5[%get3A_905, %add3A_792], %broadcast_in_dim3A_1 {add = true} : memref<24x128xf32, #tpu.memory_space<vmem>>[vector<16xi32>, vector<16xi32>], vector<16xf32>,
        %mul3A_1056 = arith.constant 16 : i32
        %mul3A_1057 = arith.muli %scan3A_788, %mul3A_1056 : i32
        %get3A_1058 = arith.constant 44 : i32
        %get3A_1059 = arith.index_cast %get3A_1058 : i32 to index
        %get3A_1060 = arith.index_cast %mul3A_1057 : i32 to index
        %get3A_1061 = tpu.vector_load %arg4[%get3A_1059, %get3A_1060] {strides = array<i32>} : memref<200x128xi32, #tpu.memory_space<vmem>>, vector<16xi32>,
        tpu.vector_store_idx %arg5[%get3A_911, %add3A_792], %broadcast_in_dim3A_1 {add = true} : memref<24x128xf32, #tpu.memory_space<vmem>>[vector<16xi32>, vector<16xi32>], vector<16xf32>,
        %mul3A_1062 = arith.constant 16 : i32
        %mul3A_1063 = arith.muli %scan3A_788, %mul3A_1062 : i32
        %get3A_1064 = arith.constant 45 : i32
        %get3A_1065 = arith.index_cast %get3A_1064 : i32 to index
        %get3A_1066 = arith.index_cast %mul3A_1063 : i32 to index
        %get3A_1067 = tpu.vector_load %arg4[%get3A_1065, %get3A_1066] {strides = array<i32>} : memref<200x128xi32, #tpu.memory_space<vmem>>, vector<16xi32>,
        tpu.vector_store_idx %arg5[%get3A_917, %add3A_792], %broadcast_in_dim3A_1 {add = true} : memref<24x128xf32, #tpu.memory_space<vmem>>[vector<16xi32>, vector<16xi32>], vector<16xf32>,
        %mul3A_1068 = arith.constant 16 : i32
        %mul3A_1069 = arith.muli %scan3A_788, %mul3A_1068 : i32
        %get3A_1070 = arith.constant 46 : i32
        %get3A_1071 = arith.index_cast %get3A_1070 : i32 to index
        %get3A_1072 = arith.index_cast %mul3A_1069 : i32 to index
        %get3A_1073 = tpu.vector_load %arg4[%get3A_1071, %get3A_1072] {strides = array<i32>} : memref<200x128xi32, #tpu.memory_space<vmem>>, vector<16xi32>,
        tpu.vector_store_idx %arg5[%get3A_923, %add3A_792], %broadcast_in_dim3A_1 {add = true} : memref<24x128xf32, #tpu.memory_space<vmem>>[vector<16xi32>, vector<16xi32>], vector<16xf32>,
        %mul3A_1074 = arith.constant 16 : i32
        %mul3A_1075 = arith.muli %scan3A_788, %mul3A_1074 : i32
        %get3A_1076 = arith.constant 47 : i32
        %get3A_1077 = arith.index_cast %get3A_1076 : i32 to index
        %get3A_1078 = arith.index_cast %mul3A_1075 : i32 to index
        %get3A_1079 = tpu.vector_load %arg4[%get3A_1077, %get3A_1078] {strides = array<i32>} : memref<200x128xi32, #tpu.memory_space<vmem>>, vector<16xi32>,
        tpu.vector_store_idx %arg5[%get3A_929, %add3A_792], %broadcast_in_dim3A_1 {add = true} : memref<24x128xf32, #tpu.memory_space<vmem>>[vector<16xi32>, vector<16xi32>], vector<16xf32>,
        %mul3A_1080 = arith.constant 16 : i32
        %mul3A_1081 = arith.muli %scan3A_788, %mul3A_1080 : i32
        %get3A_1082 = arith.constant 48 : i32
        %get3A_1083 = arith.index_cast %get3A_1082 : i32 to index
        %get3A_1084 = arith.index_cast %mul3A_1081 : i32 to index
        %get3A_1085 = tpu.vector_load %arg4[%get3A_1083, %get3A_1084] {strides = array<i32>} : memref<200x128xi32, #tpu.memory_space<vmem>>, vector<16xi32>,
        tpu.vector_store_idx %arg5[%get3A_935, %add3A_792], %broadcast_in_dim3A_1 {add = true} : memref<24x128xf32, #tpu.memory_space<vmem>>[vector<16xi32>, vector<16xi32>], vector<16xf32>,
        %mul3A_1086 = arith.constant 16 : i32
        %mul3A_1087 = arith.muli %scan3A_788, %mul3A_1086 : i32
        %get3A_1088 = arith.constant 49 : i32
        %get3A_1089 = arith.index_cast %get3A_1088 : i32 to index
        %get3A_1090 = arith.index_cast %mul3A_1087 : i32 to index
        %get3A_1091 = tpu.vector_load %arg4[%get3A_1089, %get3A_1090] {strides = array<i32>} : memref<200x128xi32, #tpu.memory_space<vmem>>, vector<16xi32>,
        tpu.vector_store_idx %arg5[%get3A_941, %add3A_792], %broadcast_in_dim3A_1 {add = true} : memref<24x128xf32, #tpu.memory_space<vmem>>[vector<16xi32>, vector<16xi32>], vector<16xf32>,
        %mul3A_1092 = arith.constant 16 : i32
        %mul3A_1093 = arith.muli %scan3A_788, %mul3A_1092 : i32
        %get3A_1094 = arith.constant 50 : i32
        %get3A_1095 = arith.index_cast %get3A_1094 : i32 to index
        %get3A_1096 = arith.index_cast %mul3A_1093 : i32 to index
        %get3A_1097 = tpu.vector_load %arg4[%get3A_1095, %get3A_1096] {strides = array<i32>} : memref<200x128xi32, #tpu.memory_space<vmem>>, vector<16xi32>,
        tpu.vector_store_idx %arg5[%get3A_947, %add3A_792], %broadcast_in_dim3A_1 {add = true} : memref<24x128xf32, #tpu.memory_space<vmem>>[vector<16xi32>, vector<16xi32>], vector<16xf32>,
        %mul3A_1098 = arith.constant 16 : i32
        %mul3A_1099 = arith.muli %scan3A_788, %mul3A_1098 : i32
        %get3A_1100 = arith.constant 51 : i32
        %get3A_1101 = arith.index_cast %get3A_1100 : i32 to index
        %get3A_1102 = arith.index_cast %mul3A_1099 : i32 to index
        %get3A_1103 = tpu.vector_load %arg4[%get3A_1101, %get3A_1102] {strides = array<i32>} : memref<200x128xi32, #tpu.memory_space<vmem>>, vector<16xi32>,
        tpu.vector_store_idx %arg5[%get3A_953, %add3A_792], %broadcast_in_dim3A_1 {add = true} : memref<24x128xf32, #tpu.memory_space<vmem>>[vector<16xi32>, vector<16xi32>], vector<16xf32>,
        %mul3A_1104 = arith.constant 16 : i32
        %mul3A_1105 = arith.muli %scan3A_788, %mul3A_1104 : i32
        %get3A_1106 = arith.constant 52 : i32
        %get3A_1107 = arith.index_cast %get3A_1106 : i32 to index
        %get3A_1108 = arith.index_cast %mul3A_1105 : i32 to index
        %get3A_1109 = tpu.vector_load %arg4[%get3A_1107, %get3A_1108] {strides = array<i32>} : memref<200x128xi32, #tpu.memory_space<vmem>>, vector<16xi32>,
        tpu.vector_store_idx %arg5[%get3A_959, %add3A_792], %broadcast_in_dim3A_1 {add = true} : memref<24x128xf32, #tpu.memory_space<vmem>>[vector<16xi32>, vector<16xi32>], vector<16xf32>,
        %mul3A_1110 = arith.constant 16 : i32
        %mul3A_1111 = arith.muli %scan3A_788, %mul3A_1110 : i32
        %get3A_1112 = arith.constant 53 : i32
        %get3A_1113 = arith.index_cast %get3A_1112 : i32 to index
        %get3A_1114 = arith.index_cast %mul3A_1111 : i32 to index
        %get3A_1115 = tpu.vector_load %arg4[%get3A_1113, %get3A_1114] {strides = array<i32>} : memref<200x128xi32, #tpu.memory_space<vmem>>, vector<16xi32>,
        tpu.vector_store_idx %arg5[%get3A_965, %add3A_792], %broadcast_in_dim3A_1 {add = true} : memref<24x128xf32, #tpu.memory_space<vmem>>[vector<16xi32>, vector<16xi32>], vector<16xf32>,
        %mul3A_1116 = arith.constant 16 : i32
        %mul3A_1117 = arith.muli %scan3A_788, %mul3A_1116 : i32
        %get3A_1118 = arith.constant 54 : i32
        %get3A_1119 = arith.index_cast %get3A_1118 : i32 to index
        %get3A_1120 = arith.index_cast %mul3A_1117 : i32 to index
        %get3A_1121 = tpu.vector_load %arg4[%get3A_1119, %get3A_1120] {strides = array<i32>} : memref<200x128xi32, #tpu.memory_space<vmem>>, vector<16xi32>,
        tpu.vector_store_idx %arg5[%get3A_971, %add3A_792], %broadcast_in_dim3A_1 {add = true} : memref<24x128xf32, #tpu.memory_space<vmem>>[vector<16xi32>, vector<16xi32>], vector<16xf32>,
        %mul3A_1122 = arith.constant 16 : i32
        %mul3A_1123 = arith.muli %scan3A_788, %mul3A_1122 : i32
        %get3A_1124 = arith.constant 55 : i32
        %get3A_1125 = arith.index_cast %get3A_1124 : i32 to index
        %get3A_1126 = arith.index_cast %mul3A_1123 : i32 to index
        %get3A_1127 = tpu.vector_load %arg4[%get3A_1125, %get3A_1126] {strides = array<i32>} : memref<200x128xi32, #tpu.memory_space<vmem>>, vector<16xi32>,
        tpu.vector_store_idx %arg5[%get3A_977, %add3A_792], %broadcast_in_dim3A_1 {add = true} : memref<24x128xf32, #tpu.memory_space<vmem>>[vector<16xi32>, vector<16xi32>], vector<16xf32>,
        %mul3A_1128 = arith.constant 16 : i32
        %mul3A_1129 = arith.muli %scan3A_788, %mul3A_1128 : i32
        %get3A_1130 = arith.constant 56 : i32
        %get3A_1131 = arith.index_cast %get3A_1130 : i32 to index
        %get3A_1132 = arith.index_cast %mul3A_1129 : i32 to index
        %get3A_1133 = tpu.vector_load %arg4[%get3A_1131, %get3A_1132] {strides = array<i32>} : memref<200x128xi32, #tpu.memory_space<vmem>>, vector<16xi32>,
        tpu.vector_store_idx %arg5[%get3A_983, %add3A_792], %broadcast_in_dim3A_1 {add = true} : memref<24x128xf32, #tpu.memory_space<vmem>>[vector<16xi32>, vector<16xi32>], vector<16xf32>,
        %mul3A_1134 = arith.constant 16 : i32
        %mul3A_1135 = arith.muli %scan3A_788, %mul3A_1134 : i32
        %get3A_1136 = arith.constant 57 : i32
        %get3A_1137 = arith.index_cast %get3A_1136 : i32 to index
        %get3A_1138 = arith.index_cast %mul3A_1135 : i32 to index
        %get3A_1139 = tpu.vector_load %arg4[%get3A_1137, %get3A_1138] {strides = array<i32>} : memref<200x128xi32, #tpu.memory_space<vmem>>, vector<16xi32>,
        tpu.vector_store_idx %arg5[%get3A_989, %add3A_792], %broadcast_in_dim3A_1 {add = true} : memref<24x128xf32, #tpu.memory_space<vmem>>[vector<16xi32>, vector<16xi32>], vector<16xf32>,
        %mul3A_1140 = arith.constant 16 : i32
        %mul3A_1141 = arith.muli %scan3A_788, %mul3A_1140 : i32
        %get3A_1142 = arith.constant 58 : i32
        %get3A_1143 = arith.index_cast %get3A_1142 : i32 to index
        %get3A_1144 = arith.index_cast %mul3A_1141 : i32 to index
        %get3A_1145 = tpu.vector_load %arg4[%get3A_1143, %get3A_1144] {strides = array<i32>} : memref<200x128xi32, #tpu.memory_space<vmem>>, vector<16xi32>,
        tpu.vector_store_idx %arg5[%get3A_995, %add3A_792], %broadcast_in_dim3A_1 {add = true} : memref<24x128xf32, #tpu.memory_space<vmem>>[vector<16xi32>, vector<16xi32>], vector<16xf32>,
        %mul3A_1146 = arith.constant 16 : i32
        %mul3A_1147 = arith.muli %scan3A_788, %mul3A_1146 : i32
        %get3A_1148 = arith.constant 59 : i32
        %get3A_1149 = arith.index_cast %get3A_1148 : i32 to index
        %get3A_1150 = arith.index_cast %mul3A_1147 : i32 to index
        %get3A_1151 = tpu.vector_load %arg4[%get3A_1149, %get3A_1150] {strides = array<i32>} : memref<200x128xi32, #tpu.memory_space<vmem>>, vector<16xi32>,
        tpu.vector_store_idx %arg5[%get3A_1001, %add3A_792], %broadcast_in_dim3A_1 {add = true} : memref<24x128xf32, #tpu.memory_space<vmem>>[vector<16xi32>, vector<16xi32>], vector<16xf32>,
        %mul3A_1152 = arith.constant 16 : i32
        %mul3A_1153 = arith.muli %scan3A_788, %mul3A_1152 : i32
        %get3A_1154 = arith.constant 60 : i32
        %get3A_1155 = arith.index_cast %get3A_1154 : i32 to index
        %get3A_1156 = arith.index_cast %mul3A_1153 : i32 to index
        %get3A_1157 = tpu.vector_load %arg4[%get3A_1155, %get3A_1156] {strides = array<i32>} : memref<200x128xi32, #tpu.memory_space<vmem>>, vector<16xi32>,
        tpu.vector_store_idx %arg5[%get3A_1007, %add3A_792], %broadcast_in_dim3A_1 {add = true} : memref<24x128xf32, #tpu.memory_space<vmem>>[vector<16xi32>, vector<16xi32>], vector<16xf32>,
        %mul3A_1158 = arith.constant 16 : i32
        %mul3A_1159 = arith.muli %scan3A_788, %mul3A_1158 : i32
        %get3A_1160 = arith.constant 61 : i32
        %get3A_1161 = arith.index_cast %get3A_1160 : i32 to index
        %get3A_1162 = arith.index_cast %mul3A_1159 : i32 to index
        %get3A_1163 = tpu.vector_load %arg4[%get3A_1161, %get3A_1162] {strides = array<i32>} : memref<200x128xi32, #tpu.memory_space<vmem>>, vector<16xi32>,
        tpu.vector_store_idx %arg5[%get3A_1013, %add3A_792], %broadcast_in_dim3A_1 {add = true} : memref<24x128xf32, #tpu.memory_space<vmem>>[vector<16xi32>, vector<16xi32>], vector<16xf32>,
        %mul3A_1164 = arith.constant 16 : i32
        %mul3A_1165 = arith.muli %scan3A_788, %mul3A_1164 : i32
        %get3A_1166 = arith.constant 62 : i32
        %get3A_1167 = arith.index_cast %get3A_1166 : i32 to index
        %get3A_1168 = arith.index_cast %mul3A_1165 : i32 to index
        %get3A_1169 = tpu.vector_load %arg4[%get3A_1167, %get3A_1168] {strides = array<i32>} : memref<200x128xi32, #tpu.memory_space<vmem>>, vector<16xi32>,
        tpu.vector_store_idx %arg5[%get3A_1019, %add3A_792], %broadcast_in_dim3A_1 {add = true} : memref<24x128xf32, #tpu.memory_space<vmem>>[vector<16xi32>, vector<16xi32>], vector<16xf32>,
        %mul3A_1170 = arith.constant 16 : i32
        %mul3A_1171 = arith.muli %scan3A_788, %mul3A_1170 : i32
        %get3A_1172 = arith.constant 63 : i32
        %get3A_1173 = arith.index_cast %get3A_1172 : i32 to index
        %get3A_1174 = arith.index_cast %mul3A_1171 : i32 to index
        %get3A_1175 = tpu.vector_load %arg4[%get3A_1173, %get3A_1174] {strides = array<i32>} : memref<200x128xi32, #tpu.memory_space<vmem>>, vector<16xi32>,
        tpu.vector_store_idx %arg5[%get3A_1025, %add3A_792], %broadcast_in_dim3A_1 {add = true} : memref<24x128xf32, #tpu.memory_space<vmem>>[vector<16xi32>, vector<16xi32>], vector<16xf32>,
        %mul3A_1176 = arith.constant 16 : i32
        %mul3A_1177 = arith.muli %scan3A_788, %mul3A_1176 : i32
        %get3A_1178 = arith.constant 64 : i32
        %get3A_1179 = arith.index_cast %get3A_1178 : i32 to index
        %get3A_1180 = arith.index_cast %mul3A_1177 : i32 to index
        %get3A_1181 = tpu.vector_load %arg4[%get3A_1179, %get3A_1180] {strides = array<i32>} : memref<200x128xi32, #tpu.memory_space<vmem>>, vector<16xi32>,
        tpu.vector_store_idx %arg5[%get3A_1031, %add3A_792], %broadcast_in_dim3A_1 {add = true} : memref<24x128xf32, #tpu.memory_space<vmem>>[vector<16xi32>, vector<16xi32>], vector<16xf32>,
        %mul3A_1182 = arith.constant 16 : i32
        %mul3A_1183 = arith.muli %scan3A_788, %mul3A_1182 : i32
        %get3A_1184 = arith.constant 65 : i32
        %get3A_1185 = arith.index_cast %get3A_1184 : i32 to index
        %get3A_1186 = arith.index_cast %mul3A_1183 : i32 to index
        %get3A_1187 = tpu.vector_load %arg4[%get3A_1185, %get3A_1186] {strides = array<i32>} : memref<200x128xi32, #tpu.memory_space<vmem>>, vector<16xi32>,
        tpu.vector_store_idx %arg5[%get3A_1037, %add3A_792], %broadcast_in_dim3A_1 {add = true} : memref<24x128xf32, #tpu.memory_space<vmem>>[vector<16xi32>, vector<16xi32>], vector<16xf32>,
        %mul3A_1188 = arith.constant 16 : i32
        %mul3A_1189 = arith.muli %scan3A_788, %mul3A_1188 : i32
        %get3A_1190 = arith.constant 66 : i32
        %get3A_1191 = arith.index_cast %get3A_1190 : i32 to index
        %get3A_1192 = arith.index_cast %mul3A_1189 : i32 to index
        %get3A_1193 = tpu.vector_load %arg4[%get3A_1191, %get3A_1192] {strides = array<i32>} : memref<200x128xi32, #tpu.memory_space<vmem>>, vector<16xi32>,
        tpu.vector_store_idx %arg5[%get3A_1043, %add3A_792], %broadcast_in_dim3A_1 {add = true} : memref<24x128xf32, #tpu.memory_space<vmem>>[vector<16xi32>, vector<16xi32>], vector<16xf32>,
        %mul3A_1194 = arith.constant 16 : i32
        %mul3A_1195 = arith.muli %scan3A_788, %mul3A_1194 : i32
        %get3A_1196 = arith.constant 67 : i32
        %get3A_1197 = arith.index_cast %get3A_1196 : i32 to index
        %get3A_1198 = arith.index_cast %mul3A_1195 : i32 to index
        %get3A_1199 = tpu.vector_load %arg4[%get3A_1197, %get3A_1198] {strides = array<i32>} : memref<200x128xi32, #tpu.memory_space<vmem>>, vector<16xi32>,
        tpu.vector_store_idx %arg5[%get3A_1049, %add3A_792], %broadcast_in_dim3A_1 {add = true} : memref<24x128xf32, #tpu.memory_space<vmem>>[vector<16xi32>, vector<16xi32>], vector<16xf32>,
        %mul3A_1200 = arith.constant 16 : i32
        %mul3A_1201 = arith.muli %scan3A_788, %mul3A_1200 : i32
        %get3A_1202 = arith.constant 68 : i32
        %get3A_1203 = arith.index_cast %get3A_1202 : i32 to index
        %get3A_1204 = arith.index_cast %mul3A_1201 : i32 to index
        %get3A_1205 = tpu.vector_load %arg4[%get3A_1203, %get3A_1204] {strides = array<i32>} : memref<200x128xi32, #tpu.memory_space<vmem>>, vector<16xi32>,
        tpu.vector_store_idx %arg5[%get3A_1055, %add3A_792], %broadcast_in_dim3A_1 {add = true} : memref<24x128xf32, #tpu.memory_space<vmem>>[vector<16xi32>, vector<16xi32>], vector<16xf32>,
        %mul3A_1206 = arith.constant 16 : i32
        %mul3A_1207 = arith.muli %scan3A_788, %mul3A_1206 : i32
        %get3A_1208 = arith.constant 69 : i32
        %get3A_1209 = arith.index_cast %get3A_1208 : i32 to index
        %get3A_1210 = arith.index_cast %mul3A_1207 : i32 to index
        %get3A_1211 = tpu.vector_load %arg4[%get3A_1209, %get3A_1210] {strides = array<i32>} : memref<200x128xi32, #tpu.memory_space<vmem>>, vector<16xi32>,
        tpu.vector_store_idx %arg5[%get3A_1061, %add3A_792], %broadcast_in_dim3A_1 {add = true} : memref<24x128xf32, #tpu.memory_space<vmem>>[vector<16xi32>, vector<16xi32>], vector<16xf32>,
        %mul3A_1212 = arith.constant 16 : i32
        %mul3A_1213 = arith.muli %scan3A_788, %mul3A_1212 : i32
        %get3A_1214 = arith.constant 70 : i32
        %get3A_1215 = arith.index_cast %get3A_1214 : i32 to index
        %get3A_1216 = arith.index_cast %mul3A_1213 : i32 to index
        %get3A_1217 = tpu.vector_load %arg4[%get3A_1215, %get3A_1216] {strides = array<i32>} : memref<200x128xi32, #tpu.memory_space<vmem>>, vector<16xi32>,
        tpu.vector_store_idx %arg5[%get3A_1067, %add3A_792], %broadcast_in_dim3A_1 {add = true} : memref<24x128xf32, #tpu.memory_space<vmem>>[vector<16xi32>, vector<16xi32>], vector<16xf32>,
        %mul3A_1218 = arith.constant 16 : i32
        %mul3A_1219 = arith.muli %scan3A_788, %mul3A_1218 : i32
        %get3A_1220 = arith.constant 71 : i32
        %get3A_1221 = arith.index_cast %get3A_1220 : i32 to index
        %get3A_1222 = arith.index_cast %mul3A_1219 : i32 to index
        %get3A_1223 = tpu.vector_load %arg4[%get3A_1221, %get3A_1222] {strides = array<i32>} : memref<200x128xi32, #tpu.memory_space<vmem>>, vector<16xi32>,
        tpu.vector_store_idx %arg5[%get3A_1073, %add3A_792], %broadcast_in_dim3A_1 {add = true} : memref<24x128xf32, #tpu.memory_space<vmem>>[vector<16xi32>, vector<16xi32>], vector<16xf32>,
        %mul3A_1224 = arith.constant 16 : i32
        %mul3A_1225 = arith.muli %scan3A_788, %mul3A_1224 : i32
        %get3A_1226 = arith.constant 72 : i32
        %get3A_1227 = arith.index_cast %get3A_1226 : i32 to index
        %get3A_1228 = arith.index_cast %mul3A_1225 : i32 to index
        %get3A_1229 = tpu.vector_load %arg4[%get3A_1227, %get3A_1228] {strides = array<i32>} : memref<200x128xi32, #tpu.memory_space<vmem>>, vector<16xi32>,
        tpu.vector_store_idx %arg5[%get3A_1079, %add3A_792], %broadcast_in_dim3A_1 {add = true} : memref<24x128xf32, #tpu.memory_space<vmem>>[vector<16xi32>, vector<16xi32>], vector<16xf32>,
        %mul3A_1230 = arith.constant 16 : i32
        %mul3A_1231 = arith.muli %scan3A_788, %mul3A_1230 : i32
        %get3A_1232 = arith.constant 73 : i32
        %get3A_1233 = arith.index_cast %get3A_1232 : i32 to index
        %get3A_1234 = arith.index_cast %mul3A_1231 : i32 to index
        %get3A_1235 = tpu.vector_load %arg4[%get3A_1233, %get3A_1234] {strides = array<i32>} : memref<200x128xi32, #tpu.memory_space<vmem>>, vector<16xi32>,
        tpu.vector_store_idx %arg5[%get3A_1085, %add3A_792], %broadcast_in_dim3A_1 {add = true} : memref<24x128xf32, #tpu.memory_space<vmem>>[vector<16xi32>, vector<16xi32>], vector<16xf32>,
        %mul3A_1236 = arith.constant 16 : i32
        %mul3A_1237 = arith.muli %scan3A_788, %mul3A_1236 : i32
        %get3A_1238 = arith.constant 74 : i32
        %get3A_1239 = arith.index_cast %get3A_1238 : i32 to index
        %get3A_1240 = arith.index_cast %mul3A_1237 : i32 to index
        %get3A_1241 = tpu.vector_load %arg4[%get3A_1239, %get3A_1240] {strides = array<i32>} : memref<200x128xi32, #tpu.memory_space<vmem>>, vector<16xi32>,
        tpu.vector_store_idx %arg5[%get3A_1091, %add3A_792], %broadcast_in_dim3A_1 {add = true} : memref<24x128xf32, #tpu.memory_space<vmem>>[vector<16xi32>, vector<16xi32>], vector<16xf32>,
        %mul3A_1242 = arith.constant 16 : i32
        %mul3A_1243 = arith.muli %scan3A_788, %mul3A_1242 : i32
        %get3A_1244 = arith.constant 75 : i32
        %get3A_1245 = arith.index_cast %get3A_1244 : i32 to index
        %get3A_1246 = arith.index_cast %mul3A_1243 : i32 to index
        %get3A_1247 = tpu.vector_load %arg4[%get3A_1245, %get3A_1246] {strides = array<i32>} : memref<200x128xi32, #tpu.memory_space<vmem>>, vector<16xi32>,
        tpu.vector_store_idx %arg5[%get3A_1097, %add3A_792], %broadcast_in_dim3A_1 {add = true} : memref<24x128xf32, #tpu.memory_space<vmem>>[vector<16xi32>, vector<16xi32>], vector<16xf32>,
        %mul3A_1248 = arith.constant 16 : i32
        %mul3A_1249 = arith.muli %scan3A_788, %mul3A_1248 : i32
        %get3A_1250 = arith.constant 76 : i32
        %get3A_1251 = arith.index_cast %get3A_1250 : i32 to index
        %get3A_1252 = arith.index_cast %mul3A_1249 : i32 to index
        %get3A_1253 = tpu.vector_load %arg4[%get3A_1251, %get3A_1252] {strides = array<i32>} : memref<200x128xi32, #tpu.memory_space<vmem>>, vector<16xi32>,
        tpu.vector_store_idx %arg5[%get3A_1103, %add3A_792], %broadcast_in_dim3A_1 {add = true} : memref<24x128xf32, #tpu.memory_space<vmem>>[vector<16xi32>, vector<16xi32>], vector<16xf32>,
        %mul3A_1254 = arith.constant 16 : i32
        %mul3A_1255 = arith.muli %scan3A_788, %mul3A_1254 : i32
        %get3A_1256 = arith.constant 77 : i32
        %get3A_1257 = arith.index_cast %get3A_1256 : i32 to index
        %get3A_1258 = arith.index_cast %mul3A_1255 : i32 to index
        %get3A_1259 = tpu.vector_load %arg4[%get3A_1257, %get3A_1258] {strides = array<i32>} : memref<200x128xi32, #tpu.memory_space<vmem>>, vector<16xi32>,
        tpu.vector_store_idx %arg5[%get3A_1109, %add3A_792], %broadcast_in_dim3A_1 {add = true} : memref<24x128xf32, #tpu.memory_space<vmem>>[vector<16xi32>, vector<16xi32>], vector<16xf32>,
        %mul3A_1260 = arith.constant 16 : i32
        %mul3A_1261 = arith.muli %scan3A_788, %mul3A_1260 : i32
        %get3A_1262 = arith.constant 78 : i32
        %get3A_1263 = arith.index_cast %get3A_1262 : i32 to index
        %get3A_1264 = arith.index_cast %mul3A_1261 : i32 to index
        %get3A_1265 = tpu.vector_load %arg4[%get3A_1263, %get3A_1264] {strides = array<i32>} : memref<200x128xi32, #tpu.memory_space<vmem>>, vector<16xi32>,
        tpu.vector_store_idx %arg5[%get3A_1115, %add3A_792], %broadcast_in_dim3A_1 {add = true} : memref<24x128xf32, #tpu.memory_space<vmem>>[vector<16xi32>, vector<16xi32>], vector<16xf32>,
        %mul3A_1266 = arith.constant 16 : i32
        %mul3A_1267 = arith.muli %scan3A_788, %mul3A_1266 : i32
        %get3A_1268 = arith.constant 79 : i32
        %get3A_1269 = arith.index_cast %get3A_1268 : i32 to index
        %get3A_1270 = arith.index_cast %mul3A_1267 : i32 to index
        %get3A_1271 = tpu.vector_load %arg4[%get3A_1269, %get3A_1270] {strides = array<i32>} : memref<200x128xi32, #tpu.memory_space<vmem>>, vector<16xi32>,
        tpu.vector_store_idx %arg5[%get3A_1121, %add3A_792], %broadcast_in_dim3A_1 {add = true} : memref<24x128xf32, #tpu.memory_space<vmem>>[vector<16xi32>, vector<16xi32>], vector<16xf32>,
        %mul3A_1272 = arith.constant 16 : i32
        %mul3A_1273 = arith.muli %scan3A_788, %mul3A_1272 : i32
        %get3A_1274 = arith.constant 80 : i32
        %get3A_1275 = arith.index_cast %get3A_1274 : i32 to index
        %get3A_1276 = arith.index_cast %mul3A_1273 : i32 to index
        %get3A_1277 = tpu.vector_load %arg4[%get3A_1275, %get3A_1276] {strides = array<i32>} : memref<200x128xi32, #tpu.memory_space<vmem>>, vector<16xi32>,
        tpu.vector_store_idx %arg5[%get3A_1127, %add3A_792], %broadcast_in_dim3A_1 {add = true} : memref<24x128xf32, #tpu.memory_space<vmem>>[vector<16xi32>, vector<16xi32>], vector<16xf32>,
        %mul3A_1278 = arith.constant 16 : i32
        %mul3A_1279 = arith.muli %scan3A_788, %mul3A_1278 : i32
        %get3A_1280 = arith.constant 81 : i32
        %get3A_1281 = arith.index_cast %get3A_1280 : i32 to index
        %get3A_1282 = arith.index_cast %mul3A_1279 : i32 to index
        %get3A_1283 = tpu.vector_load %arg4[%get3A_1281, %get3A_1282] {strides = array<i32>} : memref<200x128xi32, #tpu.memory_space<vmem>>, vector<16xi32>,
        tpu.vector_store_idx %arg5[%get3A_1133, %add3A_792], %broadcast_in_dim3A_1 {add = true} : memref<24x128xf32, #tpu.memory_space<vmem>>[vector<16xi32>, vector<16xi32>], vector<16xf32>,
        %mul3A_1284 = arith.constant 16 : i32
        %mul3A_1285 = arith.muli %scan3A_788, %mul3A_1284 : i32
        %get3A_1286 = arith.constant 82 : i32
        %get3A_1287 = arith.index_cast %get3A_1286 : i32 to index
        %get3A_1288 = arith.index_cast %mul3A_1285 : i32 to index
        %get3A_1289 = tpu.vector_load %arg4[%get3A_1287, %get3A_1288] {strides = array<i32>} : memref<200x128xi32, #tpu.memory_space<vmem>>, vector<16xi32>,
        tpu.vector_store_idx %arg5[%get3A_1139, %add3A_792], %broadcast_in_dim3A_1 {add = true} : memref<24x128xf32, #tpu.memory_space<vmem>>[vector<16xi32>, vector<16xi32>], vector<16xf32>,
        %mul3A_1290 = arith.constant 16 : i32
        %mul3A_1291 = arith.muli %scan3A_788, %mul3A_1290 : i32
        %get3A_1292 = arith.constant 83 : i32
        %get3A_1293 = arith.index_cast %get3A_1292 : i32 to index
        %get3A_1294 = arith.index_cast %mul3A_1291 : i32 to index
        %get3A_1295 = tpu.vector_load %arg4[%get3A_1293, %get3A_1294] {strides = array<i32>} : memref<200x128xi32, #tpu.memory_space<vmem>>, vector<16xi32>,
        tpu.vector_store_idx %arg5[%get3A_1145, %add3A_792], %broadcast_in_dim3A_1 {add = true} : memref<24x128xf32, #tpu.memory_space<vmem>>[vector<16xi32>, vector<16xi32>], vector<16xf32>,
        %mul3A_1296 = arith.constant 16 : i32
        %mul3A_1297 = arith.muli %scan3A_788, %mul3A_1296 : i32
        %get3A_1298 = arith.constant 84 : i32
        %get3A_1299 = arith.index_cast %get3A_1298 : i32 to index
        %get3A_1300 = arith.index_cast %mul3A_1297 : i32 to index
        %get3A_1301 = tpu.vector_load %arg4[%get3A_1299, %get3A_1300] {strides = array<i32>} : memref<200x128xi32, #tpu.memory_space<vmem>>, vector<16xi32>,
        tpu.vector_store_idx %arg5[%get3A_1151, %add3A_792], %broadcast_in_dim3A_1 {add = true} : memref<24x128xf32, #tpu.memory_space<vmem>>[vector<16xi32>, vector<16xi32>], vector<16xf32>,
        %mul3A_1302 = arith.constant 16 : i32
        %mul3A_1303 = arith.muli %scan3A_788, %mul3A_1302 : i32
        %get3A_1304 = arith.constant 85 : i32
        %get3A_1305 = arith.index_cast %get3A_1304 : i32 to index
        %get3A_1306 = arith.index_cast %mul3A_1303 : i32 to index
        %get3A_1307 = tpu.vector_load %arg4[%get3A_1305, %get3A_1306] {strides = array<i32>} : memref<200x128xi32, #tpu.memory_space<vmem>>, vector<16xi32>,
        tpu.vector_store_idx %arg5[%get3A_1157, %add3A_792], %broadcast_in_dim3A_1 {add = true} : memref<24x128xf32, #tpu.memory_space<vmem>>[vector<16xi32>, vector<16xi32>], vector<16xf32>,
        %mul3A_1308 = arith.constant 16 : i32
        %mul3A_1309 = arith.muli %scan3A_788, %mul3A_1308 : i32
        %get3A_1310 = arith.constant 86 : i32
        %get3A_1311 = arith.index_cast %get3A_1310 : i32 to index
        %get3A_1312 = arith.index_cast %mul3A_1309 : i32 to index
        %get3A_1313 = tpu.vector_load %arg4[%get3A_1311, %get3A_1312] {strides = array<i32>} : memref<200x128xi32, #tpu.memory_space<vmem>>, vector<16xi32>,
        tpu.vector_store_idx %arg5[%get3A_1163, %add3A_792], %broadcast_in_dim3A_1 {add = true} : memref<24x128xf32, #tpu.memory_space<vmem>>[vector<16xi32>, vector<16xi32>], vector<16xf32>,
        %mul3A_1314 = arith.constant 16 : i32
        %mul3A_1315 = arith.muli %scan3A_788, %mul3A_1314 : i32
        %get3A_1316 = arith.constant 87 : i32
        %get3A_1317 = arith.index_cast %get3A_1316 : i32 to index
        %get3A_1318 = arith.index_cast %mul3A_1315 : i32 to index
        %get3A_1319 = tpu.vector_load %arg4[%get3A_1317, %get3A_1318] {strides = array<i32>} : memref<200x128xi32, #tpu.memory_space<vmem>>, vector<16xi32>,
        tpu.vector_store_idx %arg5[%get3A_1169, %add3A_792], %broadcast_in_dim3A_1 {add = true} : memref<24x128xf32, #tpu.memory_space<vmem>>[vector<16xi32>, vector<16xi32>], vector<16xf32>,
        %mul3A_1320 = arith.constant 16 : i32
        %mul3A_1321 = arith.muli %scan3A_788, %mul3A_1320 : i32
        %get3A_1322 = arith.constant 88 : i32
        %get3A_1323 = arith.index_cast %get3A_1322 : i32 to index
        %get3A_1324 = arith.index_cast %mul3A_1321 : i32 to index
        %get3A_1325 = tpu.vector_load %arg4[%get3A_1323, %get3A_1324] {strides = array<i32>} : memref<200x128xi32, #tpu.memory_space<vmem>>, vector<16xi32>,
        tpu.vector_store_idx %arg5[%get3A_1175, %add3A_792], %broadcast_in_dim3A_1 {add = true} : memref<24x128xf32, #tpu.memory_space<vmem>>[vector<16xi32>, vector<16xi32>], vector<16xf32>,
        %mul3A_1326 = arith.constant 16 : i32
        %mul3A_1327 = arith.muli %scan3A_788, %mul3A_1326 : i32
        %get3A_1328 = arith.constant 89 : i32
        %get3A_1329 = arith.index_cast %get3A_1328 : i32 to index
        %get3A_1330 = arith.index_cast %mul3A_1327 : i32 to index
        %get3A_1331 = tpu.vector_load %arg4[%get3A_1329, %get3A_1330] {strides = array<i32>} : memref<200x128xi32, #tpu.memory_space<vmem>>, vector<16xi32>,
        tpu.vector_store_idx %arg5[%get3A_1181, %add3A_792], %broadcast_in_dim3A_1 {add = true} : memref<24x128xf32, #tpu.memory_space<vmem>>[vector<16xi32>, vector<16xi32>], vector<16xf32>,
        %mul3A_1332 = arith.constant 16 : i32
        %mul3A_1333 = arith.muli %scan3A_788, %mul3A_1332 : i32
        %get3A_1334 = arith.constant 90 : i32
        %get3A_1335 = arith.index_cast %get3A_1334 : i32 to index
        %get3A_1336 = arith.index_cast %mul3A_1333 : i32 to index
        %get3A_1337 = tpu.vector_load %arg4[%get3A_1335, %get3A_1336] {strides = array<i32>} : memref<200x128xi32, #tpu.memory_space<vmem>>, vector<16xi32>,
        tpu.vector_store_idx %arg5[%get3A_1187, %add3A_792], %broadcast_in_dim3A_1 {add = true} : memref<24x128xf32, #tpu.memory_space<vmem>>[vector<16xi32>, vector<16xi32>], vector<16xf32>,
        %mul3A_1338 = arith.constant 16 : i32
        %mul3A_1339 = arith.muli %scan3A_788, %mul3A_1338 : i32
        %get3A_1340 = arith.constant 91 : i32
        %get3A_1341 = arith.index_cast %get3A_1340 : i32 to index
        %get3A_1342 = arith.index_cast %mul3A_1339 : i32 to index
        %get3A_1343 = tpu.vector_load %arg4[%get3A_1341, %get3A_1342] {strides = array<i32>} : memref<200x128xi32, #tpu.memory_space<vmem>>, vector<16xi32>,
        tpu.vector_store_idx %arg5[%get3A_1193, %add3A_792], %broadcast_in_dim3A_1 {add = true} : memref<24x128xf32, #tpu.memory_space<vmem>>[vector<16xi32>, vector<16xi32>], vector<16xf32>,
        %mul3A_1344 = arith.constant 16 : i32
        %mul3A_1345 = arith.muli %scan3A_788, %mul3A_1344 : i32
        %get3A_1346 = arith.constant 92 : i32
        %get3A_1347 = arith.index_cast %get3A_1346 : i32 to index
        %get3A_1348 = arith.index_cast %mul3A_1345 : i32 to index
        %get3A_1349 = tpu.vector_load %arg4[%get3A_1347, %get3A_1348] {strides = array<i32>} : memref<200x128xi32, #tpu.memory_space<vmem>>, vector<16xi32>,
        tpu.vector_store_idx %arg5[%get3A_1199, %add3A_792], %broadcast_in_dim3A_1 {add = true} : memref<24x128xf32, #tpu.memory_space<vmem>>[vector<16xi32>, vector<16xi32>], vector<16xf32>,
        %mul3A_1350 = arith.constant 16 : i32
        %mul3A_1351 = arith.muli %scan3A_788, %mul3A_1350 : i32
        %get3A_1352 = arith.constant 93 : i32
        %get3A_1353 = arith.index_cast %get3A_1352 : i32 to index
        %get3A_1354 = arith.index_cast %mul3A_1351 : i32 to index
        %get3A_1355 = tpu.vector_load %arg4[%get3A_1353, %get3A_1354] {strides = array<i32>} : memref<200x128xi32, #tpu.memory_space<vmem>>, vector<16xi32>,
        tpu.vector_store_idx %arg5[%get3A_1205, %add3A_792], %broadcast_in_dim3A_1 {add = true} : memref<24x128xf32, #tpu.memory_space<vmem>>[vector<16xi32>, vector<16xi32>], vector<16xf32>,
        %mul3A_1356 = arith.constant 16 : i32
        %mul3A_1357 = arith.muli %scan3A_788, %mul3A_1356 : i32
        %get3A_1358 = arith.constant 94 : i32
        %get3A_1359 = arith.index_cast %get3A_1358 : i32 to index
        %get3A_1360 = arith.index_cast %mul3A_1357 : i32 to index
        %get3A_1361 = tpu.vector_load %arg4[%get3A_1359, %get3A_1360] {strides = array<i32>} : memref<200x128xi32, #tpu.memory_space<vmem>>, vector<16xi32>,
        tpu.vector_store_idx %arg5[%get3A_1211, %add3A_792], %broadcast_in_dim3A_1 {add = true} : memref<24x128xf32, #tpu.memory_space<vmem>>[vector<16xi32>, vector<16xi32>], vector<16xf32>,
        %mul3A_1362 = arith.constant 16 : i32
        %mul3A_1363 = arith.muli %scan3A_788, %mul3A_1362 : i32
        %get3A_1364 = arith.constant 95 : i32
        %get3A_1365 = arith.index_cast %get3A_1364 : i32 to index
        %get3A_1366 = arith.index_cast %mul3A_1363 : i32 to index
        %get3A_1367 = tpu.vector_load %arg4[%get3A_1365, %get3A_1366] {strides = array<i32>} : memref<200x128xi32, #tpu.memory_space<vmem>>, vector<16xi32>,
        tpu.vector_store_idx %arg5[%get3A_1217, %add3A_792], %broadcast_in_dim3A_1 {add = true} : memref<24x128xf32, #tpu.memory_space<vmem>>[vector<16xi32>, vector<16xi32>], vector<16xf32>,
        %mul3A_1368 = arith.constant 16 : i32
        %mul3A_1369 = arith.muli %scan3A_788, %mul3A_1368 : i32
        %get3A_1370 = arith.constant 96 : i32
        %get3A_1371 = arith.index_cast %get3A_1370 : i32 to index
        %get3A_1372 = arith.index_cast %mul3A_1369 : i32 to index
        %get3A_1373 = tpu.vector_load %arg4[%get3A_1371, %get3A_1372] {strides = array<i32>} : memref<200x128xi32, #tpu.memory_space<vmem>>, vector<16xi32>,
        tpu.vector_store_idx %arg5[%get3A_1223, %add3A_792], %broadcast_in_dim3A_1 {add = true} : memref<24x128xf32, #tpu.memory_space<vmem>>[vector<16xi32>, vector<16xi32>], vector<16xf32>,
        %mul3A_1374 = arith.constant 16 : i32
        %mul3A_1375 = arith.muli %scan3A_788, %mul3A_1374 : i32
        %get3A_1376 = arith.constant 97 : i32
        %get3A_1377 = arith.index_cast %get3A_1376 : i32 to index
        %get3A_1378 = arith.index_cast %mul3A_1375 : i32 to index
        %get3A_1379 = tpu.vector_load %arg4[%get3A_1377, %get3A_1378] {strides = array<i32>} : memref<200x128xi32, #tpu.memory_space<vmem>>, vector<16xi32>,
        tpu.vector_store_idx %arg5[%get3A_1229, %add3A_792], %broadcast_in_dim3A_1 {add = true} : memref<24x128xf32, #tpu.memory_space<vmem>>[vector<16xi32>, vector<16xi32>], vector<16xf32>,
        %mul3A_1380 = arith.constant 16 : i32
        %mul3A_1381 = arith.muli %scan3A_788, %mul3A_1380 : i32
        %get3A_1382 = arith.constant 98 : i32
        %get3A_1383 = arith.index_cast %get3A_1382 : i32 to index
        %get3A_1384 = arith.index_cast %mul3A_1381 : i32 to index
        %get3A_1385 = tpu.vector_load %arg4[%get3A_1383, %get3A_1384] {strides = array<i32>} : memref<200x128xi32, #tpu.memory_space<vmem>>, vector<16xi32>,
        tpu.vector_store_idx %arg5[%get3A_1235, %add3A_792], %broadcast_in_dim3A_1 {add = true} : memref<24x128xf32, #tpu.memory_space<vmem>>[vector<16xi32>, vector<16xi32>], vector<16xf32>,
        %mul3A_1386 = arith.constant 16 : i32
        %mul3A_1387 = arith.muli %scan3A_788, %mul3A_1386 : i32
        %get3A_1388 = arith.constant 99 : i32
        %get3A_1389 = arith.index_cast %get3A_1388 : i32 to index
        %get3A_1390 = arith.index_cast %mul3A_1387 : i32 to index
        %get3A_1391 = tpu.vector_load %arg4[%get3A_1389, %get3A_1390] {strides = array<i32>} : memref<200x128xi32, #tpu.memory_space<vmem>>, vector<16xi32>,
        tpu.vector_store_idx %arg5[%get3A_1241, %add3A_792], %broadcast_in_dim3A_1 {add = true} : memref<24x128xf32, #tpu.memory_space<vmem>>[vector<16xi32>, vector<16xi32>], vector<16xf32>,
        %mul3A_1392 = arith.constant 16 : i32
        %mul3A_1393 = arith.muli %scan3A_788, %mul3A_1392 : i32
        %get3A_1394 = arith.constant 100 : i32
        %get3A_1395 = arith.index_cast %get3A_1394 : i32 to index
        %get3A_1396 = arith.index_cast %mul3A_1393 : i32 to index
        %get3A_1397 = tpu.vector_load %arg4[%get3A_1395, %get3A_1396] {strides = array<i32>} : memref<200x128xi32, #tpu.memory_space<vmem>>, vector<16xi32>,
        tpu.vector_store_idx %arg5[%get3A_1247, %add3A_792], %broadcast_in_dim3A_1 {add = true} : memref<24x128xf32, #tpu.memory_space<vmem>>[vector<16xi32>, vector<16xi32>], vector<16xf32>,
        %mul3A_1398 = arith.constant 16 : i32
        %mul3A_1399 = arith.muli %scan3A_788, %mul3A_1398 : i32
        %get3A_1400 = arith.constant 101 : i32
        %get3A_1401 = arith.index_cast %get3A_1400 : i32 to index
        %get3A_1402 = arith.index_cast %mul3A_1399 : i32 to index
        %get3A_1403 = tpu.vector_load %arg4[%get3A_1401, %get3A_1402] {strides = array<i32>} : memref<200x128xi32, #tpu.memory_space<vmem>>, vector<16xi32>,
        tpu.vector_store_idx %arg5[%get3A_1253, %add3A_792], %broadcast_in_dim3A_1 {add = true} : memref<24x128xf32, #tpu.memory_space<vmem>>[vector<16xi32>, vector<16xi32>], vector<16xf32>,
        %mul3A_1404 = arith.constant 16 : i32
        %mul3A_1405 = arith.muli %scan3A_788, %mul3A_1404 : i32
        %get3A_1406 = arith.constant 102 : i32
        %get3A_1407 = arith.index_cast %get3A_1406 : i32 to index
        %get3A_1408 = arith.index_cast %mul3A_1405 : i32 to index
        %get3A_1409 = tpu.vector_load %arg4[%get3A_1407, %get3A_1408] {strides = array<i32>} : memref<200x128xi32, #tpu.memory_space<vmem>>, vector<16xi32>,
        tpu.vector_store_idx %arg5[%get3A_1259, %add3A_792], %broadcast_in_dim3A_1 {add = true} : memref<24x128xf32, #tpu.memory_space<vmem>>[vector<16xi32>, vector<16xi32>], vector<16xf32>,
        %mul3A_1410 = arith.constant 16 : i32
        %mul3A_1411 = arith.muli %scan3A_788, %mul3A_1410 : i32
        %get3A_1412 = arith.constant 103 : i32
        %get3A_1413 = arith.index_cast %get3A_1412 : i32 to index
        %get3A_1414 = arith.index_cast %mul3A_1411 : i32 to index
        %get3A_1415 = tpu.vector_load %arg4[%get3A_1413, %get3A_1414] {strides = array<i32>} : memref<200x128xi32, #tpu.memory_space<vmem>>, vector<16xi32>,
        tpu.vector_store_idx %arg5[%get3A_1265, %add3A_792], %broadcast_in_dim3A_1 {add = true} : memref<24x128xf32, #tpu.memory_space<vmem>>[vector<16xi32>, vector<16xi32>], vector<16xf32>,
        %mul3A_1416 = arith.constant 16 : i32
        %mul3A_1417 = arith.muli %scan3A_788, %mul3A_1416 : i32
        %get3A_1418 = arith.constant 104 : i32
        %get3A_1419 = arith.index_cast %get3A_1418 : i32 to index
        %get3A_1420 = arith.index_cast %mul3A_1417 : i32 to index
        %get3A_1421 = tpu.vector_load %arg4[%get3A_1419, %get3A_1420] {strides = array<i32>} : memref<200x128xi32, #tpu.memory_space<vmem>>, vector<16xi32>,
        tpu.vector_store_idx %arg5[%get3A_1271, %add3A_792], %broadcast_in_dim3A_1 {add = true} : memref<24x128xf32, #tpu.memory_space<vmem>>[vector<16xi32>, vector<16xi32>], vector<16xf32>,
        %mul3A_1422 = arith.constant 16 : i32
        %mul3A_1423 = arith.muli %scan3A_788, %mul3A_1422 : i32
        %get3A_1424 = arith.constant 105 : i32
        %get3A_1425 = arith.index_cast %get3A_1424 : i32 to index
        %get3A_1426 = arith.index_cast %mul3A_1423 : i32 to index
        %get3A_1427 = tpu.vector_load %arg4[%get3A_1425, %get3A_1426] {strides = array<i32>} : memref<200x128xi32, #tpu.memory_space<vmem>>, vector<16xi32>,
        tpu.vector_store_idx %arg5[%get3A_1277, %add3A_792], %broadcast_in_dim3A_1 {add = true} : memref<24x128xf32, #tpu.memory_space<vmem>>[vector<16xi32>, vector<16xi32>], vector<16xf32>,
        %mul3A_1428 = arith.constant 16 : i32
        %mul3A_1429 = arith.muli %scan3A_788, %mul3A_1428 : i32
        %get3A_1430 = arith.constant 106 : i32
        %get3A_1431 = arith.index_cast %get3A_1430 : i32 to index
        %get3A_1432 = arith.index_cast %mul3A_1429 : i32 to index
        %get3A_1433 = tpu.vector_load %arg4[%get3A_1431, %get3A_1432] {strides = array<i32>} : memref<200x128xi32, #tpu.memory_space<vmem>>, vector<16xi32>,
        tpu.vector_store_idx %arg5[%get3A_1283, %add3A_792], %broadcast_in_dim3A_1 {add = true} : memref<24x128xf32, #tpu.memory_space<vmem>>[vector<16xi32>, vector<16xi32>], vector<16xf32>,
        %mul3A_1434 = arith.constant 16 : i32
        %mul3A_1435 = arith.muli %scan3A_788, %mul3A_1434 : i32
        %get3A_1436 = arith.constant 107 : i32
        %get3A_1437 = arith.index_cast %get3A_1436 : i32 to index
        %get3A_1438 = arith.index_cast %mul3A_1435 : i32 to index
        %get3A_1439 = tpu.vector_load %arg4[%get3A_1437, %get3A_1438] {strides = array<i32>} : memref<200x128xi32, #tpu.memory_space<vmem>>, vector<16xi32>,
        tpu.vector_store_idx %arg5[%get3A_1289, %add3A_792], %broadcast_in_dim3A_1 {add = true} : memref<24x128xf32, #tpu.memory_space<vmem>>[vector<16xi32>, vector<16xi32>], vector<16xf32>,
        %mul3A_1440 = arith.constant 16 : i32
        %mul3A_1441 = arith.muli %scan3A_788, %mul3A_1440 : i32
        %get3A_1442 = arith.constant 108 : i32
        %get3A_1443 = arith.index_cast %get3A_1442 : i32 to index
        %get3A_1444 = arith.index_cast %mul3A_1441 : i32 to index
        %get3A_1445 = tpu.vector_load %arg4[%get3A_1443, %get3A_1444] {strides = array<i32>} : memref<200x128xi32, #tpu.memory_space<vmem>>, vector<16xi32>,
        tpu.vector_store_idx %arg5[%get3A_1295, %add3A_792], %broadcast_in_dim3A_1 {add = true} : memref<24x128xf32, #tpu.memory_space<vmem>>[vector<16xi32>, vector<16xi32>], vector<16xf32>,
        %mul3A_1446 = arith.constant 16 : i32
        %mul3A_1447 = arith.muli %scan3A_788, %mul3A_1446 : i32
        %get3A_1448 = arith.constant 109 : i32
        %get3A_1449 = arith.index_cast %get3A_1448 : i32 to index
        %get3A_1450 = arith.index_cast %mul3A_1447 : i32 to index
        %get3A_1451 = tpu.vector_load %arg4[%get3A_1449, %get3A_1450] {strides = array<i32>} : memref<200x128xi32, #tpu.memory_space<vmem>>, vector<16xi32>,
        tpu.vector_store_idx %arg5[%get3A_1301, %add3A_792], %broadcast_in_dim3A_1 {add = true} : memref<24x128xf32, #tpu.memory_space<vmem>>[vector<16xi32>, vector<16xi32>], vector<16xf32>,
        %mul3A_1452 = arith.constant 16 : i32
        %mul3A_1453 = arith.muli %scan3A_788, %mul3A_1452 : i32
        %get3A_1454 = arith.constant 110 : i32
        %get3A_1455 = arith.index_cast %get3A_1454 : i32 to index
        %get3A_1456 = arith.index_cast %mul3A_1453 : i32 to index
        %get3A_1457 = tpu.vector_load %arg4[%get3A_1455, %get3A_1456] {strides = array<i32>} : memref<200x128xi32, #tpu.memory_space<vmem>>, vector<16xi32>,
        tpu.vector_store_idx %arg5[%get3A_1307, %add3A_792], %broadcast_in_dim3A_1 {add = true} : memref<24x128xf32, #tpu.memory_space<vmem>>[vector<16xi32>, vector<16xi32>], vector<16xf32>,
        %mul3A_1458 = arith.constant 16 : i32
        %mul3A_1459 = arith.muli %scan3A_788, %mul3A_1458 : i32
        %get3A_1460 = arith.constant 111 : i32
        %get3A_1461 = arith.index_cast %get3A_1460 : i32 to index
        %get3A_1462 = arith.index_cast %mul3A_1459 : i32 to index
        %get3A_1463 = tpu.vector_load %arg4[%get3A_1461, %get3A_1462] {strides = array<i32>} : memref<200x128xi32, #tpu.memory_space<vmem>>, vector<16xi32>,
        tpu.vector_store_idx %arg5[%get3A_1313, %add3A_792], %broadcast_in_dim3A_1 {add = true} : memref<24x128xf32, #tpu.memory_space<vmem>>[vector<16xi32>, vector<16xi32>], vector<16xf32>,
        %mul3A_1464 = arith.constant 16 : i32
        %mul3A_1465 = arith.muli %scan3A_788, %mul3A_1464 : i32
        %get3A_1466 = arith.constant 112 : i32
        %get3A_1467 = arith.index_cast %get3A_1466 : i32 to index
        %get3A_1468 = arith.index_cast %mul3A_1465 : i32 to index
        %get3A_1469 = tpu.vector_load %arg4[%get3A_1467, %get3A_1468] {strides = array<i32>} : memref<200x128xi32, #tpu.memory_space<vmem>>, vector<16xi32>,
        tpu.vector_store_idx %arg5[%get3A_1319, %add3A_792], %broadcast_in_dim3A_1 {add = true} : memref<24x128xf32, #tpu.memory_space<vmem>>[vector<16xi32>, vector<16xi32>], vector<16xf32>,
        %mul3A_1470 = arith.constant 16 : i32
        %mul3A_1471 = arith.muli %scan3A_788, %mul3A_1470 : i32
        %get3A_1472 = arith.constant 113 : i32
        %get3A_1473 = arith.index_cast %get3A_1472 : i32 to index
        %get3A_1474 = arith.index_cast %mul3A_1471 : i32 to index
        %get3A_1475 = tpu.vector_load %arg4[%get3A_1473, %get3A_1474] {strides = array<i32>} : memref<200x128xi32, #tpu.memory_space<vmem>>, vector<16xi32>,
        tpu.vector_store_idx %arg5[%get3A_1325, %add3A_792], %broadcast_in_dim3A_1 {add = true} : memref<24x128xf32, #tpu.memory_space<vmem>>[vector<16xi32>, vector<16xi32>], vector<16xf32>,
        %mul3A_1476 = arith.constant 16 : i32
        %mul3A_1477 = arith.muli %scan3A_788, %mul3A_1476 : i32
        %get3A_1478 = arith.constant 114 : i32
        %get3A_1479 = arith.index_cast %get3A_1478 : i32 to index
        %get3A_1480 = arith.index_cast %mul3A_1477 : i32 to index
        %get3A_1481 = tpu.vector_load %arg4[%get3A_1479, %get3A_1480] {strides = array<i32>} : memref<200x128xi32, #tpu.memory_space<vmem>>, vector<16xi32>,
        tpu.vector_store_idx %arg5[%get3A_1331, %add3A_792], %broadcast_in_dim3A_1 {add = true} : memref<24x128xf32, #tpu.memory_space<vmem>>[vector<16xi32>, vector<16xi32>], vector<16xf32>,
        %mul3A_1482 = arith.constant 16 : i32
        %mul3A_1483 = arith.muli %scan3A_788, %mul3A_1482 : i32
        %get3A_1484 = arith.constant 115 : i32
        %get3A_1485 = arith.index_cast %get3A_1484 : i32 to index
        %get3A_1486 = arith.index_cast %mul3A_1483 : i32 to index
        %get3A_1487 = tpu.vector_load %arg4[%get3A_1485, %get3A_1486] {strides = array<i32>} : memref<200x128xi32, #tpu.memory_space<vmem>>, vector<16xi32>,
        tpu.vector_store_idx %arg5[%get3A_1337, %add3A_792], %broadcast_in_dim3A_1 {add = true} : memref<24x128xf32, #tpu.memory_space<vmem>>[vector<16xi32>, vector<16xi32>], vector<16xf32>,
        %mul3A_1488 = arith.constant 16 : i32
        %mul3A_1489 = arith.muli %scan3A_788, %mul3A_1488 : i32
        %get3A_1490 = arith.constant 116 : i32
        %get3A_1491 = arith.index_cast %get3A_1490 : i32 to index
        %get3A_1492 = arith.index_cast %mul3A_1489 : i32 to index
        %get3A_1493 = tpu.vector_load %arg4[%get3A_1491, %get3A_1492] {strides = array<i32>} : memref<200x128xi32, #tpu.memory_space<vmem>>, vector<16xi32>,
        tpu.vector_store_idx %arg5[%get3A_1343, %add3A_792], %broadcast_in_dim3A_1 {add = true} : memref<24x128xf32, #tpu.memory_space<vmem>>[vector<16xi32>, vector<16xi32>], vector<16xf32>,
        %mul3A_1494 = arith.constant 16 : i32
        %mul3A_1495 = arith.muli %scan3A_788, %mul3A_1494 : i32
        %get3A_1496 = arith.constant 117 : i32
        %get3A_1497 = arith.index_cast %get3A_1496 : i32 to index
        %get3A_1498 = arith.index_cast %mul3A_1495 : i32 to index
        %get3A_1499 = tpu.vector_load %arg4[%get3A_1497, %get3A_1498] {strides = array<i32>} : memref<200x128xi32, #tpu.memory_space<vmem>>, vector<16xi32>,
        tpu.vector_store_idx %arg5[%get3A_1349, %add3A_792], %broadcast_in_dim3A_1 {add = true} : memref<24x128xf32, #tpu.memory_space<vmem>>[vector<16xi32>, vector<16xi32>], vector<16xf32>,
        %mul3A_1500 = arith.constant 16 : i32
        %mul3A_1501 = arith.muli %scan3A_788, %mul3A_1500 : i32
        %get3A_1502 = arith.constant 118 : i32
        %get3A_1503 = arith.index_cast %get3A_1502 : i32 to index
        %get3A_1504 = arith.index_cast %mul3A_1501 : i32 to index
        %get3A_1505 = tpu.vector_load %arg4[%get3A_1503, %get3A_1504] {strides = array<i32>} : memref<200x128xi32, #tpu.memory_space<vmem>>, vector<16xi32>,
        tpu.vector_store_idx %arg5[%get3A_1355, %add3A_792], %broadcast_in_dim3A_1 {add = true} : memref<24x128xf32, #tpu.memory_space<vmem>>[vector<16xi32>, vector<16xi32>], vector<16xf32>,
        %mul3A_1506 = arith.constant 16 : i32
        %mul3A_1507 = arith.muli %scan3A_788, %mul3A_1506 : i32
        %get3A_1508 = arith.constant 119 : i32
        %get3A_1509 = arith.index_cast %get3A_1508 : i32 to index
        %get3A_1510 = arith.index_cast %mul3A_1507 : i32 to index
        %get3A_1511 = tpu.vector_load %arg4[%get3A_1509, %get3A_1510] {strides = array<i32>} : memref<200x128xi32, #tpu.memory_space<vmem>>, vector<16xi32>,
        tpu.vector_store_idx %arg5[%get3A_1361, %add3A_792], %broadcast_in_dim3A_1 {add = true} : memref<24x128xf32, #tpu.memory_space<vmem>>[vector<16xi32>, vector<16xi32>], vector<16xf32>,
        %mul3A_1512 = arith.constant 16 : i32
        %mul3A_1513 = arith.muli %scan3A_788, %mul3A_1512 : i32
        %get3A_1514 = arith.constant 120 : i32
        %get3A_1515 = arith.index_cast %get3A_1514 : i32 to index
        %get3A_1516 = arith.index_cast %mul3A_1513 : i32 to index
        %get3A_1517 = tpu.vector_load %arg4[%get3A_1515, %get3A_1516] {strides = array<i32>} : memref<200x128xi32, #tpu.memory_space<vmem>>, vector<16xi32>,
        tpu.vector_store_idx %arg5[%get3A_1367, %add3A_792], %broadcast_in_dim3A_1 {add = true} : memref<24x128xf32, #tpu.memory_space<vmem>>[vector<16xi32>, vector<16xi32>], vector<16xf32>,
        %mul3A_1518 = arith.constant 16 : i32
        %mul3A_1519 = arith.muli %scan3A_788, %mul3A_1518 : i32
        %get3A_1520 = arith.constant 121 : i32
        %get3A_1521 = arith.index_cast %get3A_1520 : i32 to index
        %get3A_1522 = arith.index_cast %mul3A_1519 : i32 to index
        %get3A_1523 = tpu.vector_load %arg4[%get3A_1521, %get3A_1522] {strides = array<i32>} : memref<200x128xi32, #tpu.memory_space<vmem>>, vector<16xi32>,
        tpu.vector_store_idx %arg5[%get3A_1373, %add3A_792], %broadcast_in_dim3A_1 {add = true} : memref<24x128xf32, #tpu.memory_space<vmem>>[vector<16xi32>, vector<16xi32>], vector<16xf32>,
        %mul3A_1524 = arith.constant 16 : i32
        %mul3A_1525 = arith.muli %scan3A_788, %mul3A_1524 : i32
        %get3A_1526 = arith.constant 122 : i32
        %get3A_1527 = arith.index_cast %get3A_1526 : i32 to index
        %get3A_1528 = arith.index_cast %mul3A_1525 : i32 to index
        %get3A_1529 = tpu.vector_load %arg4[%get3A_1527, %get3A_1528] {strides = array<i32>} : memref<200x128xi32, #tpu.memory_space<vmem>>, vector<16xi32>,
        tpu.vector_store_idx %arg5[%get3A_1379, %add3A_792], %broadcast_in_dim3A_1 {add = true} : memref<24x128xf32, #tpu.memory_space<vmem>>[vector<16xi32>, vector<16xi32>], vector<16xf32>,
        %mul3A_1530 = arith.constant 16 : i32
        %mul3A_1531 = arith.muli %scan3A_788, %mul3A_1530 : i32
        %get3A_1532 = arith.constant 123 : i32
        %get3A_1533 = arith.index_cast %get3A_1532 : i32 to index
        %get3A_1534 = arith.index_cast %mul3A_1531 : i32 to index
        %get3A_1535 = tpu.vector_load %arg4[%get3A_1533, %get3A_1534] {strides = array<i32>} : memref<200x128xi32, #tpu.memory_space<vmem>>, vector<16xi32>,
        tpu.vector_store_idx %arg5[%get3A_1385, %add3A_792], %broadcast_in_dim3A_1 {add = true} : memref<24x128xf32, #tpu.memory_space<vmem>>[vector<16xi32>, vector<16xi32>], vector<16xf32>,
        %mul3A_1536 = arith.constant 16 : i32
        %mul3A_1537 = arith.muli %scan3A_788, %mul3A_1536 : i32
        %get3A_1538 = arith.constant 124 : i32
        %get3A_1539 = arith.index_cast %get3A_1538 : i32 to index
        %get3A_1540 = arith.index_cast %mul3A_1537 : i32 to index
        %get3A_1541 = tpu.vector_load %arg4[%get3A_1539, %get3A_1540] {strides = array<i32>} : memref<200x128xi32, #tpu.memory_space<vmem>>, vector<16xi32>,
        tpu.vector_store_idx %arg5[%get3A_1391, %add3A_792], %broadcast_in_dim3A_1 {add = true} : memref<24x128xf32, #tpu.memory_space<vmem>>[vector<16xi32>, vector<16xi32>], vector<16xf32>,
        %mul3A_1542 = arith.constant 16 : i32
        %mul3A_1543 = arith.muli %scan3A_788, %mul3A_1542 : i32
        %get3A_1544 = arith.constant 125 : i32
        %get3A_1545 = arith.index_cast %get3A_1544 : i32 to index
        %get3A_1546 = arith.index_cast %mul3A_1543 : i32 to index
        %get3A_1547 = tpu.vector_load %arg4[%get3A_1545, %get3A_1546] {strides = array<i32>} : memref<200x128xi32, #tpu.memory_space<vmem>>, vector<16xi32>,
        tpu.vector_store_idx %arg5[%get3A_1397, %add3A_792], %broadcast_in_dim3A_1 {add = true} : memref<24x128xf32, #tpu.memory_space<vmem>>[vector<16xi32>, vector<16xi32>], vector<16xf32>,
        %mul3A_1548 = arith.constant 16 : i32
        %mul3A_1549 = arith.muli %scan3A_788, %mul3A_1548 : i32
        %get3A_1550 = arith.constant 126 : i32
        %get3A_1551 = arith.index_cast %get3A_1550 : i32 to index
        %get3A_1552 = arith.index_cast %mul3A_1549 : i32 to index
        %get3A_1553 = tpu.vector_load %arg4[%get3A_1551, %get3A_1552] {strides = array<i32>} : memref<200x128xi32, #tpu.memory_space<vmem>>, vector<16xi32>,
        tpu.vector_store_idx %arg5[%get3A_1403, %add3A_792], %broadcast_in_dim3A_1 {add = true} : memref<24x128xf32, #tpu.memory_space<vmem>>[vector<16xi32>, vector<16xi32>], vector<16xf32>,
        %mul3A_1554 = arith.constant 16 : i32
        %mul3A_1555 = arith.muli %scan3A_788, %mul3A_1554 : i32
        %get3A_1556 = arith.constant 127 : i32
        %get3A_1557 = arith.index_cast %get3A_1556 : i32 to index
        %get3A_1558 = arith.index_cast %mul3A_1555 : i32 to index
        %get3A_1559 = tpu.vector_load %arg4[%get3A_1557, %get3A_1558] {strides = array<i32>} : memref<200x128xi32, #tpu.memory_space<vmem>>, vector<16xi32>,
        tpu.vector_store_idx %arg5[%get3A_1409, %add3A_792], %broadcast_in_dim3A_1 {add = true} : memref<24x128xf32, #tpu.memory_space<vmem>>[vector<16xi32>, vector<16xi32>], vector<16xf32>,
        %mul3A_1560 = arith.constant 16 : i32
        %mul3A_1561 = arith.muli %scan3A_788, %mul3A_1560 : i32
        %get3A_1562 = arith.constant 128 : i32
        %get3A_1563 = arith.index_cast %get3A_1562 : i32 to index
        %get3A_1564 = arith.index_cast %mul3A_1561 : i32 to index
        %get3A_1565 = tpu.vector_load %arg4[%get3A_1563, %get3A_1564] {strides = array<i32>} : memref<200x128xi32, #tpu.memory_space<vmem>>, vector<16xi32>,
        tpu.vector_store_idx %arg5[%get3A_1415, %add3A_792], %broadcast_in_dim3A_1 {add = true} : memref<24x128xf32, #tpu.memory_space<vmem>>[vector<16xi32>, vector<16xi32>], vector<16xf32>,
        %mul3A_1566 = arith.constant 16 : i32
        %mul3A_1567 = arith.muli %scan3A_788, %mul3A_1566 : i32
        %get3A_1568 = arith.constant 129 : i32
        %get3A_1569 = arith.index_cast %get3A_1568 : i32 to index
        %get3A_1570 = arith.index_cast %mul3A_1567 : i32 to index
        %get3A_1571 = tpu.vector_load %arg4[%get3A_1569, %get3A_1570] {strides = array<i32>} : memref<200x128xi32, #tpu.memory_space<vmem>>, vector<16xi32>,
        tpu.vector_store_idx %arg5[%get3A_1421, %add3A_792], %broadcast_in_dim3A_1 {add = true} : memref<24x128xf32, #tpu.memory_space<vmem>>[vector<16xi32>, vector<16xi32>], vector<16xf32>,
        %mul3A_1572 = arith.constant 16 : i32
        %mul3A_1573 = arith.muli %scan3A_788, %mul3A_1572 : i32
        %get3A_1574 = arith.constant 130 : i32
        %get3A_1575 = arith.index_cast %get3A_1574 : i32 to index
        %get3A_1576 = arith.index_cast %mul3A_1573 : i32 to index
        %get3A_1577 = tpu.vector_load %arg4[%get3A_1575, %get3A_1576] {strides = array<i32>} : memref<200x128xi32, #tpu.memory_space<vmem>>, vector<16xi32>,
        tpu.vector_store_idx %arg5[%get3A_1427, %add3A_792], %broadcast_in_dim3A_1 {add = true} : memref<24x128xf32, #tpu.memory_space<vmem>>[vector<16xi32>, vector<16xi32>], vector<16xf32>,
        %mul3A_1578 = arith.constant 16 : i32
        %mul3A_1579 = arith.muli %scan3A_788, %mul3A_1578 : i32
        %get3A_1580 = arith.constant 131 : i32
        %get3A_1581 = arith.index_cast %get3A_1580 : i32 to index
        %get3A_1582 = arith.index_cast %mul3A_1579 : i32 to index
        %get3A_1583 = tpu.vector_load %arg4[%get3A_1581, %get3A_1582] {strides = array<i32>} : memref<200x128xi32, #tpu.memory_space<vmem>>, vector<16xi32>,
        tpu.vector_store_idx %arg5[%get3A_1433, %add3A_792], %broadcast_in_dim3A_1 {add = true} : memref<24x128xf32, #tpu.memory_space<vmem>>[vector<16xi32>, vector<16xi32>], vector<16xf32>,
        %mul3A_1584 = arith.constant 16 : i32
        %mul3A_1585 = arith.muli %scan3A_788, %mul3A_1584 : i32
        %get3A_1586 = arith.constant 132 : i32
        %get3A_1587 = arith.index_cast %get3A_1586 : i32 to index
        %get3A_1588 = arith.index_cast %mul3A_1585 : i32 to index
        %get3A_1589 = tpu.vector_load %arg4[%get3A_1587, %get3A_1588] {strides = array<i32>} : memref<200x128xi32, #tpu.memory_space<vmem>>, vector<16xi32>,
        tpu.vector_store_idx %arg5[%get3A_1439, %add3A_792], %broadcast_in_dim3A_1 {add = true} : memref<24x128xf32, #tpu.memory_space<vmem>>[vector<16xi32>, vector<16xi32>], vector<16xf32>,
        %mul3A_1590 = arith.constant 16 : i32
        %mul3A_1591 = arith.muli %scan3A_788, %mul3A_1590 : i32
        %get3A_1592 = arith.constant 133 : i32
        %get3A_1593 = arith.index_cast %get3A_1592 : i32 to index
        %get3A_1594 = arith.index_cast %mul3A_1591 : i32 to index
        %get3A_1595 = tpu.vector_load %arg4[%get3A_1593, %get3A_1594] {strides = array<i32>} : memref<200x128xi32, #tpu.memory_space<vmem>>, vector<16xi32>,
        tpu.vector_store_idx %arg5[%get3A_1445, %add3A_792], %broadcast_in_dim3A_1 {add = true} : memref<24x128xf32, #tpu.memory_space<vmem>>[vector<16xi32>, vector<16xi32>], vector<16xf32>,
        %mul3A_1596 = arith.constant 16 : i32
        %mul3A_1597 = arith.muli %scan3A_788, %mul3A_1596 : i32
        %get3A_1598 = arith.constant 134 : i32
        %get3A_1599 = arith.index_cast %get3A_1598 : i32 to index
        %get3A_1600 = arith.index_cast %mul3A_1597 : i32 to index
        %get3A_1601 = tpu.vector_load %arg4[%get3A_1599, %get3A_1600] {strides = array<i32>} : memref<200x128xi32, #tpu.memory_space<vmem>>, vector<16xi32>,
        tpu.vector_store_idx %arg5[%get3A_1451, %add3A_792], %broadcast_in_dim3A_1 {add = true} : memref<24x128xf32, #tpu.memory_space<vmem>>[vector<16xi32>, vector<16xi32>], vector<16xf32>,
        %mul3A_1602 = arith.constant 16 : i32
        %mul3A_1603 = arith.muli %scan3A_788, %mul3A_1602 : i32
        %get3A_1604 = arith.constant 135 : i32
        %get3A_1605 = arith.index_cast %get3A_1604 : i32 to index
        %get3A_1606 = arith.index_cast %mul3A_1603 : i32 to index
        %get3A_1607 = tpu.vector_load %arg4[%get3A_1605, %get3A_1606] {strides = array<i32>} : memref<200x128xi32, #tpu.memory_space<vmem>>, vector<16xi32>,
        tpu.vector_store_idx %arg5[%get3A_1457, %add3A_792], %broadcast_in_dim3A_1 {add = true} : memref<24x128xf32, #tpu.memory_space<vmem>>[vector<16xi32>, vector<16xi32>], vector<16xf32>,
        %mul3A_1608 = arith.constant 16 : i32
        %mul3A_1609 = arith.muli %scan3A_788, %mul3A_1608 : i32
        %get3A_1610 = arith.constant 136 : i32
        %get3A_1611 = arith.index_cast %get3A_1610 : i32 to index
        %get3A_1612 = arith.index_cast %mul3A_1609 : i32 to index
        %get3A_1613 = tpu.vector_load %arg4[%get3A_1611, %get3A_1612] {strides = array<i32>} : memref<200x128xi32, #tpu.memory_space<vmem>>, vector<16xi32>,
        tpu.vector_store_idx %arg5[%get3A_1463, %add3A_792], %broadcast_in_dim3A_1 {add = true} : memref<24x128xf32, #tpu.memory_space<vmem>>[vector<16xi32>, vector<16xi32>], vector<16xf32>,
        %mul3A_1614 = arith.constant 16 : i32
        %mul3A_1615 = arith.muli %scan3A_788, %mul3A_1614 : i32
        %get3A_1616 = arith.constant 137 : i32
        %get3A_1617 = arith.index_cast %get3A_1616 : i32 to index
        %get3A_1618 = arith.index_cast %mul3A_1615 : i32 to index
        %get3A_1619 = tpu.vector_load %arg4[%get3A_1617, %get3A_1618] {strides = array<i32>} : memref<200x128xi32, #tpu.memory_space<vmem>>, vector<16xi32>,
        tpu.vector_store_idx %arg5[%get3A_1469, %add3A_792], %broadcast_in_dim3A_1 {add = true} : memref<24x128xf32, #tpu.memory_space<vmem>>[vector<16xi32>, vector<16xi32>], vector<16xf32>,
        %mul3A_1620 = arith.constant 16 : i32
        %mul3A_1621 = arith.muli %scan3A_788, %mul3A_1620 : i32
        %get3A_1622 = arith.constant 138 : i32
        %get3A_1623 = arith.index_cast %get3A_1622 : i32 to index
        %get3A_1624 = arith.index_cast %mul3A_1621 : i32 to index
        %get3A_1625 = tpu.vector_load %arg4[%get3A_1623, %get3A_1624] {strides = array<i32>} : memref<200x128xi32, #tpu.memory_space<vmem>>, vector<16xi32>,
        tpu.vector_store_idx %arg5[%get3A_1475, %add3A_792], %broadcast_in_dim3A_1 {add = true} : memref<24x128xf32, #tpu.memory_space<vmem>>[vector<16xi32>, vector<16xi32>], vector<16xf32>,
        %mul3A_1626 = arith.constant 16 : i32
        %mul3A_1627 = arith.muli %scan3A_788, %mul3A_1626 : i32
        %get3A_1628 = arith.constant 139 : i32
        %get3A_1629 = arith.index_cast %get3A_1628 : i32 to index
        %get3A_1630 = arith.index_cast %mul3A_1627 : i32 to index
        %get3A_1631 = tpu.vector_load %arg4[%get3A_1629, %get3A_1630] {strides = array<i32>} : memref<200x128xi32, #tpu.memory_space<vmem>>, vector<16xi32>,
        tpu.vector_store_idx %arg5[%get3A_1481, %add3A_792], %broadcast_in_dim3A_1 {add = true} : memref<24x128xf32, #tpu.memory_space<vmem>>[vector<16xi32>, vector<16xi32>], vector<16xf32>,
        %mul3A_1632 = arith.constant 16 : i32
        %mul3A_1633 = arith.muli %scan3A_788, %mul3A_1632 : i32
        %get3A_1634 = arith.constant 140 : i32
        %get3A_1635 = arith.index_cast %get3A_1634 : i32 to index
        %get3A_1636 = arith.index_cast %mul3A_1633 : i32 to index
        %get3A_1637 = tpu.vector_load %arg4[%get3A_1635, %get3A_1636] {strides = array<i32>} : memref<200x128xi32, #tpu.memory_space<vmem>>, vector<16xi32>,
        tpu.vector_store_idx %arg5[%get3A_1487, %add3A_792], %broadcast_in_dim3A_1 {add = true} : memref<24x128xf32, #tpu.memory_space<vmem>>[vector<16xi32>, vector<16xi32>], vector<16xf32>,
        %mul3A_1638 = arith.constant 16 : i32
        %mul3A_1639 = arith.muli %scan3A_788, %mul3A_1638 : i32
        %get3A_1640 = arith.constant 141 : i32
        %get3A_1641 = arith.index_cast %get3A_1640 : i32 to index
        %get3A_1642 = arith.index_cast %mul3A_1639 : i32 to index
        %get3A_1643 = tpu.vector_load %arg4[%get3A_1641, %get3A_1642] {strides = array<i32>} : memref<200x128xi32, #tpu.memory_space<vmem>>, vector<16xi32>,
        tpu.vector_store_idx %arg5[%get3A_1493, %add3A_792], %broadcast_in_dim3A_1 {add = true} : memref<24x128xf32, #tpu.memory_space<vmem>>[vector<16xi32>, vector<16xi32>], vector<16xf32>,
        %mul3A_1644 = arith.constant 16 : i32
        %mul3A_1645 = arith.muli %scan3A_788, %mul3A_1644 : i32
        %get3A_1646 = arith.constant 142 : i32
        %get3A_1647 = arith.index_cast %get3A_1646 : i32 to index
        %get3A_1648 = arith.index_cast %mul3A_1645 : i32 to index
        %get3A_1649 = tpu.vector_load %arg4[%get3A_1647, %get3A_1648] {strides = array<i32>} : memref<200x128xi32, #tpu.memory_space<vmem>>, vector<16xi32>,
        tpu.vector_store_idx %arg5[%get3A_1499, %add3A_792], %broadcast_in_dim3A_1 {add = true} : memref<24x128xf32, #tpu.memory_space<vmem>>[vector<16xi32>, vector<16xi32>], vector<16xf32>,
        %mul3A_1650 = arith.constant 16 : i32
        %mul3A_1651 = arith.muli %scan3A_788, %mul3A_1650 : i32
        %get3A_1652 = arith.constant 143 : i32
        %get3A_1653 = arith.index_cast %get3A_1652 : i32 to index
        %get3A_1654 = arith.index_cast %mul3A_1651 : i32 to index
        %get3A_1655 = tpu.vector_load %arg4[%get3A_1653, %get3A_1654] {strides = array<i32>} : memref<200x128xi32, #tpu.memory_space<vmem>>, vector<16xi32>,
        tpu.vector_store_idx %arg5[%get3A_1505, %add3A_792], %broadcast_in_dim3A_1 {add = true} : memref<24x128xf32, #tpu.memory_space<vmem>>[vector<16xi32>, vector<16xi32>], vector<16xf32>,
        %mul3A_1656 = arith.constant 16 : i32
        %mul3A_1657 = arith.muli %scan3A_788, %mul3A_1656 : i32
        %get3A_1658 = arith.constant 144 : i32
        %get3A_1659 = arith.index_cast %get3A_1658 : i32 to index
        %get3A_1660 = arith.index_cast %mul3A_1657 : i32 to index
        %get3A_1661 = tpu.vector_load %arg4[%get3A_1659, %get3A_1660] {strides = array<i32>} : memref<200x128xi32, #tpu.memory_space<vmem>>, vector<16xi32>,
        tpu.vector_store_idx %arg5[%get3A_1511, %add3A_792], %broadcast_in_dim3A_1 {add = true} : memref<24x128xf32, #tpu.memory_space<vmem>>[vector<16xi32>, vector<16xi32>], vector<16xf32>,
        %mul3A_1662 = arith.constant 16 : i32
        %mul3A_1663 = arith.muli %scan3A_788, %mul3A_1662 : i32
        %get3A_1664 = arith.constant 145 : i32
        %get3A_1665 = arith.index_cast %get3A_1664 : i32 to index
        %get3A_1666 = arith.index_cast %mul3A_1663 : i32 to index
        %get3A_1667 = tpu.vector_load %arg4[%get3A_1665, %get3A_1666] {strides = array<i32>} : memref<200x128xi32, #tpu.memory_space<vmem>>, vector<16xi32>,
        tpu.vector_store_idx %arg5[%get3A_1517, %add3A_792], %broadcast_in_dim3A_1 {add = true} : memref<24x128xf32, #tpu.memory_space<vmem>>[vector<16xi32>, vector<16xi32>], vector<16xf32>,
        %mul3A_1668 = arith.constant 16 : i32
        %mul3A_1669 = arith.muli %scan3A_788, %mul3A_1668 : i32
        %get3A_1670 = arith.constant 146 : i32
        %get3A_1671 = arith.index_cast %get3A_1670 : i32 to index
        %get3A_1672 = arith.index_cast %mul3A_1669 : i32 to index
        %get3A_1673 = tpu.vector_load %arg4[%get3A_1671, %get3A_1672] {strides = array<i32>} : memref<200x128xi32, #tpu.memory_space<vmem>>, vector<16xi32>,
        tpu.vector_store_idx %arg5[%get3A_1523, %add3A_792], %broadcast_in_dim3A_1 {add = true} : memref<24x128xf32, #tpu.memory_space<vmem>>[vector<16xi32>, vector<16xi32>], vector<16xf32>,
        %mul3A_1674 = arith.constant 16 : i32
        %mul3A_1675 = arith.muli %scan3A_788, %mul3A_1674 : i32
        %get3A_1676 = arith.constant 147 : i32
        %get3A_1677 = arith.index_cast %get3A_1676 : i32 to index
        %get3A_1678 = arith.index_cast %mul3A_1675 : i32 to index
        %get3A_1679 = tpu.vector_load %arg4[%get3A_1677, %get3A_1678] {strides = array<i32>} : memref<200x128xi32, #tpu.memory_space<vmem>>, vector<16xi32>,
        tpu.vector_store_idx %arg5[%get3A_1529, %add3A_792], %broadcast_in_dim3A_1 {add = true} : memref<24x128xf32, #tpu.memory_space<vmem>>[vector<16xi32>, vector<16xi32>], vector<16xf32>,
        %mul3A_1680 = arith.constant 16 : i32
        %mul3A_1681 = arith.muli %scan3A_788, %mul3A_1680 : i32
        %get3A_1682 = arith.constant 148 : i32
        %get3A_1683 = arith.index_cast %get3A_1682 : i32 to index
        %get3A_1684 = arith.index_cast %mul3A_1681 : i32 to index
        %get3A_1685 = tpu.vector_load %arg4[%get3A_1683, %get3A_1684] {strides = array<i32>} : memref<200x128xi32, #tpu.memory_space<vmem>>, vector<16xi32>,
        tpu.vector_store_idx %arg5[%get3A_1535, %add3A_792], %broadcast_in_dim3A_1 {add = true} : memref<24x128xf32, #tpu.memory_space<vmem>>[vector<16xi32>, vector<16xi32>], vector<16xf32>,
        %mul3A_1686 = arith.constant 16 : i32
        %mul3A_1687 = arith.muli %scan3A_788, %mul3A_1686 : i32
        %get3A_1688 = arith.constant 149 : i32
        %get3A_1689 = arith.index_cast %get3A_1688 : i32 to index
        %get3A_1690 = arith.index_cast %mul3A_1687 : i32 to index
        %get3A_1691 = tpu.vector_load %arg4[%get3A_1689, %get3A_1690] {strides = array<i32>} : memref<200x128xi32, #tpu.memory_space<vmem>>, vector<16xi32>,
        tpu.vector_store_idx %arg5[%get3A_1541, %add3A_792], %broadcast_in_dim3A_1 {add = true} : memref<24x128xf32, #tpu.memory_space<vmem>>[vector<16xi32>, vector<16xi32>], vector<16xf32>,
        %mul3A_1692 = arith.constant 16 : i32
        %mul3A_1693 = arith.muli %scan3A_788, %mul3A_1692 : i32
        %get3A_1694 = arith.constant 150 : i32
        %get3A_1695 = arith.index_cast %get3A_1694 : i32 to index
        %get3A_1696 = arith.index_cast %mul3A_1693 : i32 to index
        %get3A_1697 = tpu.vector_load %arg4[%get3A_1695, %get3A_1696] {strides = array<i32>} : memref<200x128xi32, #tpu.memory_space<vmem>>, vector<16xi32>,
        tpu.vector_store_idx %arg5[%get3A_1547, %add3A_792], %broadcast_in_dim3A_1 {add = true} : memref<24x128xf32, #tpu.memory_space<vmem>>[vector<16xi32>, vector<16xi32>], vector<16xf32>,
        %mul3A_1698 = arith.constant 16 : i32
        %mul3A_1699 = arith.muli %scan3A_788, %mul3A_1698 : i32
        %get3A_1700 = arith.constant 151 : i32
        %get3A_1701 = arith.index_cast %get3A_1700 : i32 to index
        %get3A_1702 = arith.index_cast %mul3A_1699 : i32 to index
        %get3A_1703 = tpu.vector_load %arg4[%get3A_1701, %get3A_1702] {strides = array<i32>} : memref<200x128xi32, #tpu.memory_space<vmem>>, vector<16xi32>,
        tpu.vector_store_idx %arg5[%get3A_1553, %add3A_792], %broadcast_in_dim3A_1 {add = true} : memref<24x128xf32, #tpu.memory_space<vmem>>[vector<16xi32>, vector<16xi32>], vector<16xf32>,
        %mul3A_1704 = arith.constant 16 : i32
        %mul3A_1705 = arith.muli %scan3A_788, %mul3A_1704 : i32
        %get3A_1706 = arith.constant 152 : i32
        %get3A_1707 = arith.index_cast %get3A_1706 : i32 to index
        %get3A_1708 = arith.index_cast %mul3A_1705 : i32 to index
        %get3A_1709 = tpu.vector_load %arg4[%get3A_1707, %get3A_1708] {strides = array<i32>} : memref<200x128xi32, #tpu.memory_space<vmem>>, vector<16xi32>,
        tpu.vector_store_idx %arg5[%get3A_1559, %add3A_792], %broadcast_in_dim3A_1 {add = true} : memref<24x128xf32, #tpu.memory_space<vmem>>[vector<16xi32>, vector<16xi32>], vector<16xf32>,
        %mul3A_1710 = arith.constant 16 : i32
        %mul3A_1711 = arith.muli %scan3A_788, %mul3A_1710 : i32
        %get3A_1712 = arith.constant 153 : i32
        %get3A_1713 = arith.index_cast %get3A_1712 : i32 to index
        %get3A_1714 = arith.index_cast %mul3A_1711 : i32 to index
        %get3A_1715 = tpu.vector_load %arg4[%get3A_1713, %get3A_1714] {strides = array<i32>} : memref<200x128xi32, #tpu.memory_space<vmem>>, vector<16xi32>,
        tpu.vector_store_idx %arg5[%get3A_1565, %add3A_792], %broadcast_in_dim3A_1 {add = true} : memref<24x128xf32, #tpu.memory_space<vmem>>[vector<16xi32>, vector<16xi32>], vector<16xf32>,
        %mul3A_1716 = arith.constant 16 : i32
        %mul3A_1717 = arith.muli %scan3A_788, %mul3A_1716 : i32
        %get3A_1718 = arith.constant 154 : i32
        %get3A_1719 = arith.index_cast %get3A_1718 : i32 to index
        %get3A_1720 = arith.index_cast %mul3A_1717 : i32 to index
        %get3A_1721 = tpu.vector_load %arg4[%get3A_1719, %get3A_1720] {strides = array<i32>} : memref<200x128xi32, #tpu.memory_space<vmem>>, vector<16xi32>,
        tpu.vector_store_idx %arg5[%get3A_1571, %add3A_792], %broadcast_in_dim3A_1 {add = true} : memref<24x128xf32, #tpu.memory_space<vmem>>[vector<16xi32>, vector<16xi32>], vector<16xf32>,
        %mul3A_1722 = arith.constant 16 : i32
        %mul3A_1723 = arith.muli %scan3A_788, %mul3A_1722 : i32
        %get3A_1724 = arith.constant 155 : i32
        %get3A_1725 = arith.index_cast %get3A_1724 : i32 to index
        %get3A_1726 = arith.index_cast %mul3A_1723 : i32 to index
        %get3A_1727 = tpu.vector_load %arg4[%get3A_1725, %get3A_1726] {strides = array<i32>} : memref<200x128xi32, #tpu.memory_space<vmem>>, vector<16xi32>,
        tpu.vector_store_idx %arg5[%get3A_1577, %add3A_792], %broadcast_in_dim3A_1 {add = true} : memref<24x128xf32, #tpu.memory_space<vmem>>[vector<16xi32>, vector<16xi32>], vector<16xf32>,
        %mul3A_1728 = arith.constant 16 : i32
        %mul3A_1729 = arith.muli %scan3A_788, %mul3A_1728 : i32
        %get3A_1730 = arith.constant 156 : i32
        %get3A_1731 = arith.index_cast %get3A_1730 : i32 to index
        %get3A_1732 = arith.index_cast %mul3A_1729 : i32 to index
        %get3A_1733 = tpu.vector_load %arg4[%get3A_1731, %get3A_1732] {strides = array<i32>} : memref<200x128xi32, #tpu.memory_space<vmem>>, vector<16xi32>,
        tpu.vector_store_idx %arg5[%get3A_1583, %add3A_792], %broadcast_in_dim3A_1 {add = true} : memref<24x128xf32, #tpu.memory_space<vmem>>[vector<16xi32>, vector<16xi32>], vector<16xf32>,
        %mul3A_1734 = arith.constant 16 : i32
        %mul3A_1735 = arith.muli %scan3A_788, %mul3A_1734 : i32
        %get3A_1736 = arith.constant 157 : i32
        %get3A_1737 = arith.index_cast %get3A_1736 : i32 to index
        %get3A_1738 = arith.index_cast %mul3A_1735 : i32 to index
        %get3A_1739 = tpu.vector_load %arg4[%get3A_1737, %get3A_1738] {strides = array<i32>} : memref<200x128xi32, #tpu.memory_space<vmem>>, vector<16xi32>,
        tpu.vector_store_idx %arg5[%get3A_1589, %add3A_792], %broadcast_in_dim3A_1 {add = true} : memref<24x128xf32, #tpu.memory_space<vmem>>[vector<16xi32>, vector<16xi32>], vector<16xf32>,
        %mul3A_1740 = arith.constant 16 : i32
        %mul3A_1741 = arith.muli %scan3A_788, %mul3A_1740 : i32
        %get3A_1742 = arith.constant 158 : i32
        %get3A_1743 = arith.index_cast %get3A_1742 : i32 to index
        %get3A_1744 = arith.index_cast %mul3A_1741 : i32 to index
        %get3A_1745 = tpu.vector_load %arg4[%get3A_1743, %get3A_1744] {strides = array<i32>} : memref<200x128xi32, #tpu.memory_space<vmem>>, vector<16xi32>,
        tpu.vector_store_idx %arg5[%get3A_1595, %add3A_792], %broadcast_in_dim3A_1 {add = true} : memref<24x128xf32, #tpu.memory_space<vmem>>[vector<16xi32>, vector<16xi32>], vector<16xf32>,
        %mul3A_1746 = arith.constant 16 : i32
        %mul3A_1747 = arith.muli %scan3A_788, %mul3A_1746 : i32
        %get3A_1748 = arith.constant 159 : i32
        %get3A_1749 = arith.index_cast %get3A_1748 : i32 to index
        %get3A_1750 = arith.index_cast %mul3A_1747 : i32 to index
        %get3A_1751 = tpu.vector_load %arg4[%get3A_1749, %get3A_1750] {strides = array<i32>} : memref<200x128xi32, #tpu.memory_space<vmem>>, vector<16xi32>,
        tpu.vector_store_idx %arg5[%get3A_1601, %add3A_792], %broadcast_in_dim3A_1 {add = true} : memref<24x128xf32, #tpu.memory_space<vmem>>[vector<16xi32>, vector<16xi32>], vector<16xf32>,
        %mul3A_1752 = arith.constant 16 : i32
        %mul3A_1753 = arith.muli %scan3A_788, %mul3A_1752 : i32
        %get3A_1754 = arith.constant 160 : i32
        %get3A_1755 = arith.index_cast %get3A_1754 : i32 to index
        %get3A_1756 = arith.index_cast %mul3A_1753 : i32 to index
        %get3A_1757 = tpu.vector_load %arg4[%get3A_1755, %get3A_1756] {strides = array<i32>} : memref<200x128xi32, #tpu.memory_space<vmem>>, vector<16xi32>,
        tpu.vector_store_idx %arg5[%get3A_1607, %add3A_792], %broadcast_in_dim3A_1 {add = true} : memref<24x128xf32, #tpu.memory_space<vmem>>[vector<16xi32>, vector<16xi32>], vector<16xf32>,
        %mul3A_1758 = arith.constant 16 : i32
        %mul3A_1759 = arith.muli %scan3A_788, %mul3A_1758 : i32
        %get3A_1760 = arith.constant 161 : i32
        %get3A_1761 = arith.index_cast %get3A_1760 : i32 to index
        %get3A_1762 = arith.index_cast %mul3A_1759 : i32 to index
        %get3A_1763 = tpu.vector_load %arg4[%get3A_1761, %get3A_1762] {strides = array<i32>} : memref<200x128xi32, #tpu.memory_space<vmem>>, vector<16xi32>,
        tpu.vector_store_idx %arg5[%get3A_1613, %add3A_792], %broadcast_in_dim3A_1 {add = true} : memref<24x128xf32, #tpu.memory_space<vmem>>[vector<16xi32>, vector<16xi32>], vector<16xf32>,
        %mul3A_1764 = arith.constant 16 : i32
        %mul3A_1765 = arith.muli %scan3A_788, %mul3A_1764 : i32
        %get3A_1766 = arith.constant 162 : i32
        %get3A_1767 = arith.index_cast %get3A_1766 : i32 to index
        %get3A_1768 = arith.index_cast %mul3A_1765 : i32 to index
        %get3A_1769 = tpu.vector_load %arg4[%get3A_1767, %get3A_1768] {strides = array<i32>} : memref<200x128xi32, #tpu.memory_space<vmem>>, vector<16xi32>,
        tpu.vector_store_idx %arg5[%get3A_1619, %add3A_792], %broadcast_in_dim3A_1 {add = true} : memref<24x128xf32, #tpu.memory_space<vmem>>[vector<16xi32>, vector<16xi32>], vector<16xf32>,
        %mul3A_1770 = arith.constant 16 : i32
        %mul3A_1771 = arith.muli %scan3A_788, %mul3A_1770 : i32
        %get3A_1772 = arith.constant 163 : i32
        %get3A_1773 = arith.index_cast %get3A_1772 : i32 to index
        %get3A_1774 = arith.index_cast %mul3A_1771 : i32 to index
        %get3A_1775 = tpu.vector_load %arg4[%get3A_1773, %get3A_1774] {strides = array<i32>} : memref<200x128xi32, #tpu.memory_space<vmem>>, vector<16xi32>,
        tpu.vector_store_idx %arg5[%get3A_1625, %add3A_792], %broadcast_in_dim3A_1 {add = true} : memref<24x128xf32, #tpu.memory_space<vmem>>[vector<16xi32>, vector<16xi32>], vector<16xf32>,
        %mul3A_1776 = arith.constant 16 : i32
        %mul3A_1777 = arith.muli %scan3A_788, %mul3A_1776 : i32
        %get3A_1778 = arith.constant 164 : i32
        %get3A_1779 = arith.index_cast %get3A_1778 : i32 to index
        %get3A_1780 = arith.index_cast %mul3A_1777 : i32 to index
        %get3A_1781 = tpu.vector_load %arg4[%get3A_1779, %get3A_1780] {strides = array<i32>} : memref<200x128xi32, #tpu.memory_space<vmem>>, vector<16xi32>,
        tpu.vector_store_idx %arg5[%get3A_1631, %add3A_792], %broadcast_in_dim3A_1 {add = true} : memref<24x128xf32, #tpu.memory_space<vmem>>[vector<16xi32>, vector<16xi32>], vector<16xf32>,
        %mul3A_1782 = arith.constant 16 : i32
        %mul3A_1783 = arith.muli %scan3A_788, %mul3A_1782 : i32
        %get3A_1784 = arith.constant 165 : i32
        %get3A_1785 = arith.index_cast %get3A_1784 : i32 to index
        %get3A_1786 = arith.index_cast %mul3A_1783 : i32 to index
        %get3A_1787 = tpu.vector_load %arg4[%get3A_1785, %get3A_1786] {strides = array<i32>} : memref<200x128xi32, #tpu.memory_space<vmem>>, vector<16xi32>,
        tpu.vector_store_idx %arg5[%get3A_1637, %add3A_792], %broadcast_in_dim3A_1 {add = true} : memref<24x128xf32, #tpu.memory_space<vmem>>[vector<16xi32>, vector<16xi32>], vector<16xf32>,
        %mul3A_1788 = arith.constant 16 : i32
        %mul3A_1789 = arith.muli %scan3A_788, %mul3A_1788 : i32
        %get3A_1790 = arith.constant 166 : i32
        %get3A_1791 = arith.index_cast %get3A_1790 : i32 to index
        %get3A_1792 = arith.index_cast %mul3A_1789 : i32 to index
        %get3A_1793 = tpu.vector_load %arg4[%get3A_1791, %get3A_1792] {strides = array<i32>} : memref<200x128xi32, #tpu.memory_space<vmem>>, vector<16xi32>,
        tpu.vector_store_idx %arg5[%get3A_1643, %add3A_792], %broadcast_in_dim3A_1 {add = true} : memref<24x128xf32, #tpu.memory_space<vmem>>[vector<16xi32>, vector<16xi32>], vector<16xf32>,
        %mul3A_1794 = arith.constant 16 : i32
        %mul3A_1795 = arith.muli %scan3A_788, %mul3A_1794 : i32
        %get3A_1796 = arith.constant 167 : i32
        %get3A_1797 = arith.index_cast %get3A_1796 : i32 to index
        %get3A_1798 = arith.index_cast %mul3A_1795 : i32 to index
        %get3A_1799 = tpu.vector_load %arg4[%get3A_1797, %get3A_1798] {strides = array<i32>} : memref<200x128xi32, #tpu.memory_space<vmem>>, vector<16xi32>,
        tpu.vector_store_idx %arg5[%get3A_1649, %add3A_792], %broadcast_in_dim3A_1 {add = true} : memref<24x128xf32, #tpu.memory_space<vmem>>[vector<16xi32>, vector<16xi32>], vector<16xf32>,
        %mul3A_1800 = arith.constant 16 : i32
        %mul3A_1801 = arith.muli %scan3A_788, %mul3A_1800 : i32
        %get3A_1802 = arith.constant 168 : i32
        %get3A_1803 = arith.index_cast %get3A_1802 : i32 to index
        %get3A_1804 = arith.index_cast %mul3A_1801 : i32 to index
        %get3A_1805 = tpu.vector_load %arg4[%get3A_1803, %get3A_1804] {strides = array<i32>} : memref<200x128xi32, #tpu.memory_space<vmem>>, vector<16xi32>,
        tpu.vector_store_idx %arg5[%get3A_1655, %add3A_792], %broadcast_in_dim3A_1 {add = true} : memref<24x128xf32, #tpu.memory_space<vmem>>[vector<16xi32>, vector<16xi32>], vector<16xf32>,
        %mul3A_1806 = arith.constant 16 : i32
        %mul3A_1807 = arith.muli %scan3A_788, %mul3A_1806 : i32
        %get3A_1808 = arith.constant 169 : i32
        %get3A_1809 = arith.index_cast %get3A_1808 : i32 to index
        %get3A_1810 = arith.index_cast %mul3A_1807 : i32 to index
        %get3A_1811 = tpu.vector_load %arg4[%get3A_1809, %get3A_1810] {strides = array<i32>} : memref<200x128xi32, #tpu.memory_space<vmem>>, vector<16xi32>,
        tpu.vector_store_idx %arg5[%get3A_1661, %add3A_792], %broadcast_in_dim3A_1 {add = true} : memref<24x128xf32, #tpu.memory_space<vmem>>[vector<16xi32>, vector<16xi32>], vector<16xf32>,
        %mul3A_1812 = arith.constant 16 : i32
        %mul3A_1813 = arith.muli %scan3A_788, %mul3A_1812 : i32
        %get3A_1814 = arith.constant 170 : i32
        %get3A_1815 = arith.index_cast %get3A_1814 : i32 to index
        %get3A_1816 = arith.index_cast %mul3A_1813 : i32 to index
        %get3A_1817 = tpu.vector_load %arg4[%get3A_1815, %get3A_1816] {strides = array<i32>} : memref<200x128xi32, #tpu.memory_space<vmem>>, vector<16xi32>,
        tpu.vector_store_idx %arg5[%get3A_1667, %add3A_792], %broadcast_in_dim3A_1 {add = true} : memref<24x128xf32, #tpu.memory_space<vmem>>[vector<16xi32>, vector<16xi32>], vector<16xf32>,
        %mul3A_1818 = arith.constant 16 : i32
        %mul3A_1819 = arith.muli %scan3A_788, %mul3A_1818 : i32
        %get3A_1820 = arith.constant 171 : i32
        %get3A_1821 = arith.index_cast %get3A_1820 : i32 to index
        %get3A_1822 = arith.index_cast %mul3A_1819 : i32 to index
        %get3A_1823 = tpu.vector_load %arg4[%get3A_1821, %get3A_1822] {strides = array<i32>} : memref<200x128xi32, #tpu.memory_space<vmem>>, vector<16xi32>,
        tpu.vector_store_idx %arg5[%get3A_1673, %add3A_792], %broadcast_in_dim3A_1 {add = true} : memref<24x128xf32, #tpu.memory_space<vmem>>[vector<16xi32>, vector<16xi32>], vector<16xf32>,
        %mul3A_1824 = arith.constant 16 : i32
        %mul3A_1825 = arith.muli %scan3A_788, %mul3A_1824 : i32
        %get3A_1826 = arith.constant 172 : i32
        %get3A_1827 = arith.index_cast %get3A_1826 : i32 to index
        %get3A_1828 = arith.index_cast %mul3A_1825 : i32 to index
        %get3A_1829 = tpu.vector_load %arg4[%get3A_1827, %get3A_1828] {strides = array<i32>} : memref<200x128xi32, #tpu.memory_space<vmem>>, vector<16xi32>,
        tpu.vector_store_idx %arg5[%get3A_1679, %add3A_792], %broadcast_in_dim3A_1 {add = true} : memref<24x128xf32, #tpu.memory_space<vmem>>[vector<16xi32>, vector<16xi32>], vector<16xf32>,
        %mul3A_1830 = arith.constant 16 : i32
        %mul3A_1831 = arith.muli %scan3A_788, %mul3A_1830 : i32
        %get3A_1832 = arith.constant 173 : i32
        %get3A_1833 = arith.index_cast %get3A_1832 : i32 to index
        %get3A_1834 = arith.index_cast %mul3A_1831 : i32 to index
        %get3A_1835 = tpu.vector_load %arg4[%get3A_1833, %get3A_1834] {strides = array<i32>} : memref<200x128xi32, #tpu.memory_space<vmem>>, vector<16xi32>,
        tpu.vector_store_idx %arg5[%get3A_1685, %add3A_792], %broadcast_in_dim3A_1 {add = true} : memref<24x128xf32, #tpu.memory_space<vmem>>[vector<16xi32>, vector<16xi32>], vector<16xf32>,
        %mul3A_1836 = arith.constant 16 : i32
        %mul3A_1837 = arith.muli %scan3A_788, %mul3A_1836 : i32
        %get3A_1838 = arith.constant 174 : i32
        %get3A_1839 = arith.index_cast %get3A_1838 : i32 to index
        %get3A_1840 = arith.index_cast %mul3A_1837 : i32 to index
        %get3A_1841 = tpu.vector_load %arg4[%get3A_1839, %get3A_1840] {strides = array<i32>} : memref<200x128xi32, #tpu.memory_space<vmem>>, vector<16xi32>,
        tpu.vector_store_idx %arg5[%get3A_1691, %add3A_792], %broadcast_in_dim3A_1 {add = true} : memref<24x128xf32, #tpu.memory_space<vmem>>[vector<16xi32>, vector<16xi32>], vector<16xf32>,
        %mul3A_1842 = arith.constant 16 : i32
        %mul3A_1843 = arith.muli %scan3A_788, %mul3A_1842 : i32
        %get3A_1844 = arith.constant 175 : i32
        %get3A_1845 = arith.index_cast %get3A_1844 : i32 to index
        %get3A_1846 = arith.index_cast %mul3A_1843 : i32 to index
        %get3A_1847 = tpu.vector_load %arg4[%get3A_1845, %get3A_1846] {strides = array<i32>} : memref<200x128xi32, #tpu.memory_space<vmem>>, vector<16xi32>,
        tpu.vector_store_idx %arg5[%get3A_1697, %add3A_792], %broadcast_in_dim3A_1 {add = true} : memref<24x128xf32, #tpu.memory_space<vmem>>[vector<16xi32>, vector<16xi32>], vector<16xf32>,
        %mul3A_1848 = arith.constant 16 : i32
        %mul3A_1849 = arith.muli %scan3A_788, %mul3A_1848 : i32
        %get3A_1850 = arith.constant 176 : i32
        %get3A_1851 = arith.index_cast %get3A_1850 : i32 to index
        %get3A_1852 = arith.index_cast %mul3A_1849 : i32 to index
        %get3A_1853 = tpu.vector_load %arg4[%get3A_1851, %get3A_1852] {strides = array<i32>} : memref<200x128xi32, #tpu.memory_space<vmem>>, vector<16xi32>,
        tpu.vector_store_idx %arg5[%get3A_1703, %add3A_792], %broadcast_in_dim3A_1 {add = true} : memref<24x128xf32, #tpu.memory_space<vmem>>[vector<16xi32>, vector<16xi32>], vector<16xf32>,
        %mul3A_1854 = arith.constant 16 : i32
        %mul3A_1855 = arith.muli %scan3A_788, %mul3A_1854 : i32
        %get3A_1856 = arith.constant 177 : i32
        %get3A_1857 = arith.index_cast %get3A_1856 : i32 to index
        %get3A_1858 = arith.index_cast %mul3A_1855 : i32 to index
        %get3A_1859 = tpu.vector_load %arg4[%get3A_1857, %get3A_1858] {strides = array<i32>} : memref<200x128xi32, #tpu.memory_space<vmem>>, vector<16xi32>,
        tpu.vector_store_idx %arg5[%get3A_1709, %add3A_792], %broadcast_in_dim3A_1 {add = true} : memref<24x128xf32, #tpu.memory_space<vmem>>[vector<16xi32>, vector<16xi32>], vector<16xf32>,
        %mul3A_1860 = arith.constant 16 : i32
        %mul3A_1861 = arith.muli %scan3A_788, %mul3A_1860 : i32
        %get3A_1862 = arith.constant 178 : i32
        %get3A_1863 = arith.index_cast %get3A_1862 : i32 to index
        %get3A_1864 = arith.index_cast %mul3A_1861 : i32 to index
        %get3A_1865 = tpu.vector_load %arg4[%get3A_1863, %get3A_1864] {strides = array<i32>} : memref<200x128xi32, #tpu.memory_space<vmem>>, vector<16xi32>,
        tpu.vector_store_idx %arg5[%get3A_1715, %add3A_792], %broadcast_in_dim3A_1 {add = true} : memref<24x128xf32, #tpu.memory_space<vmem>>[vector<16xi32>, vector<16xi32>], vector<16xf32>,
        %mul3A_1866 = arith.constant 16 : i32
        %mul3A_1867 = arith.muli %scan3A_788, %mul3A_1866 : i32
        %get3A_1868 = arith.constant 179 : i32
        %get3A_1869 = arith.index_cast %get3A_1868 : i32 to index
        %get3A_1870 = arith.index_cast %mul3A_1867 : i32 to index
        %get3A_1871 = tpu.vector_load %arg4[%get3A_1869, %get3A_1870] {strides = array<i32>} : memref<200x128xi32, #tpu.memory_space<vmem>>, vector<16xi32>,
        tpu.vector_store_idx %arg5[%get3A_1721, %add3A_792], %broadcast_in_dim3A_1 {add = true} : memref<24x128xf32, #tpu.memory_space<vmem>>[vector<16xi32>, vector<16xi32>], vector<16xf32>,
        %mul3A_1872 = arith.constant 16 : i32
        %mul3A_1873 = arith.muli %scan3A_788, %mul3A_1872 : i32
        %get3A_1874 = arith.constant 180 : i32
        %get3A_1875 = arith.index_cast %get3A_1874 : i32 to index
        %get3A_1876 = arith.index_cast %mul3A_1873 : i32 to index
        %get3A_1877 = tpu.vector_load %arg4[%get3A_1875, %get3A_1876] {strides = array<i32>} : memref<200x128xi32, #tpu.memory_space<vmem>>, vector<16xi32>,
        tpu.vector_store_idx %arg5[%get3A_1727, %add3A_792], %broadcast_in_dim3A_1 {add = true} : memref<24x128xf32, #tpu.memory_space<vmem>>[vector<16xi32>, vector<16xi32>], vector<16xf32>,
        %mul3A_1878 = arith.constant 16 : i32
        %mul3A_1879 = arith.muli %scan3A_788, %mul3A_1878 : i32
        %get3A_1880 = arith.constant 181 : i32
        %get3A_1881 = arith.index_cast %get3A_1880 : i32 to index
        %get3A_1882 = arith.index_cast %mul3A_1879 : i32 to index
        %get3A_1883 = tpu.vector_load %arg4[%get3A_1881, %get3A_1882] {strides = array<i32>} : memref<200x128xi32, #tpu.memory_space<vmem>>, vector<16xi32>,
        tpu.vector_store_idx %arg5[%get3A_1733, %add3A_792], %broadcast_in_dim3A_1 {add = true} : memref<24x128xf32, #tpu.memory_space<vmem>>[vector<16xi32>, vector<16xi32>], vector<16xf32>,
        %mul3A_1884 = arith.constant 16 : i32
        %mul3A_1885 = arith.muli %scan3A_788, %mul3A_1884 : i32
        %get3A_1886 = arith.constant 182 : i32
        %get3A_1887 = arith.index_cast %get3A_1886 : i32 to index
        %get3A_1888 = arith.index_cast %mul3A_1885 : i32 to index
        %get3A_1889 = tpu.vector_load %arg4[%get3A_1887, %get3A_1888] {strides = array<i32>} : memref<200x128xi32, #tpu.memory_space<vmem>>, vector<16xi32>,
        tpu.vector_store_idx %arg5[%get3A_1739, %add3A_792], %broadcast_in_dim3A_1 {add = true} : memref<24x128xf32, #tpu.memory_space<vmem>>[vector<16xi32>, vector<16xi32>], vector<16xf32>,
        %mul3A_1890 = arith.constant 16 : i32
        %mul3A_1891 = arith.muli %scan3A_788, %mul3A_1890 : i32
        %get3A_1892 = arith.constant 183 : i32
        %get3A_1893 = arith.index_cast %get3A_1892 : i32 to index
        %get3A_1894 = arith.index_cast %mul3A_1891 : i32 to index
        %get3A_1895 = tpu.vector_load %arg4[%get3A_1893, %get3A_1894] {strides = array<i32>} : memref<200x128xi32, #tpu.memory_space<vmem>>, vector<16xi32>,
        tpu.vector_store_idx %arg5[%get3A_1745, %add3A_792], %broadcast_in_dim3A_1 {add = true} : memref<24x128xf32, #tpu.memory_space<vmem>>[vector<16xi32>, vector<16xi32>], vector<16xf32>,
        %mul3A_1896 = arith.constant 16 : i32
        %mul3A_1897 = arith.muli %scan3A_788, %mul3A_1896 : i32
        %get3A_1898 = arith.constant 184 : i32
        %get3A_1899 = arith.index_cast %get3A_1898 : i32 to index
        %get3A_1900 = arith.index_cast %mul3A_1897 : i32 to index
        %get3A_1901 = tpu.vector_load %arg4[%get3A_1899, %get3A_1900] {strides = array<i32>} : memref<200x128xi32, #tpu.memory_space<vmem>>, vector<16xi32>,
        tpu.vector_store_idx %arg5[%get3A_1751, %add3A_792], %broadcast_in_dim3A_1 {add = true} : memref<24x128xf32, #tpu.memory_space<vmem>>[vector<16xi32>, vector<16xi32>], vector<16xf32>,
        %mul3A_1902 = arith.constant 16 : i32
        %mul3A_1903 = arith.muli %scan3A_788, %mul3A_1902 : i32
        %get3A_1904 = arith.constant 185 : i32
        %get3A_1905 = arith.index_cast %get3A_1904 : i32 to index
        %get3A_1906 = arith.index_cast %mul3A_1903 : i32 to index
        %get3A_1907 = tpu.vector_load %arg4[%get3A_1905, %get3A_1906] {strides = array<i32>} : memref<200x128xi32, #tpu.memory_space<vmem>>, vector<16xi32>,
        tpu.vector_store_idx %arg5[%get3A_1757, %add3A_792], %broadcast_in_dim3A_1 {add = true} : memref<24x128xf32, #tpu.memory_space<vmem>>[vector<16xi32>, vector<16xi32>], vector<16xf32>,
        %mul3A_1908 = arith.constant 16 : i32
        %mul3A_1909 = arith.muli %scan3A_788, %mul3A_1908 : i32
        %get3A_1910 = arith.constant 186 : i32
        %get3A_1911 = arith.index_cast %get3A_1910 : i32 to index
        %get3A_1912 = arith.index_cast %mul3A_1909 : i32 to index
        %get3A_1913 = tpu.vector_load %arg4[%get3A_1911, %get3A_1912] {strides = array<i32>} : memref<200x128xi32, #tpu.memory_space<vmem>>, vector<16xi32>,
        tpu.vector_store_idx %arg5[%get3A_1763, %add3A_792], %broadcast_in_dim3A_1 {add = true} : memref<24x128xf32, #tpu.memory_space<vmem>>[vector<16xi32>, vector<16xi32>], vector<16xf32>,
        %mul3A_1914 = arith.constant 16 : i32
        %mul3A_1915 = arith.muli %scan3A_788, %mul3A_1914 : i32
        %get3A_1916 = arith.constant 187 : i32
        %get3A_1917 = arith.index_cast %get3A_1916 : i32 to index
        %get3A_1918 = arith.index_cast %mul3A_1915 : i32 to index
        %get3A_1919 = tpu.vector_load %arg4[%get3A_1917, %get3A_1918] {strides = array<i32>} : memref<200x128xi32, #tpu.memory_space<vmem>>, vector<16xi32>,
        tpu.vector_store_idx %arg5[%get3A_1769, %add3A_792], %broadcast_in_dim3A_1 {add = true} : memref<24x128xf32, #tpu.memory_space<vmem>>[vector<16xi32>, vector<16xi32>], vector<16xf32>,
        %mul3A_1920 = arith.constant 16 : i32
        %mul3A_1921 = arith.muli %scan3A_788, %mul3A_1920 : i32
        %get3A_1922 = arith.constant 188 : i32
        %get3A_1923 = arith.index_cast %get3A_1922 : i32 to index
        %get3A_1924 = arith.index_cast %mul3A_1921 : i32 to index
        %get3A_1925 = tpu.vector_load %arg4[%get3A_1923, %get3A_1924] {strides = array<i32>} : memref<200x128xi32, #tpu.memory_space<vmem>>, vector<16xi32>,
        tpu.vector_store_idx %arg5[%get3A_1775, %add3A_792], %broadcast_in_dim3A_1 {add = true} : memref<24x128xf32, #tpu.memory_space<vmem>>[vector<16xi32>, vector<16xi32>], vector<16xf32>,
        %mul3A_1926 = arith.constant 16 : i32
        %mul3A_1927 = arith.muli %scan3A_788, %mul3A_1926 : i32
        %get3A_1928 = arith.constant 189 : i32
        %get3A_1929 = arith.index_cast %get3A_1928 : i32 to index
        %get3A_1930 = arith.index_cast %mul3A_1927 : i32 to index
        %get3A_1931 = tpu.vector_load %arg4[%get3A_1929, %get3A_1930] {strides = array<i32>} : memref<200x128xi32, #tpu.memory_space<vmem>>, vector<16xi32>,
        tpu.vector_store_idx %arg5[%get3A_1781, %add3A_792], %broadcast_in_dim3A_1 {add = true} : memref<24x128xf32, #tpu.memory_space<vmem>>[vector<16xi32>, vector<16xi32>], vector<16xf32>,
        %mul3A_1932 = arith.constant 16 : i32
        %mul3A_1933 = arith.muli %scan3A_788, %mul3A_1932 : i32
        %get3A_1934 = arith.constant 190 : i32
        %get3A_1935 = arith.index_cast %get3A_1934 : i32 to index
        %get3A_1936 = arith.index_cast %mul3A_1933 : i32 to index
        %get3A_1937 = tpu.vector_load %arg4[%get3A_1935, %get3A_1936] {strides = array<i32>} : memref<200x128xi32, #tpu.memory_space<vmem>>, vector<16xi32>,
        tpu.vector_store_idx %arg5[%get3A_1787, %add3A_792], %broadcast_in_dim3A_1 {add = true} : memref<24x128xf32, #tpu.memory_space<vmem>>[vector<16xi32>, vector<16xi32>], vector<16xf32>,
        %mul3A_1938 = arith.constant 16 : i32
        %mul3A_1939 = arith.muli %scan3A_788, %mul3A_1938 : i32
        %get3A_1940 = arith.constant 191 : i32
        %get3A_1941 = arith.index_cast %get3A_1940 : i32 to index
        %get3A_1942 = arith.index_cast %mul3A_1939 : i32 to index
        %get3A_1943 = tpu.vector_load %arg4[%get3A_1941, %get3A_1942] {strides = array<i32>} : memref<200x128xi32, #tpu.memory_space<vmem>>, vector<16xi32>,
        tpu.vector_store_idx %arg5[%get3A_1793, %add3A_792], %broadcast_in_dim3A_1 {add = true} : memref<24x128xf32, #tpu.memory_space<vmem>>[vector<16xi32>, vector<16xi32>], vector<16xf32>,
        %mul3A_1944 = arith.constant 16 : i32
        %mul3A_1945 = arith.muli %scan3A_788, %mul3A_1944 : i32
        %get3A_1946 = arith.constant 192 : i32
        %get3A_1947 = arith.index_cast %get3A_1946 : i32 to index
        %get3A_1948 = arith.index_cast %mul3A_1945 : i32 to index
        %get3A_1949 = tpu.vector_load %arg4[%get3A_1947, %get3A_1948] {strides = array<i32>} : memref<200x128xi32, #tpu.memory_space<vmem>>, vector<16xi32>,
        tpu.vector_store_idx %arg5[%get3A_1799, %add3A_792], %broadcast_in_dim3A_1 {add = true} : memref<24x128xf32, #tpu.memory_space<vmem>>[vector<16xi32>, vector<16xi32>], vector<16xf32>,
        %mul3A_1950 = arith.constant 16 : i32
        %mul3A_1951 = arith.muli %scan3A_788, %mul3A_1950 : i32
        %get3A_1952 = arith.constant 193 : i32
        %get3A_1953 = arith.index_cast %get3A_1952 : i32 to index
        %get3A_1954 = arith.index_cast %mul3A_1951 : i32 to index
        %get3A_1955 = tpu.vector_load %arg4[%get3A_1953, %get3A_1954] {strides = array<i32>} : memref<200x128xi32, #tpu.memory_space<vmem>>, vector<16xi32>,
        tpu.vector_store_idx %arg5[%get3A_1805, %add3A_792], %broadcast_in_dim3A_1 {add = true} : memref<24x128xf32, #tpu.memory_space<vmem>>[vector<16xi32>, vector<16xi32>], vector<16xf32>,
        %mul3A_1956 = arith.constant 16 : i32
        %mul3A_1957 = arith.muli %scan3A_788, %mul3A_1956 : i32
        %get3A_1958 = arith.constant 194 : i32
        %get3A_1959 = arith.index_cast %get3A_1958 : i32 to index
        %get3A_1960 = arith.index_cast %mul3A_1957 : i32 to index
        %get3A_1961 = tpu.vector_load %arg4[%get3A_1959, %get3A_1960] {strides = array<i32>} : memref<200x128xi32, #tpu.memory_space<vmem>>, vector<16xi32>,
        tpu.vector_store_idx %arg5[%get3A_1811, %add3A_792], %broadcast_in_dim3A_1 {add = true} : memref<24x128xf32, #tpu.memory_space<vmem>>[vector<16xi32>, vector<16xi32>], vector<16xf32>,
        %mul3A_1962 = arith.constant 16 : i32
        %mul3A_1963 = arith.muli %scan3A_788, %mul3A_1962 : i32
        %get3A_1964 = arith.constant 195 : i32
        %get3A_1965 = arith.index_cast %get3A_1964 : i32 to index
        %get3A_1966 = arith.index_cast %mul3A_1963 : i32 to index
        %get3A_1967 = tpu.vector_load %arg4[%get3A_1965, %get3A_1966] {strides = array<i32>} : memref<200x128xi32, #tpu.memory_space<vmem>>, vector<16xi32>,
        tpu.vector_store_idx %arg5[%get3A_1817, %add3A_792], %broadcast_in_dim3A_1 {add = true} : memref<24x128xf32, #tpu.memory_space<vmem>>[vector<16xi32>, vector<16xi32>], vector<16xf32>,
        %mul3A_1968 = arith.constant 16 : i32
        %mul3A_1969 = arith.muli %scan3A_788, %mul3A_1968 : i32
        %get3A_1970 = arith.constant 196 : i32
        %get3A_1971 = arith.index_cast %get3A_1970 : i32 to index
        %get3A_1972 = arith.index_cast %mul3A_1969 : i32 to index
        %get3A_1973 = tpu.vector_load %arg4[%get3A_1971, %get3A_1972] {strides = array<i32>} : memref<200x128xi32, #tpu.memory_space<vmem>>, vector<16xi32>,
        tpu.vector_store_idx %arg5[%get3A_1823, %add3A_792], %broadcast_in_dim3A_1 {add = true} : memref<24x128xf32, #tpu.memory_space<vmem>>[vector<16xi32>, vector<16xi32>], vector<16xf32>,
        %mul3A_1974 = arith.constant 16 : i32
        %mul3A_1975 = arith.muli %scan3A_788, %mul3A_1974 : i32
        %get3A_1976 = arith.constant 197 : i32
        %get3A_1977 = arith.index_cast %get3A_1976 : i32 to index
        %get3A_1978 = arith.index_cast %mul3A_1975 : i32 to index
        %get3A_1979 = tpu.vector_load %arg4[%get3A_1977, %get3A_1978] {strides = array<i32>} : memref<200x128xi32, #tpu.memory_space<vmem>>, vector<16xi32>,
        tpu.vector_store_idx %arg5[%get3A_1829, %add3A_792], %broadcast_in_dim3A_1 {add = true} : memref<24x128xf32, #tpu.memory_space<vmem>>[vector<16xi32>, vector<16xi32>], vector<16xf32>,
        %mul3A_1980 = arith.constant 16 : i32
        %mul3A_1981 = arith.muli %scan3A_788, %mul3A_1980 : i32
        %get3A_1982 = arith.constant 198 : i32
        %get3A_1983 = arith.index_cast %get3A_1982 : i32 to index
        %get3A_1984 = arith.index_cast %mul3A_1981 : i32 to index
        %get3A_1985 = tpu.vector_load %arg4[%get3A_1983, %get3A_1984] {strides = array<i32>} : memref<200x128xi32, #tpu.memory_space<vmem>>, vector<16xi32>,
        tpu.vector_store_idx %arg5[%get3A_1835, %add3A_792], %broadcast_in_dim3A_1 {add = true} : memref<24x128xf32, #tpu.memory_space<vmem>>[vector<16xi32>, vector<16xi32>], vector<16xf32>,
        %mul3A_1986 = arith.constant 16 : i32
        %mul3A_1987 = arith.muli %scan3A_788, %mul3A_1986 : i32
        %get3A_1988 = arith.constant 199 : i32
        %get3A_1989 = arith.index_cast %get3A_1988 : i32 to index
        %get3A_1990 = arith.index_cast %mul3A_1987 : i32 to index
        %get3A_1991 = tpu.vector_load %arg4[%get3A_1989, %get3A_1990] {strides = array<i32>} : memref<200x128xi32, #tpu.memory_space<vmem>>, vector<16xi32>,
        tpu.vector_store_idx %arg5[%get3A_1841, %add3A_792], %broadcast_in_dim3A_1 {add = true} : memref<24x128xf32, #tpu.memory_space<vmem>>[vector<16xi32>, vector<16xi32>], vector<16xf32>,
        tpu.vector_store_idx %arg5[%get3A_1847, %add3A_792], %broadcast_in_dim3A_1 {add = true} : memref<24x128xf32, #tpu.memory_space<vmem>>[vector<16xi32>, vector<16xi32>], vector<16xf32>,
        tpu.vector_store_idx %arg5[%get3A_1853, %add3A_792], %broadcast_in_dim3A_1 {add = true} : memref<24x128xf32, #tpu.memory_space<vmem>>[vector<16xi32>, vector<16xi32>], vector<16xf32>,
        tpu.vector_store_idx %arg5[%get3A_1859, %add3A_792], %broadcast_in_dim3A_1 {add = true} : memref<24x128xf32, #tpu.memory_space<vmem>>[vector<16xi32>, vector<16xi32>], vector<16xf32>,
        tpu.vector_store_idx %arg5[%get3A_1865, %add3A_792], %broadcast_in_dim3A_1 {add = true} : memref<24x128xf32, #tpu.memory_space<vmem>>[vector<16xi32>, vector<16xi32>], vector<16xf32>,
        tpu.vector_store_idx %arg5[%get3A_1871, %add3A_792], %broadcast_in_dim3A_1 {add = true} : memref<24x128xf32, #tpu.memory_space<vmem>>[vector<16xi32>, vector<16xi32>], vector<16xf32>,
        tpu.vector_store_idx %arg5[%get3A_1877, %add3A_792], %broadcast_in_dim3A_1 {add = true} : memref<24x128xf32, #tpu.memory_space<vmem>>[vector<16xi32>, vector<16xi32>], vector<16xf32>,
        tpu.vector_store_idx %arg5[%get3A_1883, %add3A_792], %broadcast_in_dim3A_1 {add = true} : memref<24x128xf32, #tpu.memory_space<vmem>>[vector<16xi32>, vector<16xi32>], vector<16xf32>,
        tpu.vector_store_idx %arg5[%get3A_1889, %add3A_792], %broadcast_in_dim3A_1 {add = true} : memref<24x128xf32, #tpu.memory_space<vmem>>[vector<16xi32>, vector<16xi32>], vector<16xf32>,
        tpu.vector_store_idx %arg5[%get3A_1895, %add3A_792], %broadcast_in_dim3A_1 {add = true} : memref<24x128xf32, #tpu.memory_space<vmem>>[vector<16xi32>, vector<16xi32>], vector<16xf32>,
        tpu.vector_store_idx %arg5[%get3A_1901, %add3A_792], %broadcast_in_dim3A_1 {add = true} : memref<24x128xf32, #tpu.memory_space<vmem>>[vector<16xi32>, vector<16xi32>], vector<16xf32>,
        tpu.vector_store_idx %arg5[%get3A_1907, %add3A_792], %broadcast_in_dim3A_1 {add = true} : memref<24x128xf32, #tpu.memory_space<vmem>>[vector<16xi32>, vector<16xi32>], vector<16xf32>,
        tpu.vector_store_idx %arg5[%get3A_1913, %add3A_792], %broadcast_in_dim3A_1 {add = true} : memref<24x128xf32, #tpu.memory_space<vmem>>[vector<16xi32>, vector<16xi32>], vector<16xf32>,
        tpu.vector_store_idx %arg5[%get3A_1919, %add3A_792], %broadcast_in_dim3A_1 {add = true} : memref<24x128xf32, #tpu.memory_space<vmem>>[vector<16xi32>, vector<16xi32>], vector<16xf32>,
        tpu.vector_store_idx %arg5[%get3A_1925, %add3A_792], %broadcast_in_dim3A_1 {add = true} : memref<24x128xf32, #tpu.memory_space<vmem>>[vector<16xi32>, vector<16xi32>], vector<16xf32>,
        tpu.vector_store_idx %arg5[%get3A_1931, %add3A_792], %broadcast_in_dim3A_1 {add = true} : memref<24x128xf32, #tpu.memory_space<vmem>>[vector<16xi32>, vector<16xi32>], vector<16xf32>,
        tpu.vector_store_idx %arg5[%get3A_1937, %add3A_792], %broadcast_in_dim3A_1 {add = true} : memref<24x128xf32, #tpu.memory_space<vmem>>[vector<16xi32>, vector<16xi32>], vector<16xf32>,
        tpu.vector_store_idx %arg5[%get3A_1943, %add3A_792], %broadcast_in_dim3A_1 {add = true} : memref<24x128xf32, #tpu.memory_space<vmem>>[vector<16xi32>, vector<16xi32>], vector<16xf32>,
        tpu.vector_store_idx %arg5[%get3A_1949, %add3A_792], %broadcast_in_dim3A_1 {add = true} : memref<24x128xf32, #tpu.memory_space<vmem>>[vector<16xi32>, vector<16xi32>], vector<16xf32>,
        tpu.vector_store_idx %arg5[%get3A_1955, %add3A_792], %broadcast_in_dim3A_1 {add = true} : memref<24x128xf32, #tpu.memory_space<vmem>>[vector<16xi32>, vector<16xi32>], vector<16xf32>,
        tpu.vector_store_idx %arg5[%get3A_1961, %add3A_792], %broadcast_in_dim3A_1 {add = true} : memref<24x128xf32, #tpu.memory_space<vmem>>[vector<16xi32>, vector<16xi32>], vector<16xf32>,
        tpu.vector_store_idx %arg5[%get3A_1967, %add3A_792], %broadcast_in_dim3A_1 {add = true} : memref<24x128xf32, #tpu.memory_space<vmem>>[vector<16xi32>, vector<16xi32>], vector<16xf32>,
        tpu.vector_store_idx %arg5[%get3A_1973, %add3A_792], %broadcast_in_dim3A_1 {add = true} : memref<24x128xf32, #tpu.memory_space<vmem>>[vector<16xi32>, vector<16xi32>], vector<16xf32>,
        tpu.vector_store_idx %arg5[%get3A_1979, %add3A_792], %broadcast_in_dim3A_1 {add = true} : memref<24x128xf32, #tpu.memory_space<vmem>>[vector<16xi32>, vector<16xi32>], vector<16xf32>,
        tpu.vector_store_idx %arg5[%get3A_1985, %add3A_792], %broadcast_in_dim3A_1 {add = true} : memref<24x128xf32, #tpu.memory_space<vmem>>[vector<16xi32>, vector<16xi32>], vector<16xf32>,
        tpu.vector_store_idx %arg5[%get3A_1991, %add3A_792], %broadcast_in_dim3A_1 {add = true} : memref<24x128xf32, #tpu.memory_space<vmem>>[vector<16xi32>, vector<16xi32>], vector<16xf32>,
      }
      %scan3A_787 = arith.constant 8 : i32
      "tpu.region"() ({
        %run_scoped3A = tpu.sem_alloc : memref<!tpu.dma_semaphore, #tpu.memory_space<semaphore_mem>>
        %dma_start3A = arith.constant 0 : i32
        %dma_start3A_788 = tpu.memref_slice %arg3[%dma_start3A, %add3A_14] : memref<24x16384xf32, #tpu.memory_space<hbm>> -> memref<24x128xf32, #tpu.memory_space<hbm>>
        %dma_start3A_789 = arith.constant 0 : i32
        %dma_start3A_790 = tpu.memref_slice %arg3[%dma_start3A_789, %add3A_14] : memref<24x16384xf32, #tpu.memory_space<hbm>> -> memref<24x128xf32, #tpu.memory_space<hbm>>
        tpu.enqueue_dma source(%arg5 : memref<24x128xf32, #tpu.memory_space<vmem>>) target(%dma_start3A_790 : memref<24x128xf32, #tpu.memory_space<hbm>>) target_semaphore(%run_scoped3A : memref<!tpu.dma_semaphore, #tpu.memory_space<semaphore_mem>>)
        %dma_wait3A = arith.constant 0 : i32
        %dma_wait3A_791 = tpu.memref_slice %arg3[%dma_wait3A, %add3A_14] : memref<24x16384xf32, #tpu.memory_space<hbm>> -> memref<24x128xf32, #tpu.memory_space<hbm>>
        %dma_wait3A_792 = arith.constant 0 : i32
        %dma_wait3A_793 = tpu.memref_slice %arg3[%dma_wait3A_792, %add3A_14] : memref<24x16384xf32, #tpu.memory_space<hbm>> -> memref<24x128xf32, #tpu.memory_space<hbm>>
        tpu.wait_dma2 semaphore(%run_scoped3A : memref<!tpu.dma_semaphore, #tpu.memory_space<semaphore_mem>>) src(%arg5 : memref<24x128xf32, #tpu.memory_space<vmem>>) dst(%dma_wait3A_793 : memref<24x128xf32, #tpu.memory_space<hbm>>)
        tpu.yield
      }) : () -> ()
    }
    %scan3A_8 = arith.constant 4 : i32
    return
  }
}

module attributes {stable_mosaic.version = 14 : i64} {
  func.func @_matmul_tanh_body(%arg0: i32, %arg1: memref<24x2048xf32, #tpu.memory_space<vmem>>, %arg2: memref<24x128xf32, #tpu.memory_space<vmem>>, %arg3: memref<2048x128xf32, #tpu.memory_space<vmem>>) attributes {dimension_semantics = [#tpu.dimension_semantics<arbitrary>], iteration_bounds = array<i64: 8>, scalar_prefetch = 0 : i64, scratch_operands = 0 : i64, tpu.core_type = #tpu.core_type<tc>, window_params = [{transform_indices = @transform_0, window_bounds = array<i64: 24, 2048>}, {pipeline_mode = #tpu.pipeline_mode<synchronous>, transform_indices = @transform_1, window_bounds = array<i64: 24, 128>}, {transform_indices = @transform_2, window_bounds = array<i64: 2048, 128>}]} {
    %get3A = arith.constant 0 : index
    %get3A_0 = arith.constant 0 : index
    %get3A_1 = vector.load %arg1[%get3A, %get3A_0] : memref<24x2048xf32, #tpu.memory_space<vmem>>, vector<24x2048xf32>
    %get3A_2 = arith.constant 0 : index
    %get3A_3 = arith.constant 0 : index
    %get3A_4 = vector.load %arg2[%get3A_2, %get3A_3] : memref<24x128xf32, #tpu.memory_space<vmem>>, vector<24x128xf32>
    %dot_general3A = arith.constant dense<0.000000e+00> : vector<2048x128xf32>
    %dot_general3A_5 = tpu.matmul %get3A_1, %get3A_4, %dot_general3A {dimension_numbers = #tpu.dot_dimension_numbers<[0], [0], [1], [1], [0, 1, 1, 1], [], []>, precision = #tpu.contract_precision<fp32>, transpose_lhs_hint = false} : vector<24x2048xf32>, vector<24x128xf32>, vector<2048x128xf32> -> vector<2048x128xf32>
    %tanh3A = math.tanh %dot_general3A_5 : vector<2048x128xf32>
    %swap3A = arith.constant 0 : index
    %swap3A_6 = arith.constant 0 : index
    %swap3A_7 = vector.load %arg3[%swap3A, %swap3A_6] : memref<2048x128xf32, #tpu.memory_space<vmem>>, vector<2048x128xf32>
    tpu.vector_store %arg3[%swap3A, %swap3A_6], %tanh3A {strides = array<i32>} : memref<2048x128xf32, #tpu.memory_space<vmem>>, vector<2048x128xf32>,
    return
  }
  func.func @transform_0(%arg0: i32) -> (i32, i32) {
    %c0_i32 = arith.constant 0 : i32
    %c0_i32_0 = arith.constant 0 : i32
    return %c0_i32, %arg0 : i32, i32
  }
  func.func @transform_1(%arg0: i32) -> (i32, i32) {
    %c0_i32 = arith.constant 0 : i32
    %c0_i32_0 = arith.constant 0 : i32
    %c0_i32_1 = arith.constant 0 : i32
    return %c0_i32, %c0_i32_0 : i32, i32
  }
  func.func @transform_2(%arg0: i32) -> (i32, i32) {
    %c0_i32 = arith.constant 0 : i32
    %c0_i32_0 = arith.constant 0 : i32
    return %arg0, %c0_i32 : i32, i32
  }
}

</mosaic_0001>

<sc_bundles>
// kernel: kernel.4.cloned.1.call-start
scs
__scs_entry_jumppad:
0x0: {  	(pc) =	sbr.rel $0x88, $3  }
0x1: {  	(tag) =	ssettag $0x0;
	lr =	simm.s32 $0x1  }
0x2: {  	[smem:$0x3F9F] =	sst lr;
	_ =	strace $0xD0000000  }
0x3: {  	_ = 	snop  }
0x4: {  	_ = 	snop  }
0x5: {  	_ = 	snop  }
0x6: {  	_ = 	snop  }
0x7: {  	_ = 	snop  }
__scs_overlays_trampoline_lowered:
0x8: {  	[smem:$0x3FAE] =	sst s0  }
0x9: {  	[smem:$0x3FAF] =	sst s1  }
0xa: {  	[smem:$0x3FB0] =	sst s2  }
0xb: {  	[smem:$0x3FB1] =	sst s3  }
0xc: {  	[smem:$0x3FB2] =	sst s4  }
0xd: {  	[smem:$0x3FB3] =	sst s5  }
0xe: {  	[smem:$0x3FB4] =	sst s6  }
0xf: {  	[smem:$0x3FB5] =	sst s7  }
0x10: {  	[smem:$0x3FB6] =	sst s8  }
0x11: {  	[smem:$0x3FB7] =	sst s9;
	s0 =	simm.s32 @!p0 $0x0  }
0x12: {  	s1 =	sld [smem:$0x3F9D];
	s0 =	simm.s32 @p0 $0x1  }
0x13: {  	[smem:$0x3FB8] =	sst s0;
	s0 =	simm.s32 @!p1 $0x0  }
0x14: {  	s2 =	sld [smem:$0x3F9C];
	s0 =	simm.s32 @p1 $0x1  }
0x15: {  	[smem:$0x3FB9] =	sst s0;
	s0 =	simm.s32 @!p2 $0x0  }
0x16: {  	s3 =	sld [smem:$0x3FDB];
	s0 =	simm.s32 @p2 $0x1  }
0x17: {  	s4 =	simm.s32 $0x1BF5;
	[smem:$0x3FBB] =	sst s0  }
0x18: {  	s0 =	sld [smem:$0x3F9E];
	_ =	swait.ge [sflag:s4], $0x0  }
0x19: {  	s7 =	sld [smem:$0x3F9F]  }
0x1a: {  	s8 =	sadd.s32 $0xFFFFE003, lr  }
0x1b: {  	s9 =	sadd.s32 $0xFFFFFEF7, lr;
	s5 =	simm.s32 $0xFFFFFFFF;
	p2 =	slt.u32 s8, $0xFFFFF086  }
0x1c: {  	p1 =	slt.u32 s9, $0xF7A;
	s5 =	simm.s32 @!p2 $0x0  }
0x1d: {  	s5 =	simm.s32 @p1 $0x1;
	p0 =	seq.s32 s7, s2  }
0x1e: {  	s7 =	smul.u32 @!p0 $0xF7A, s2;
	p2 =	seq.s32 @!p0 s5, $0x0  }
0x1f: {  	s9 =	smul.u32 $0xF7A, s1;
	s8 =	simm.s32 @!p0 $0x1BF5;
	p2 =	por !p2, p0  }
0x20: {  	[sflag:s8] =	ssyncset.s32 @!p0 $0xFFFFF086;
	s6 =	sadd.s32 @!p0 s3, s7;
	s7 =	simm.s32 @!p0 $0x108  }
0x21: {  	s3 =	sadd.s32 s3, s9;
	s6 =	sadd.s32 @!p0 $0x88, s6;
	s7 =	simm.s32 @p2 $0x1082  }
0x22: {  	[simem:s7], [sflag:s8] =	dma.local @!p0 [hbm:s6], $0xF7A  }
0x23: {  	s9 =	sor.u32 $0xD0000000, s2;
	s6 =	simm.s32 $0x108;
	_ =	swait.ge @!p0 [sflag:s8], $0x0  }
0x24: {  	s3 =	sadd.s32 $0x88, s3;
	s6 =	simm.s32 @!p1 $0x1082;
	[sflag:s4] =	ssyncset.s32 $0xFFFFF086  }
0x25: {  	[simem:s6], [sflag:s4] =	dma.local [hbm:s3], $0xF7A  }
0x26: {  	[smem:$0x3F9F] =	sst s1;
	(tag) =	ssettag s2;
	_ =	strace s9  }
0x27: {  	s1 =	sld [smem:$0x3FAF]  }
0x28: {  	s2 =	sld [smem:$0x3FB0]  }
0x29: {  	s4 =	sld [smem:$0x3FB2]  }
0x2a: {  	p0 =	seq.s32 s5, $0x0;
	s5 =	sld [smem:$0x3FB3]  }
0x2b: {  	s6 =	sld [smem:$0x3FB4]  }
0x2c: {  	s7 =	sld [smem:$0x3FB5]  }
0x2d: {  	s3 =	simm.s32 $0x108;
	s8 =	sld [smem:$0x3FB6]  }
0x2e: {  	s3 =	simm.s32 @!p0 $0x1082;
	s9 =	sld [smem:$0x3FB7]  }
0x2f: {  	lr =	sadd.s32 s0, s3;
	s0 =	sld [smem:$0x3FAE]  }
0x30: {  	s3 =	sld [smem:$0x3FB1]  }
0x31: {  	[smem:$0x3FBA] =	sst s10  }
0x32: {  	s10 =	sld [smem:$0x3FB8];
	_ =	sdelay $0x3  }
0x33: {  	p0 =	seq.s32 s10, $0x1;
	s10 =	sld [smem:$0x3FBA];
	_ =	sdelay $0x3  }
0x34: {  	[smem:$0x3FBA] =	sst s10  }
0x35: {  	s10 =	sld [smem:$0x3FB9];
	_ =	sdelay $0x3  }
0x36: {  	p1 =	seq.s32 s10, $0x1;
	s10 =	sld [smem:$0x3FBA];
	_ =	sdelay $0x3  }
0x37: {  	[smem:$0x3FBA] =	sst s10  }
0x38: {  	s10 =	sld [smem:$0x3FBB]  }
0x39: {  	_ = 	snop;
	(pc) =	sbr.ind lr, $3  }
0x3a: {  	_ = 	snop  }
0x3b: {  	_ = 	snop  }
0x3c: {  	p2 =	seq.s32 s10, $0x1;
	s10 =	sld [smem:$0x3FBA]  }
0x3d: {  	_ =	shalt  }
0x3e: {  	_ =	shalt  }
0x3f: {  	_ =	shalt  }
0x40: {  	_ =	shalt  }
0x41: {  	_ =	shalt  }
0x42: {  	_ =	shalt  }
0x43: {  	_ =	shalt  }
0x44: {  	_ =	shalt  }
0x45: {  	_ =	shalt  }
0x46: {  	_ =	shalt  }
0x47: {  	_ =	shalt  }
0x48: {  	_ =	shalt  }
0x49: {  	_ =	shalt  }
0x4a: {  	_ =	shalt  }
0x4b: {  	_ =	shalt  }
0x4c: {  	_ =	shalt  }
0x4d: {  	_ =	shalt  }
0x4e: {  	_ =	shalt  }
0x4f: {  	_ =	shalt  }
0x50: {  	_ =	shalt  }
0x51: {  	_ =	shalt  }
0x52: {  	_ =	shalt  }
0x53: {  	_ =	shalt  }
0x54: {  	_ =	shalt  }
0x55: {  	_ =	shalt  }
0x56: {  	_ =	shalt  }
0x57: {  	_ =	shalt  }
0x58: {  	_ =	shalt  }
0x59: {  	_ =	shalt  }
0x5a: {  	_ =	shalt  }
0x5b: {  	_ =	shalt  }
0x5c: {  	_ =	shalt  }
0x5d: {  	_ =	shalt  }
0x5e: {  	_ =	shalt  }
0x5f: {  	_ =	shalt  }
0x60: {  	_ =	shalt  }
0x61: {  	_ =	shalt  }
0x62: {  	_ =	shalt  }
0x63: {  	_ =	shalt  }
0x64: {  	_ =	shalt  }
0x65: {  	_ =	shalt  }
0x66: {  	_ =	shalt  }
0x67: {  	_ =	shalt  }
0x68: {  	_ =	shalt  }
0x69: {  	_ =	shalt  }
0x6a: {  	_ =	shalt  }
0x6b: {  	_ =	shalt  }
0x6c: {  	_ =	shalt  }
0x6d: {  	_ =	shalt  }
0x6e: {  	_ =	shalt  }
0x6f: {  	_ =	shalt  }
0x70: {  	_ =	shalt  }
0x71: {  	_ =	shalt  }
0x72: {  	_ =	shalt  }
0x73: {  	_ =	shalt  }
0x74: {  	_ =	shalt  }
0x75: {  	_ =	shalt  }
0x76: {  	_ =	shalt  }
0x77: {  	_ =	shalt  }
0x78: {  	_ =	shalt  }
0x79: {  	_ =	shalt  }
0x7a: {  	_ =	shalt  }
0x7b: {  	_ =	shalt  }
0x7c: {  	_ =	shalt  }
0x7d: {  	_ =	shalt  }
0x7e: {  	_ =	shalt  }
0x7f: {  	_ =	shalt  }
0x80: {  	_ =	shalt  }
0x81: {  	_ =	shalt  }
0x82: {  	_ =	shalt  }
0x83: {  	_ =	shalt  }
0x84: {  	_ =	shalt  }
0x85: {  	_ =	shalt  }
0x86: {  	_ =	shalt  }
0x87: {  	_ =	shalt  }
.Lfunc_end0:
.L_simem_size_0:
called_computation_lowered:
.L_overlay_start_0:
0x88: {  	s2 =	sld [smem:$0x3FD9]  }
0x89: {  	s3 =	sld [smem:$0x3FFE];
	_ =	sdelay $0x1  }
0x8a: {  	s1 =	srdreg.scid  }
0x8b: {  	s0 =	sand.u32 $0x1, s1  }
0x8c: {  	s18 =	sshll.u32 s0, $0xA;
	s2 =	sadd.s32 s3, s2  }
0x8d: {  	s2 =	sadd.s32 s2, s18  }
0x8e: {  	[smem:$0x3FC6] =	sst s2  }
0x8f: {  	_ = 	snop  }
0x90: {  	s2 =	sld [smem:$0x3FC9]  }
0x91: {  	s19 =	sld [smem:$0x3FD0];
	(tm) =	ssettm $0x1  }
0x92: {  	s4 =	sld [smem:$0x3FFB];
	_ =	sdelay $0x3  }
0x93: {  	_ =	strace s4  }
0x94: {  	s4 =	sld [smem:$0x3FFC];
	_ =	sdelay $0x3  }
0x95: {  	_ =	strace s4  }
0x96: {  	s4 =	sld [smem:$0x3FFD];
	_ =	sdelay $0x3  }
0x97: {  	_ =	strace s4  }
0x98: {  	_ =	strace $0x8FFFFFFF  }
0x99: {  	s20 =	sld [smem:$0x3FDB];
	_ =	sdelay $0x1  }
0x9a: {  	s5 =	simm.s32 $_scs_section_size  }
0x9b: {  	s6 =	simm.s32 $_size__tile_overlayer_lowered;
	s7 =	simm.s32 $_tile_overlayer_lowered  }
0x9c: {  	s23 =	simm.s32 $0x1BFF;
	s22 =	sshll.u32 s7, $0x1;
	s4 =	sadd.s32 s5, s20  }
0x9d: {  	s8 =	simm.s32 $0x0;
	s21 =	sshll.u32 s6, $0x1;
	s6 =	sadd.s32 s22, s4  }
0x9e: {  	[timem:s8], [sflag:s23] =	dma.local [hbm:s6], s21  }
0x9f: {  	_ =	swait.ge [sflag:s23], s21  }
0xa0: {  	s5 =	ssub.s32 $0x0, s21;
	[sflag:s23] =	ssyncset.done $0x0  }
0xa1: {  	[sflag:s23] =	ssyncadd.s32 s5;
	_ =	sdelay $0x1  }
0xa2: {  	s24 =	simm.s32 $0x1B8B  }
0xa3: {  	_ =	swait.ge [sflag:s24], $0x1  }
0xa4: {  	[sflag:s24] =	ssyncset.done $0x0  }
0xa5: {  	s25 =	simm.s32 $0x1B8E;
	[sflag:s24] =	ssyncadd.s32 $0xFFFFFFFF  }
0xa6: {  	s26 =	simm.s32 $execute0_lowered;
	[smem:$0x3FD2] =	sst s25  }
0xa7: {  	s5 =	sshll.u32 s26, $0x1;
	_ =	strace $0x80000046;
	[dreg:$0x1] =	wrdreg $0xFFFFFFFF  }
0xa8: {  	s28 =	simm.s32 $_size_execute0_lowered;
	s4 =	sadd.s32 s4, s5;
	[dreg:$0x0] =	wrdreg $0x0  }
0xa9: {  	s5 =	sshll.u32 s28, $0x1;
	[dreg:$0x2] =	wrdreg s4  }
0xaa: {  	[dreg:$0x3] =	wrdreg s5  }
0xab: {  	[dreg:$0x4] =	wrdreg $0xC0  }
0xac: {  	_ =	task [dreg:s8], $0x5FFFF  }
0xad: {  	[dreg:$0x1] =	wrdreg $0xFFFFFFFF  }
0xae: {  	[dreg:$0x0] =	wrdreg $0x60  }
0xaf: {  	[dreg:$0x2] =	wrdreg s2  }
0xb0: {  	[dreg:$0x3] =	wrdreg s19  }
0xb1: {  	[dreg:$0x4] =	wrdreg $0x9  }
0xb2: {  	_ =	task.clear_ibuf [dreg:s8], $0x5FFFF;
	_ =	strace $0x90000046  }
0xb3: {  	s29 =	simm.s32 $0x9;
	_ =	strace $0x80000048  }
0xb4: {  	_ =	swait.ge [sflag:s29], $0x1  }
0xb5: {  	[sflag:s29] =	ssyncadd.s32 $0xFFFFFFFF  }
0xb6: {  	_ =	strace $0x90000048  }
0xb7: {  	_ =	sfence  }
0xb8: {  	s30 =	sld [smem:$0x0];
	_ =	sdelay $0x2  }
0xb9: {  	s31 =	sshll.u32 s1, $0xD;
	s1 =	sshrl.u32 s1, $0x2  }
0xba: {  	s3 =	sand.u32 $0x4000, s31;
	s1 =	sadd.s32 s1, s30  }
0xbb: {  	s0 =	sor.u32 s3, s0;
	s1 =	sshll.u32 s1, $0x11  }
0xbc: {  	s0 =	sor.u32 s1, s0  }
0xbd: {  	s0 =	sadd.s32 $0x8F2B, s0  }
0xbe: {  	[sflag:s0] =	ssyncadd.remote.s32 $0x1  }
0xbf: {  	_ =	sfence.sel $0xFFFF  }
0xc0: {  	[dreg:$0x0] =	wrdreg $0xFFFFFFFF;
	(pc) =	sbr.abs _section_cstart, $3  }
0xc1: {  	[dreg:$0x1] =	wrdreg $0xFFFFFFFF  }
0xc2: {  	_ =	task.clear_ibuf [dreg:s8], $0x2FFFF;
	_ =	strace $0x9FFFFFFF  }
0xc3: {  	(tm) =	ssettm $0x7FFFFFFF  }
tec
execute0_lowered:
.L_overlay_start_1:
0x0: {  	(tag) =	ssettag $0x1  }
0x1: {  	s1 =	rddreg [dreg:$0x0]  }
0x2: {  	s2 =	rddreg [dreg:$0x1]  }
0x3: {  	s4 =	srdreg.scid;
	s0 =	rddreg [dreg:$0x2];
	s3 =	simm.s32 $0x0  }
0x4: {  	s8 =	simm.s32 $0x20000;
	s9 =	simm.s32 $0x1;
	s5 =	sand.u32 $0x1, s4  }
0x5: {  	s10 =	simm.s32 $0x6400;
	[smem:$0x7FF] =	sst s3;
	s6 =	ssub.s32 $0x2, s5  }
0x6: {  	s4 =	stileid.u32;
	_ =	strace $0x80000047;
	s7 =	sshrl.u32 s6, $0x1  }
0x7: {  	s31 =	sshll.u32 s4, $0xA;
	s5 =	sshll.u32 s5, $0x9;
	s6 =	ssub.s32 s6, s7  }
0x8: {  	v0 =	vimm.f32 $0.0e+00;
	v1 =	vlaneseq.u32;
	v2 =	vimm.f32 $1.000000000e+00;
	s5 =	sor.u32 s5, s31;
	s7 =	simm.s32 $0x400;
	s6 =	smax.u32 s6, $0x1  }
.LBB2_1:
0x9: {  	s11 =	simm.s32 $0x0  }
.LBB2_2:
0xa: {  	s12 =	sshll.u32 s11, $0x7  }
0xb: {  	s12 =	sadd.s32 s5, s12  }
0xc: {  	s13 =	simm.s32 $0x0;
	s14 =	sadd.s32 s1, s12  }
0xd: {  	[tilespmem:s13], [sflag:$0x1] =	stream.strided.gather [hbm4b:s14+s7], $0x6400, s8, s7, $0x38;
	[tilespmem:$0x7000] =	vst v63  }
0xe: {  	_ =	swait.ge [sflag:s9], $0x6400  }
0xf: {  	[sflag:s9] =	ssyncset.done $0x0  }
0x10: {  	[sflag:s9] =	ssyncadd.s32 $0xFFFF9C00  }
0x11: {  	[tilespmem:$0x6400] =	vst v0  }
0x12: {  	[tilespmem:$0x6410] =	vst v0  }
0x13: {  	[tilespmem:$0x6420] =	vst v0  }
0x14: {  	[tilespmem:$0x6430] =	vst v0  }
0x15: {  	[tilespmem:$0x6440] =	vst v0  }
0x16: {  	[tilespmem:$0x6450] =	vst v0  }
0x17: {  	[tilespmem:$0x6460] =	vst v0  }
0x18: {  	[tilespmem:$0x6470] =	vst v0  }
0x19: {  	[tilespmem:$0x6480] =	vst v0  }
0x1a: {  	[tilespmem:$0x6490] =	vst v0  }
0x1b: {  	[tilespmem:$0x64A0] =	vst v0  }
0x1c: {  	[tilespmem:$0x64B0] =	vst v0  }
0x1d: {  	[tilespmem:$0x64C0] =	vst v0  }
0x1e: {  	[tilespmem:$0x64D0] =	vst v0  }
0x1f: {  	[tilespmem:$0x64E0] =	vst v0  }
0x20: {  	[tilespmem:$0x64F0] =	vst v0  }
0x21: {  	[tilespmem:$0x6500] =	vst v0  }
0x22: {  	[tilespmem:$0x6510] =	vst v0  }
0x23: {  	[tilespmem:$0x6520] =	vst v0  }
0x24: {  	[tilespmem:$0x6530] =	vst v0  }
0x25: {  	[tilespmem:$0x6540] =	vst v0  }
0x26: {  	[tilespmem:$0x6550] =	vst v0  }
0x27: {  	[tilespmem:$0x6560] =	vst v0  }
0x28: {  	[tilespmem:$0x6570] =	vst v0  }
0x29: {  	[tilespmem:$0x6580] =	vst v0  }
0x2a: {  	[tilespmem:$0x6590] =	vst v0  }
0x2b: {  	[tilespmem:$0x65A0] =	vst v0  }
0x2c: {  	[tilespmem:$0x65B0] =	vst v0  }
0x2d: {  	[tilespmem:$0x65C0] =	vst v0  }
0x2e: {  	[tilespmem:$0x65D0] =	vst v0  }
0x2f: {  	[tilespmem:$0x65E0] =	vst v0  }
0x30: {  	[tilespmem:$0x65F0] =	vst v0  }
0x31: {  	[tilespmem:$0x6600] =	vst v0  }
0x32: {  	[tilespmem:$0x6610] =	vst v0  }
0x33: {  	[tilespmem:$0x6620] =	vst v0  }
0x34: {  	[tilespmem:$0x6630] =	vst v0  }
0x35: {  	[tilespmem:$0x6640] =	vst v0  }
0x36: {  	[tilespmem:$0x6650] =	vst v0  }
0x37: {  	[tilespmem:$0x6660] =	vst v0  }
0x38: {  	[tilespmem:$0x6670] =	vst v0  }
0x39: {  	[tilespmem:$0x6680] =	vst v0  }
0x3a: {  	[tilespmem:$0x6690] =	vst v0  }
0x3b: {  	[tilespmem:$0x66A0] =	vst v0  }
0x3c: {  	[tilespmem:$0x66B0] =	vst v0  }
0x3d: {  	[tilespmem:$0x66C0] =	vst v0  }
0x3e: {  	[tilespmem:$0x66D0] =	vst v0  }
0x3f: {  	[tilespmem:$0x66E0] =	vst v0  }
0x40: {  	[tilespmem:$0x66F0] =	vst v0  }
0x41: {  	[tilespmem:$0x6700] =	vst v0  }
0x42: {  	[tilespmem:$0x6710] =	vst v0  }
0x43: {  	[tilespmem:$0x6720] =	vst v0  }
0x44: {  	[tilespmem:$0x6730] =	vst v0  }
0x45: {  	[tilespmem:$0x6740] =	vst v0  }
0x46: {  	[tilespmem:$0x6750] =	vst v0  }
0x47: {  	[tilespmem:$0x6760] =	vst v0  }
0x48: {  	[tilespmem:$0x6770] =	vst v0  }
0x49: {  	[tilespmem:$0x6780] =	vst v0  }
0x4a: {  	[tilespmem:$0x6790] =	vst v0  }
0x4b: {  	[tilespmem:$0x67A0] =	vst v0  }
0x4c: {  	[tilespmem:$0x67B0] =	vst v0  }
0x4d: {  	[tilespmem:$0x67C0] =	vst v0  }
0x4e: {  	[tilespmem:$0x67D0] =	vst v0  }
0x4f: {  	[tilespmem:$0x67E0] =	vst v0  }
0x50: {  	[tilespmem:$0x67F0] =	vst v0  }
0x51: {  	[tilespmem:$0x6800] =	vst v0  }
0x52: {  	[tilespmem:$0x6810] =	vst v0  }
0x53: {  	[tilespmem:$0x6820] =	vst v0  }
0x54: {  	[tilespmem:$0x6830] =	vst v0  }
0x55: {  	[tilespmem:$0x6840] =	vst v0  }
0x56: {  	[tilespmem:$0x6850] =	vst v0  }
0x57: {  	[tilespmem:$0x6860] =	vst v0  }
0x58: {  	[tilespmem:$0x6870] =	vst v0  }
0x59: {  	[tilespmem:$0x6880] =	vst v0  }
0x5a: {  	[tilespmem:$0x6890] =	vst v0  }
0x5b: {  	[tilespmem:$0x68A0] =	vst v0  }
0x5c: {  	[tilespmem:$0x68B0] =	vst v0  }
0x5d: {  	[tilespmem:$0x68C0] =	vst v0  }
0x5e: {  	[tilespmem:$0x68D0] =	vst v0  }
0x5f: {  	[tilespmem:$0x68E0] =	vst v0  }
0x60: {  	[tilespmem:$0x68F0] =	vst v0  }
0x61: {  	[tilespmem:$0x6900] =	vst v0  }
0x62: {  	[tilespmem:$0x6910] =	vst v0  }
0x63: {  	[tilespmem:$0x6920] =	vst v0  }
0x64: {  	[tilespmem:$0x6930] =	vst v0  }
0x65: {  	[tilespmem:$0x6940] =	vst v0  }
0x66: {  	[tilespmem:$0x6950] =	vst v0  }
0x67: {  	[tilespmem:$0x6960] =	vst v0  }
0x68: {  	[tilespmem:$0x6970] =	vst v0  }
0x69: {  	[tilespmem:$0x6980] =	vst v0  }
0x6a: {  	[tilespmem:$0x6990] =	vst v0  }
0x6b: {  	[tilespmem:$0x69A0] =	vst v0  }
0x6c: {  	[tilespmem:$0x69B0] =	vst v0  }
0x6d: {  	[tilespmem:$0x69C0] =	vst v0  }
0x6e: {  	[tilespmem:$0x69D0] =	vst v0  }
0x6f: {  	[tilespmem:$0x69E0] =	vst v0  }
0x70: {  	[tilespmem:$0x69F0] =	vst v0  }
0x71: {  	[tilespmem:$0x6A00] =	vst v0  }
0x72: {  	[tilespmem:$0x6A10] =	vst v0  }
0x73: {  	[tilespmem:$0x6A20] =	vst v0  }
0x74: {  	[tilespmem:$0x6A30] =	vst v0  }
0x75: {  	[tilespmem:$0x6A40] =	vst v0  }
0x76: {  	[tilespmem:$0x6A50] =	vst v0  }
0x77: {  	[tilespmem:$0x6A60] =	vst v0  }
0x78: {  	[tilespmem:$0x6A70] =	vst v0  }
0x79: {  	[tilespmem:$0x6A80] =	vst v0  }
0x7a: {  	[tilespmem:$0x6A90] =	vst v0  }
0x7b: {  	[tilespmem:$0x6AA0] =	vst v0  }
0x7c: {  	[tilespmem:$0x6AB0] =	vst v0  }
0x7d: {  	[tilespmem:$0x6AC0] =	vst v0  }
0x7e: {  	[tilespmem:$0x6AD0] =	vst v0  }
0x7f: {  	[tilespmem:$0x6AE0] =	vst v0  }
0x80: {  	[tilespmem:$0x6AF0] =	vst v0  }
0x81: {  	[tilespmem:$0x6B00] =	vst v0  }
0x82: {  	[tilespmem:$0x6B10] =	vst v0  }
0x83: {  	[tilespmem:$0x6B20] =	vst v0  }
0x84: {  	[tilespmem:$0x6B30] =	vst v0  }
0x85: {  	[tilespmem:$0x6B40] =	vst v0  }
0x86: {  	[tilespmem:$0x6B50] =	vst v0  }
0x87: {  	[tilespmem:$0x6B60] =	vst v0  }
0x88: {  	[tilespmem:$0x6B70] =	vst v0  }
0x89: {  	[tilespmem:$0x6B80] =	vst v0  }
0x8a: {  	[tilespmem:$0x6B90] =	vst v0  }
0x8b: {  	[tilespmem:$0x6BA0] =	vst v0  }
0x8c: {  	[tilespmem:$0x6BB0] =	vst v0  }
0x8d: {  	[tilespmem:$0x6BC0] =	vst v0  }
0x8e: {  	[tilespmem:$0x6BD0] =	vst v0  }
0x8f: {  	[tilespmem:$0x6BE0] =	vst v0  }
0x90: {  	[tilespmem:$0x6BF0] =	vst v0  }
0x91: {  	[tilespmem:$0x6C00] =	vst v0  }
0x92: {  	[tilespmem:$0x6C10] =	vst v0  }
0x93: {  	[tilespmem:$0x6C20] =	vst v0  }
0x94: {  	[tilespmem:$0x6C30] =	vst v0  }
0x95: {  	[tilespmem:$0x6C40] =	vst v0  }
0x96: {  	[tilespmem:$0x6C50] =	vst v0  }
0x97: {  	[tilespmem:$0x6C60] =	vst v0  }
0x98: {  	[tilespmem:$0x6C70] =	vst v0  }
0x99: {  	[tilespmem:$0x6C80] =	vst v0  }
0x9a: {  	[tilespmem:$0x6C90] =	vst v0  }
0x9b: {  	[tilespmem:$0x6CA0] =	vst v0  }
0x9c: {  	[tilespmem:$0x6CB0] =	vst v0  }
0x9d: {  	[tilespmem:$0x6CC0] =	vst v0  }
0x9e: {  	[tilespmem:$0x6CD0] =	vst v0  }
0x9f: {  	[tilespmem:$0x6CE0] =	vst v0  }
0xa0: {  	[tilespmem:$0x6CF0] =	vst v0  }
0xa1: {  	[tilespmem:$0x6D00] =	vst v0  }
0xa2: {  	[tilespmem:$0x6D10] =	vst v0  }
0xa3: {  	[tilespmem:$0x6D20] =	vst v0  }
0xa4: {  	[tilespmem:$0x6D30] =	vst v0  }
0xa5: {  	[tilespmem:$0x6D40] =	vst v0  }
0xa6: {  	[tilespmem:$0x6D50] =	vst v0  }
0xa7: {  	[tilespmem:$0x6D60] =	vst v0  }
0xa8: {  	[tilespmem:$0x6D70] =	vst v0  }
0xa9: {  	[tilespmem:$0x6D80] =	vst v0  }
0xaa: {  	[tilespmem:$0x6D90] =	vst v0  }
0xab: {  	[tilespmem:$0x6DA0] =	vst v0  }
0xac: {  	[tilespmem:$0x6DB0] =	vst v0  }
0xad: {  	[tilespmem:$0x6DC0] =	vst v0  }
0xae: {  	[tilespmem:$0x6DD0] =	vst v0  }
0xaf: {  	[tilespmem:$0x6DE0] =	vst v0  }
0xb0: {  	[tilespmem:$0x6DF0] =	vst v0  }
0xb1: {  	[tilespmem:$0x6E00] =	vst v0  }
0xb2: {  	[tilespmem:$0x6E10] =	vst v0  }
0xb3: {  	[tilespmem:$0x6E20] =	vst v0  }
0xb4: {  	[tilespmem:$0x6E30] =	vst v0  }
0xb5: {  	[tilespmem:$0x6E40] =	vst v0  }
0xb6: {  	[tilespmem:$0x6E50] =	vst v0  }
0xb7: {  	[tilespmem:$0x6E60] =	vst v0  }
0xb8: {  	[tilespmem:$0x6E70] =	vst v0  }
0xb9: {  	[tilespmem:$0x6E80] =	vst v0  }
0xba: {  	[tilespmem:$0x6E90] =	vst v0  }
0xbb: {  	[tilespmem:$0x6EA0] =	vst v0  }
0xbc: {  	[tilespmem:$0x6EB0] =	vst v0  }
0xbd: {  	[tilespmem:$0x6EC0] =	vst v0  }
0xbe: {  	[tilespmem:$0x6ED0] =	vst v0  }
0xbf: {  	[tilespmem:$0x6EE0] =	vst v0  }
0xc0: {  	[tilespmem:$0x6EF0] =	vst v0  }
0xc1: {  	[tilespmem:$0x6F00] =	vst v0  }
0xc2: {  	[tilespmem:$0x6F10] =	vst v0  }
0xc3: {  	[tilespmem:$0x6F20] =	vst v0  }
0xc4: {  	[tilespmem:$0x6F30] =	vst v0  }
0xc5: {  	[tilespmem:$0x6F40] =	vst v0  }
0xc6: {  	[tilespmem:$0x6F50] =	vst v0  }
0xc7: {  	[tilespmem:$0x6F60] =	vst v0  }
0xc8: {  	[tilespmem:$0x6F70] =	vst v0  }
0xc9: {  	[tilespmem:$0x6F80] =	vst v0  }
0xca: {  	[tilespmem:$0x6F90] =	vst v0  }
0xcb: {  	[tilespmem:$0x6FA0] =	vst v0  }
0xcc: {  	[tilespmem:$0x6FB0] =	vst v0  }
0xcd: {  	[tilespmem:$0x6FC0] =	vst v0  }
0xce: {  	[tilespmem:$0x6FD0] =	vst v0  }
0xcf: {  	[tilespmem:$0x6FE0] =	vst v0  }
0xd0: {  	[tilespmem:$0x6FF0] =	vst v0  }
.LBB2_3:
0xd1: {  	s14 =	sshll.u32 s13, $0x4  }
0xd2: {  	v4 =	vld [tilespmem:s14+$0x0]  }
0xd3: {  	v5 =	vld [tilespmem:s14+$0x80]  }
0xd4: {  	v6 =	vld [tilespmem:s14+$0x100]  }
0xd5: {  	v7 =	vld [tilespmem:s14+$0x180]  }
0xd6: {  	v8 =	vld [tilespmem:s14+$0x200]  }
0xd7: {  	v9 =	vld [tilespmem:s14+$0x280]  }
0xd8: {  	v10 =	vld [tilespmem:s14+$0x300]  }
0xd9: {  	v11 =	vld [tilespmem:s14+$0x380]  }
0xda: {  	v12 =	vld [tilespmem:s14+$0x400]  }
0xdb: {  	v13 =	vld [tilespmem:s14+$0x480]  }
0xdc: {  	v14 =	vld [tilespmem:s14+$0x500]  }
0xdd: {  	v15 =	vld [tilespmem:s14+$0x580]  }
0xde: {  	v16 =	vld [tilespmem:s14+$0x600]  }
0xdf: {  	v17 =	vld [tilespmem:s14+$0x680]  }
0xe0: {  	v18 =	vld [tilespmem:s14+$0x700]  }
0xe1: {  	v19 =	vld [tilespmem:s14+$0x780]  }
0xe2: {  	v20 =	vld [tilespmem:s14+$0x800]  }
0xe3: {  	v21 =	vld [tilespmem:s14+$0x880]  }
0xe4: {  	v22 =	vld [tilespmem:s14+$0x900]  }
0xe5: {  	v23 =	vld [tilespmem:s14+$0x980]  }
0xe6: {  	v3 =	vor.u32 s14, v1;
	v24 =	vld [tilespmem:s14+$0xA00];
	v4 =	vshll.u32 v4, $0x7  }
0xe7: {  	v25 =	vld [tilespmem:s14+$0xA80];
	v4 =	vadd.s32 v3, v4  }
0xe8: {  	v26 =	vld [tilespmem:s14+$0xB00];
	v5 =	vshll.u32 v5, $0x7  }
0xe9: {  	v27 =	vld [tilespmem:s14+$0xB80];
	v5 =	vadd.s32 v3, v5  }
0xea: {  	v28 =	vld [tilespmem:s14+$0xC00];
	v6 =	vshll.u32 v6, $0x7  }
0xeb: {  	v29 =	vld [tilespmem:s14+$0xC80];
	v6 =	vadd.s32 v3, v6  }
0xec: {  	v34 =	vshll.u32 v7, $0x7;
	[tilespmem:v4+s10+$0x0] =	vst.idx.add.f32.msk $0xffff, v2  }
0xed: {  	v4 =	vadd.s32 v3, v34;
	v7 =	vld [tilespmem:s14+$0xD00]  }
0xee: {  	v35 =	vshll.u32 v8, $0x7;
	[tilespmem:v5+s10+$0x0] =	vst.idx.add.f32.msk $0xffff, v2  }
0xef: {  	v5 =	vadd.s32 v3, v35;
	v8 =	vld [tilespmem:s14+$0xD80]  }
0xf0: {  	v36 =	vshll.u32 v9, $0x7;
	[tilespmem:v6+s10+$0x0] =	vst.idx.add.f32.msk $0xffff, v2  }
0xf1: {  	v6 =	vadd.s32 v3, v36;
	v37 =	vld [tilespmem:s14+$0xE00]  }
0xf2: {  	v38 =	vshll.u32 v10, $0x7;
	[tilespmem:v4+s10+$0x0] =	vst.idx.add.f32.msk $0xffff, v2  }
0xf3: {  	v4 =	vadd.s32 v3, v38;
	v39 =	vld [tilespmem:s14+$0xE80]  }
0xf4: {  	v40 =	vshll.u32 v11, $0x7;
	[tilespmem:v5+s10+$0x0] =	vst.idx.add.f32.msk $0xffff, v2  }
0xf5: {  	v5 =	vadd.s32 v3, v40;
	v11 =	vld [tilespmem:s14+$0xF00]  }
0xf6: {  	v41 =	vshll.u32 v12, $0x7;
	[tilespmem:v6+s10+$0x0] =	vst.idx.add.f32.msk $0xffff, v2  }
0xf7: {  	v6 =	vadd.s32 v3, v41;
	v42 =	vld [tilespmem:s14+$0xF80]  }
0xf8: {  	v43 =	vshll.u32 v13, $0x7;
	[tilespmem:v4+s10+$0x0] =	vst.idx.add.f32.msk $0xffff, v2  }
0xf9: {  	v4 =	vadd.s32 v3, v43;
	v44 =	vld [tilespmem:s14+$0x1000]  }
0xfa: {  	v45 =	vshll.u32 v14, $0x7;
	[tilespmem:v5+s10+$0x0] =	vst.idx.add.f32.msk $0xffff, v2  }
0xfb: {  	v5 =	vadd.s32 v3, v45;
	v46 =	vld [tilespmem:s14+$0x1080]  }
0xfc: {  	v47 =	vshll.u32 v15, $0x7;
	[tilespmem:v6+s10+$0x0] =	vst.idx.add.f32.msk $0xffff, v2  }
0xfd: {  	v6 =	vadd.s32 v3, v47;
	v15 =	vld [tilespmem:s14+$0x1100]  }
0xfe: {  	v48 =	vshll.u32 v16, $0x7;
	[tilespmem:v4+s10+$0x0] =	vst.idx.add.f32.msk $0xffff, v2  }
0xff: {  	v4 =	vadd.s32 v3, v48;
	v16 =	vld [tilespmem:s14+$0x1180]  }
0x100: {  	v49 =	vshll.u32 v17, $0x7;
	[tilespmem:v5+s10+$0x0] =	vst.idx.add.f32.msk $0xffff, v2  }
0x101: {  	v5 =	vadd.s32 v3, v49;
	v17 =	vld [tilespmem:s14+$0x1200]  }
0x102: {  	v50 =	vshll.u32 v18, $0x7;
	[tilespmem:v6+s10+$0x0] =	vst.idx.add.f32.msk $0xffff, v2  }
0x103: {  	v6 =	vadd.s32 v3, v50;
	v18 =	vld [tilespmem:s14+$0x1280]  }
0x104: {  	v51 =	vshll.u32 v19, $0x7;
	[tilespmem:v4+s10+$0x0] =	vst.idx.add.f32.msk $0xffff, v2  }
0x105: {  	v4 =	vadd.s32 v3, v51;
	v19 =	vld [tilespmem:s14+$0x1300]  }
0x106: {  	v52 =	vshll.u32 v20, $0x7;
	[tilespmem:v5+s10+$0x0] =	vst.idx.add.f32.msk $0xffff, v2  }
0x107: {  	v5 =	vadd.s32 v3, v52;
	v20 =	vld [tilespmem:s14+$0x1380]  }
0x108: {  	v53 =	vshll.u32 v21, $0x7;
	[tilespmem:v6+s10+$0x0] =	vst.idx.add.f32.msk $0xffff, v2  }
0x109: {  	v6 =	vadd.s32 v3, v53;
	v54 =	vld [tilespmem:s14+$0x1400]  }
0x10a: {  	v55 =	vshll.u32 v22, $0x7;
	[tilespmem:v4+s10+$0x0] =	vst.idx.add.f32.msk $0xffff, v2  }
0x10b: {  	v4 =	vadd.s32 v3, v55;
	v56 =	vld [tilespmem:s14+$0x1480]  }
0x10c: {  	v57 =	vshll.u32 v23, $0x7;
	[tilespmem:v5+s10+$0x0] =	vst.idx.add.f32.msk $0xffff, v2  }
0x10d: {  	v5 =	vadd.s32 v3, v57;
	v58 =	vld [tilespmem:s14+$0x1500]  }
0x10e: {  	v59 =	vshll.u32 v24, $0x7;
	[tilespmem:v6+s10+$0x0] =	vst.idx.add.f32.msk $0xffff, v2  }
0x10f: {  	v6 =	vadd.s32 v3, v59;
	v24 =	vld [tilespmem:s14+$0x1580]  }
0x110: {  	v60 =	vshll.u32 v25, $0x7;
	[tilespmem:v4+s10+$0x0] =	vst.idx.add.f32.msk $0xffff, v2  }
0x111: {  	v4 =	vadd.s32 v3, v60;
	v25 =	vld [tilespmem:s14+$0x1600]  }
0x112: {  	v61 =	vshll.u32 v26, $0x7;
	[tilespmem:v5+s10+$0x0] =	vst.idx.add.f32.msk $0xffff, v2  }
0x113: {  	v5 =	vadd.s32 v3, v61;
	v26 =	vld [tilespmem:s14+$0x1680]  }
0x114: {  	v62 =	vshll.u32 v27, $0x7;
	[tilespmem:v6+s10+$0x0] =	vst.idx.add.f32.msk $0xffff, v2  }
0x115: {  	v6 =	vadd.s32 v3, v62;
	v27 =	vld [tilespmem:s14+$0x1700]  }
0x116: {  	v63 =	vshll.u32 v28, $0x7;
	[tilespmem:v4+s10+$0x0] =	vst.idx.add.f32.msk $0xffff, v2  }
0x117: {  	v4 =	vadd.s32 v3, v63;
	v32 =	vld [tilespmem:s14+$0x1780]  }
0x118: {  	v33 =	vshll.u32 v29, $0x7;
	[tilespmem:v5+s10+$0x0] =	vst.idx.add.f32.msk $0xffff, v2  }
0x119: {  	v5 =	vadd.s32 v3, v33;
	v34 =	vld [tilespmem:s14+$0x1800]  }
0x11a: {  	v35 =	vshll.u32 v7, $0x7;
	[tilespmem:v6+s10+$0x0] =	vst.idx.add.f32.msk $0xffff, v2  }
0x11b: {  	v6 =	vadd.s32 v3, v35;
	v7 =	vld [tilespmem:s14+$0x1880]  }
0x11c: {  	v36 =	vshll.u32 v8, $0x7;
	[tilespmem:v4+s10+$0x0] =	vst.idx.add.f32.msk $0xffff, v2  }
0x11d: {  	v4 =	vadd.s32 v3, v36;
	v8 =	vld [tilespmem:s14+$0x1900]  }
0x11e: {  	v37 =	vshll.u32 v37, $0x7;
	[tilespmem:v5+s10+$0x0] =	vst.idx.add.f32.msk $0xffff, v2  }
0x11f: {  	v5 =	vadd.s32 v3, v37;
	v38 =	vld [tilespmem:s14+$0x1980]  }
0x120: {  	v39 =	vshll.u32 v39, $0x7;
	[tilespmem:v6+s10+$0x0] =	vst.idx.add.f32.msk $0xffff, v2  }
0x121: {  	v6 =	vadd.s32 v3, v39;
	v40 =	vld [tilespmem:s14+$0x1A00]  }
0x122: {  	v41 =	vshll.u32 v11, $0x7;
	[tilespmem:v4+s10+$0x0] =	vst.idx.add.f32.msk $0xffff, v2  }
0x123: {  	v4 =	vadd.s32 v3, v41;
	v11 =	vld [tilespmem:s14+$0x1A80]  }
0x124: {  	v42 =	vshll.u32 v42, $0x7;
	[tilespmem:v5+s10+$0x0] =	vst.idx.add.f32.msk $0xffff, v2  }
0x125: {  	v5 =	vadd.s32 v3, v42;
	v43 =	vld [tilespmem:s14+$0x1B00]  }
0x126: {  	v44 =	vshll.u32 v44, $0x7;
	[tilespmem:v6+s10+$0x0] =	vst.idx.add.f32.msk $0xffff, v2  }
0x127: {  	v6 =	vadd.s32 v3, v44;
	v45 =	vld [tilespmem:s14+$0x1B80]  }
0x128: {  	v46 =	vshll.u32 v46, $0x7;
	[tilespmem:v4+s10+$0x0] =	vst.idx.add.f32.msk $0xffff, v2  }
0x129: {  	v4 =	vadd.s32 v3, v46;
	v47 =	vld [tilespmem:s14+$0x1C00]  }
0x12a: {  	v48 =	vshll.u32 v15, $0x7;
	[tilespmem:v5+s10+$0x0] =	vst.idx.add.f32.msk $0xffff, v2  }
0x12b: {  	v5 =	vadd.s32 v3, v48;
	v15 =	vld [tilespmem:s14+$0x1C80]  }
0x12c: {  	v49 =	vshll.u32 v16, $0x7;
	[tilespmem:v6+s10+$0x0] =	vst.idx.add.f32.msk $0xffff, v2  }
0x12d: {  	v6 =	vadd.s32 v3, v49;
	v16 =	vld [tilespmem:s14+$0x1D00]  }
0x12e: {  	v50 =	vshll.u32 v17, $0x7;
	[tilespmem:v4+s10+$0x0] =	vst.idx.add.f32.msk $0xffff, v2  }
0x12f: {  	v4 =	vadd.s32 v3, v50;
	v17 =	vld [tilespmem:s14+$0x1D80]  }
0x130: {  	v51 =	vshll.u32 v18, $0x7;
	[tilespmem:v5+s10+$0x0] =	vst.idx.add.f32.msk $0xffff, v2  }
0x131: {  	v5 =	vadd.s32 v3, v51;
	v18 =	vld [tilespmem:s14+$0x1E00]  }
0x132: {  	v52 =	vshll.u32 v19, $0x7;
	[tilespmem:v6+s10+$0x0] =	vst.idx.add.f32.msk $0xffff, v2  }
0x133: {  	v6 =	vadd.s32 v3, v52;
	v19 =	vld [tilespmem:s14+$0x1E80]  }
0x134: {  	v53 =	vshll.u32 v20, $0x7;
	[tilespmem:v4+s10+$0x0] =	vst.idx.add.f32.msk $0xffff, v2  }
0x135: {  	v4 =	vadd.s32 v3, v53;
	v20 =	vld [tilespmem:s14+$0x1F00]  }
0x136: {  	v54 =	vshll.u32 v54, $0x7;
	[tilespmem:v5+s10+$0x0] =	vst.idx.add.f32.msk $0xffff, v2  }
0x137: {  	v5 =	vadd.s32 v3, v54;
	v55 =	vld [tilespmem:s14+$0x1F80]  }
0x138: {  	v56 =	vshll.u32 v56, $0x7;
	[tilespmem:v6+s10+$0x0] =	vst.idx.add.f32.msk $0xffff, v2  }
0x139: {  	v6 =	vadd.s32 v3, v56;
	v57 =	vld [tilespmem:s14+$0x2000]  }
0x13a: {  	v58 =	vshll.u32 v58, $0x7;
	[tilespmem:v4+s10+$0x0] =	vst.idx.add.f32.msk $0xffff, v2  }
0x13b: {  	v4 =	vadd.s32 v3, v58;
	v59 =	vld [tilespmem:s14+$0x2080]  }
0x13c: {  	v60 =	vshll.u32 v24, $0x7;
	[tilespmem:v5+s10+$0x0] =	vst.idx.add.f32.msk $0xffff, v2  }
0x13d: {  	v5 =	vadd.s32 v3, v60;
	v61 =	vld [tilespmem:s14+$0x2100]  }
0x13e: {  	v62 =	vshll.u32 v25, $0x7;
	[tilespmem:v6+s10+$0x0] =	vst.idx.add.f32.msk $0xffff, v2  }
0x13f: {  	v6 =	vadd.s32 v3, v62;
	v63 =	vld [tilespmem:s14+$0x2180]  }
0x140: {  	v30 =	vshll.u32 v26, $0x7;
	[tilespmem:v4+s10+$0x0] =	vst.idx.add.f32.msk $0xffff, v2  }
0x141: {  	v4 =	vadd.s32 v3, v30;
	v26 =	vld [tilespmem:s14+$0x2200]  }
0x142: {  	v31 =	vshll.u32 v27, $0x7;
	[tilespmem:v5+s10+$0x0] =	vst.idx.add.f32.msk $0xffff, v2  }
0x143: {  	v5 =	vadd.s32 v3, v31;
	v27 =	vld [tilespmem:s14+$0x2280]  }
0x144: {  	v32 =	vshll.u32 v32, $0x7;
	[tilespmem:v6+s10+$0x0] =	vst.idx.add.f32.msk $0xffff, v2  }
0x145: {  	v6 =	vadd.s32 v3, v32;
	v33 =	vld [tilespmem:s14+$0x2300]  }
0x146: {  	v34 =	vshll.u32 v34, $0x7;
	[tilespmem:v4+s10+$0x0] =	vst.idx.add.f32.msk $0xffff, v2  }
0x147: {  	v4 =	vadd.s32 v3, v34;
	v35 =	vld [tilespmem:s14+$0x2380]  }
0x148: {  	v36 =	vshll.u32 v7, $0x7;
	[tilespmem:v5+s10+$0x0] =	vst.idx.add.f32.msk $0xffff, v2  }
0x149: {  	v5 =	vadd.s32 v3, v36;
	v7 =	vld [tilespmem:s14+$0x2400]  }
0x14a: {  	v37 =	vshll.u32 v8, $0x7;
	[tilespmem:v6+s10+$0x0] =	vst.idx.add.f32.msk $0xffff, v2  }
0x14b: {  	v6 =	vadd.s32 v3, v37;
	v8 =	vld [tilespmem:s14+$0x2480]  }
0x14c: {  	v38 =	vshll.u32 v38, $0x7;
	[tilespmem:v4+s10+$0x0] =	vst.idx.add.f32.msk $0xffff, v2  }
0x14d: {  	v4 =	vadd.s32 v3, v38;
	v39 =	vld [tilespmem:s14+$0x2500]  }
0x14e: {  	v40 =	vshll.u32 v40, $0x7;
	[tilespmem:v5+s10+$0x0] =	vst.idx.add.f32.msk $0xffff, v2  }
0x14f: {  	v5 =	vadd.s32 v3, v40;
	v41 =	vld [tilespmem:s14+$0x2580]  }
0x150: {  	v42 =	vshll.u32 v11, $0x7;
	[tilespmem:v6+s10+$0x0] =	vst.idx.add.f32.msk $0xffff, v2  }
0x151: {  	v6 =	vadd.s32 v3, v42;
	v11 =	vld [tilespmem:s14+$0x2600]  }
0x152: {  	v43 =	vshll.u32 v43, $0x7;
	[tilespmem:v4+s10+$0x0] =	vst.idx.add.f32.msk $0xffff, v2  }
0x153: {  	v4 =	vadd.s32 v3, v43;
	v44 =	vld [tilespmem:s14+$0x2680]  }
0x154: {  	v45 =	vshll.u32 v45, $0x7;
	[tilespmem:v5+s10+$0x0] =	vst.idx.add.f32.msk $0xffff, v2  }
0x155: {  	v5 =	vadd.s32 v3, v45;
	v46 =	vld [tilespmem:s14+$0x2700]  }
0x156: {  	v47 =	vshll.u32 v47, $0x7;
	[tilespmem:v6+s10+$0x0] =	vst.idx.add.f32.msk $0xffff, v2  }
0x157: {  	v6 =	vadd.s32 v3, v47;
	v48 =	vld [tilespmem:s14+$0x2780]  }
0x158: {  	v49 =	vshll.u32 v15, $0x7;
	[tilespmem:v4+s10+$0x0] =	vst.idx.add.f32.msk $0xffff, v2  }
0x159: {  	v4 =	vadd.s32 v3, v49;
	v15 =	vld [tilespmem:s14+$0x2800]  }
0x15a: {  	v50 =	vshll.u32 v16, $0x7;
	[tilespmem:v5+s10+$0x0] =	vst.idx.add.f32.msk $0xffff, v2  }
0x15b: {  	v5 =	vadd.s32 v3, v50;
	v16 =	vld [tilespmem:s14+$0x2880]  }
0x15c: {  	v51 =	vshll.u32 v17, $0x7;
	[tilespmem:v6+s10+$0x0] =	vst.idx.add.f32.msk $0xffff, v2  }
0x15d: {  	v6 =	vadd.s32 v3, v51;
	v17 =	vld [tilespmem:s14+$0x2900]  }
0x15e: {  	v52 =	vshll.u32 v18, $0x7;
	[tilespmem:v4+s10+$0x0] =	vst.idx.add.f32.msk $0xffff, v2  }
0x15f: {  	v4 =	vadd.s32 v3, v52;
	v18 =	vld [tilespmem:s14+$0x2980]  }
0x160: {  	v53 =	vshll.u32 v19, $0x7;
	[tilespmem:v5+s10+$0x0] =	vst.idx.add.f32.msk $0xffff, v2  }
0x161: {  	v5 =	vadd.s32 v3, v53;
	v19 =	vld [tilespmem:s14+$0x2A00]  }
0x162: {  	v54 =	vshll.u32 v20, $0x7;
	[tilespmem:v6+s10+$0x0] =	vst.idx.add.f32.msk $0xffff, v2  }
0x163: {  	v6 =	vadd.s32 v3, v54;
	v20 =	vld [tilespmem:s14+$0x2A80]  }
0x164: {  	v55 =	vshll.u32 v55, $0x7;
	[tilespmem:v4+s10+$0x0] =	vst.idx.add.f32.msk $0xffff, v2  }
0x165: {  	v4 =	vadd.s32 v3, v55;
	v56 =	vld [tilespmem:s14+$0x2B00]  }
0x166: {  	v57 =	vshll.u32 v57, $0x7;
	[tilespmem:v5+s10+$0x0] =	vst.idx.add.f32.msk $0xffff, v2  }
0x167: {  	v5 =	vadd.s32 v3, v57;
	v58 =	vld [tilespmem:s14+$0x2B80]  }
0x168: {  	v59 =	vshll.u32 v59, $0x7;
	[tilespmem:v6+s10+$0x0] =	vst.idx.add.f32.msk $0xffff, v2  }
0x169: {  	v6 =	vadd.s32 v3, v59;
	v60 =	vld [tilespmem:s14+$0x2C00]  }
0x16a: {  	v61 =	vshll.u32 v61, $0x7;
	[tilespmem:v4+s10+$0x0] =	vst.idx.add.f32.msk $0xffff, v2  }
0x16b: {  	v4 =	vadd.s32 v3, v61;
	v62 =	vld [tilespmem:s14+$0x2C80]  }
0x16c: {  	v63 =	vshll.u32 v63, $0x7;
	[tilespmem:v5+s10+$0x0] =	vst.idx.add.f32.msk $0xffff, v2  }
0x16d: {  	v5 =	vadd.s32 v3, v63;
	v25 =	vld [tilespmem:s14+$0x2D00]  }
0x16e: {  	v30 =	vshll.u32 v26, $0x7;
	[tilespmem:v6+s10+$0x0] =	vst.idx.add.f32.msk $0xffff, v2  }
0x16f: {  	v6 =	vadd.s32 v3, v30;
	v26 =	vld [tilespmem:s14+$0x2D80]  }
0x170: {  	v31 =	vshll.u32 v27, $0x7;
	[tilespmem:v4+s10+$0x0] =	vst.idx.add.f32.msk $0xffff, v2  }
0x171: {  	v4 =	vadd.s32 v3, v31;
	v32 =	vld [tilespmem:s14+$0x2E00]  }
0x172: {  	v33 =	vshll.u32 v33, $0x7;
	[tilespmem:v5+s10+$0x0] =	vst.idx.add.f32.msk $0xffff, v2  }
0x173: {  	v5 =	vadd.s32 v3, v33;
	v34 =	vld [tilespmem:s14+$0x2E80]  }
0x174: {  	v35 =	vshll.u32 v35, $0x7;
	[tilespmem:v6+s10+$0x0] =	vst.idx.add.f32.msk $0xffff, v2  }
0x175: {  	v6 =	vadd.s32 v3, v35;
	v36 =	vld [tilespmem:s14+$0x2F00]  }
0x176: {  	v37 =	vshll.u32 v7, $0x7;
	[tilespmem:v4+s10+$0x0] =	vst.idx.add.f32.msk $0xffff, v2  }
0x177: {  	v4 =	vadd.s32 v3, v37;
	v7 =	vld [tilespmem:s14+$0x2F80]  }
0x178: {  	v38 =	vshll.u32 v8, $0x7;
	[tilespmem:v5+s10+$0x0] =	vst.idx.add.f32.msk $0xffff, v2  }
0x179: {  	v5 =	vadd.s32 v3, v38;
	v8 =	vld [tilespmem:s14+$0x3000]  }
0x17a: {  	v39 =	vshll.u32 v39, $0x7;
	[tilespmem:v6+s10+$0x0] =	vst.idx.add.f32.msk $0xffff, v2  }
0x17b: {  	v6 =	vadd.s32 v3, v39;
	v40 =	vld [tilespmem:s14+$0x3080]  }
0x17c: {  	v41 =	vshll.u32 v41, $0x7;
	[tilespmem:v4+s10+$0x0] =	vst.idx.add.f32.msk $0xffff, v2  }
0x17d: {  	v4 =	vadd.s32 v3, v41;
	v42 =	vld [tilespmem:s14+$0x3100]  }
0x17e: {  	v43 =	vshll.u32 v11, $0x7;
	[tilespmem:v5+s10+$0x0] =	vst.idx.add.f32.msk $0xffff, v2  }
0x17f: {  	v5 =	vadd.s32 v3, v43;
	v11 =	vld [tilespmem:s14+$0x3180]  }
0x180: {  	v44 =	vshll.u32 v44, $0x7;
	[tilespmem:v6+s10+$0x0] =	vst.idx.add.f32.msk $0xffff, v2  }
0x181: {  	v6 =	vadd.s32 v3, v44;
	v45 =	vld [tilespmem:s14+$0x3200]  }
0x182: {  	v46 =	vshll.u32 v46, $0x7;
	[tilespmem:v4+s10+$0x0] =	vst.idx.add.f32.msk $0xffff, v2  }
0x183: {  	v4 =	vadd.s32 v3, v46;
	v47 =	vld [tilespmem:s14+$0x3280]  }
0x184: {  	v48 =	vshll.u32 v48, $0x7;
	[tilespmem:v5+s10+$0x0] =	vst.idx.add.f32.msk $0xffff, v2  }
0x185: {  	v5 =	vadd.s32 v3, v48;
	v49 =	vld [tilespmem:s14+$0x3300]  }
0x186: {  	v50 =	vshll.u32 v15, $0x7;
	[tilespmem:v6+s10+$0x0] =	vst.idx.add.f32.msk $0xffff, v2  }
0x187: {  	v6 =	vadd.s32 v3, v50;
	v15 =	vld [tilespmem:s14+$0x3380]  }
0x188: {  	v51 =	vshll.u32 v16, $0x7;
	[tilespmem:v4+s10+$0x0] =	vst.idx.add.f32.msk $0xffff, v2  }
0x189: {  	v4 =	vadd.s32 v3, v51;
	v16 =	vld [tilespmem:s14+$0x3400]  }
0x18a: {  	v52 =	vshll.u32 v17, $0x7;
	[tilespmem:v5+s10+$0x0] =	vst.idx.add.f32.msk $0xffff, v2  }
0x18b: {  	v5 =	vadd.s32 v3, v52;
	v17 =	vld [tilespmem:s14+$0x3480]  }
0x18c: {  	v53 =	vshll.u32 v18, $0x7;
	[tilespmem:v6+s10+$0x0] =	vst.idx.add.f32.msk $0xffff, v2  }
0x18d: {  	v6 =	vadd.s32 v3, v53;
	v18 =	vld [tilespmem:s14+$0x3500]  }
0x18e: {  	v54 =	vshll.u32 v19, $0x7;
	[tilespmem:v4+s10+$0x0] =	vst.idx.add.f32.msk $0xffff, v2  }
0x18f: {  	v4 =	vadd.s32 v3, v54;
	v19 =	vld [tilespmem:s14+$0x3580]  }
0x190: {  	v55 =	vshll.u32 v20, $0x7;
	[tilespmem:v5+s10+$0x0] =	vst.idx.add.f32.msk $0xffff, v2  }
0x191: {  	v5 =	vadd.s32 v3, v55;
	v20 =	vld [tilespmem:s14+$0x3600]  }
0x192: {  	v56 =	vshll.u32 v56, $0x7;
	[tilespmem:v6+s10+$0x0] =	vst.idx.add.f32.msk $0xffff, v2  }
0x193: {  	v6 =	vadd.s32 v3, v56;
	v57 =	vld [tilespmem:s14+$0x3680]  }
0x194: {  	v58 =	vshll.u32 v58, $0x7;
	[tilespmem:v4+s10+$0x0] =	vst.idx.add.f32.msk $0xffff, v2  }
0x195: {  	v4 =	vadd.s32 v3, v58;
	v59 =	vld [tilespmem:s14+$0x3700]  }
0x196: {  	v60 =	vshll.u32 v60, $0x7;
	[tilespmem:v5+s10+$0x0] =	vst.idx.add.f32.msk $0xffff, v2  }
0x197: {  	v5 =	vadd.s32 v3, v60;
	v61 =	vld [tilespmem:s14+$0x3780]  }
0x198: {  	v62 =	vshll.u32 v62, $0x7;
	[tilespmem:v6+s10+$0x0] =	vst.idx.add.f32.msk $0xffff, v2  }
0x199: {  	v6 =	vadd.s32 v3, v62;
	v63 =	vld [tilespmem:s14+$0x3800]  }
0x19a: {  	v30 =	vshll.u32 v25, $0x7;
	[tilespmem:v4+s10+$0x0] =	vst.idx.add.f32.msk $0xffff, v2  }
0x19b: {  	v4 =	vadd.s32 v3, v30;
	v25 =	vld [tilespmem:s14+$0x3880]  }
0x19c: {  	v31 =	vshll.u32 v26, $0x7;
	[tilespmem:v5+s10+$0x0] =	vst.idx.add.f32.msk $0xffff, v2  }
0x19d: {  	v5 =	vadd.s32 v3, v31;
	v26 =	vld [tilespmem:s14+$0x3900]  }
0x19e: {  	v32 =	vshll.u32 v32, $0x7;
	[tilespmem:v6+s10+$0x0] =	vst.idx.add.f32.msk $0xffff, v2  }
0x19f: {  	v6 =	vadd.s32 v3, v32;
	v33 =	vld [tilespmem:s14+$0x3980]  }
0x1a0: {  	v34 =	vshll.u32 v34, $0x7;
	[tilespmem:v4+s10+$0x0] =	vst.idx.add.f32.msk $0xffff, v2  }
0x1a1: {  	v4 =	vadd.s32 v3, v34;
	v35 =	vld [tilespmem:s14+$0x3A00]  }
0x1a2: {  	v36 =	vshll.u32 v36, $0x7;
	[tilespmem:v5+s10+$0x0] =	vst.idx.add.f32.msk $0xffff, v2  }
0x1a3: {  	v5 =	vadd.s32 v3, v36;
	v37 =	vld [tilespmem:s14+$0x3A80]  }
0x1a4: {  	v38 =	vshll.u32 v7, $0x7;
	[tilespmem:v6+s10+$0x0] =	vst.idx.add.f32.msk $0xffff, v2  }
0x1a5: {  	v6 =	vadd.s32 v3, v38;
	v7 =	vld [tilespmem:s14+$0x3B00]  }
0x1a6: {  	v39 =	vshll.u32 v8, $0x7;
	[tilespmem:v4+s10+$0x0] =	vst.idx.add.f32.msk $0xffff, v2  }
0x1a7: {  	v4 =	vadd.s32 v3, v39;
	v8 =	vld [tilespmem:s14+$0x3B80]  }
0x1a8: {  	v40 =	vshll.u32 v40, $0x7;
	[tilespmem:v5+s10+$0x0] =	vst.idx.add.f32.msk $0xffff, v2  }
0x1a9: {  	v5 =	vadd.s32 v3, v40;
	v41 =	vld [tilespmem:s14+$0x3C00]  }
0x1aa: {  	v42 =	vshll.u32 v42, $0x7;
	[tilespmem:v6+s10+$0x0] =	vst.idx.add.f32.msk $0xffff, v2  }
0x1ab: {  	v6 =	vadd.s32 v3, v42;
	v43 =	vld [tilespmem:s14+$0x3C80]  }
0x1ac: {  	v44 =	vshll.u32 v11, $0x7;
	[tilespmem:v4+s10+$0x0] =	vst.idx.add.f32.msk $0xffff, v2  }
0x1ad: {  	v4 =	vadd.s32 v3, v44;
	v11 =	vld [tilespmem:s14+$0x3D00]  }
0x1ae: {  	v45 =	vshll.u32 v45, $0x7;
	[tilespmem:v5+s10+$0x0] =	vst.idx.add.f32.msk $0xffff, v2  }
0x1af: {  	v5 =	vadd.s32 v3, v45;
	v46 =	vld [tilespmem:s14+$0x3D80]  }
0x1b0: {  	v47 =	vshll.u32 v47, $0x7;
	[tilespmem:v6+s10+$0x0] =	vst.idx.add.f32.msk $0xffff, v2  }
0x1b1: {  	v6 =	vadd.s32 v3, v47;
	v48 =	vld [tilespmem:s14+$0x3E00]  }
0x1b2: {  	v49 =	vshll.u32 v49, $0x7;
	[tilespmem:v4+s10+$0x0] =	vst.idx.add.f32.msk $0xffff, v2  }
0x1b3: {  	v4 =	vadd.s32 v3, v49;
	v50 =	vld [tilespmem:s14+$0x3E80]  }
0x1b4: {  	v51 =	vshll.u32 v15, $0x7;
	[tilespmem:v5+s10+$0x0] =	vst.idx.add.f32.msk $0xffff, v2  }
0x1b5: {  	v5 =	vadd.s32 v3, v51;
	v15 =	vld [tilespmem:s14+$0x3F00]  }
0x1b6: {  	v52 =	vshll.u32 v16, $0x7;
	[tilespmem:v6+s10+$0x0] =	vst.idx.add.f32.msk $0xffff, v2  }
0x1b7: {  	v6 =	vadd.s32 v3, v52;
	v16 =	vld [tilespmem:s14+$0x3F80]  }
0x1b8: {  	v53 =	vshll.u32 v17, $0x7;
	[tilespmem:v4+s10+$0x0] =	vst.idx.add.f32.msk $0xffff, v2  }
0x1b9: {  	v4 =	vadd.s32 v3, v53;
	v17 =	vld [tilespmem:s14+$0x4000]  }
0x1ba: {  	v54 =	vshll.u32 v18, $0x7;
	[tilespmem:v5+s10+$0x0] =	vst.idx.add.f32.msk $0xffff, v2  }
0x1bb: {  	v5 =	vadd.s32 v3, v54;
	v18 =	vld [tilespmem:s14+$0x4080]  }
0x1bc: {  	v55 =	vshll.u32 v19, $0x7;
	[tilespmem:v6+s10+$0x0] =	vst.idx.add.f32.msk $0xffff, v2  }
0x1bd: {  	v6 =	vadd.s32 v3, v55;
	v19 =	vld [tilespmem:s14+$0x4100]  }
0x1be: {  	v56 =	vshll.u32 v20, $0x7;
	[tilespmem:v4+s10+$0x0] =	vst.idx.add.f32.msk $0xffff, v2  }
0x1bf: {  	v4 =	vadd.s32 v3, v56;
	v20 =	vld [tilespmem:s14+$0x4180]  }
0x1c0: {  	v57 =	vshll.u32 v57, $0x7;
	[tilespmem:v5+s10+$0x0] =	vst.idx.add.f32.msk $0xffff, v2  }
0x1c1: {  	v5 =	vadd.s32 v3, v57;
	v58 =	vld [tilespmem:s14+$0x4200]  }
0x1c2: {  	v59 =	vshll.u32 v59, $0x7;
	[tilespmem:v6+s10+$0x0] =	vst.idx.add.f32.msk $0xffff, v2  }
0x1c3: {  	v6 =	vadd.s32 v3, v59;
	v60 =	vld [tilespmem:s14+$0x4280]  }
0x1c4: {  	v61 =	vshll.u32 v61, $0x7;
	[tilespmem:v4+s10+$0x0] =	vst.idx.add.f32.msk $0xffff, v2  }
0x1c5: {  	v4 =	vadd.s32 v3, v61;
	v62 =	vld [tilespmem:s14+$0x4300]  }
0x1c6: {  	v63 =	vshll.u32 v63, $0x7;
	[tilespmem:v5+s10+$0x0] =	vst.idx.add.f32.msk $0xffff, v2  }
0x1c7: {  	v5 =	vadd.s32 v3, v63;
	v24 =	vld [tilespmem:s14+$0x4380]  }
0x1c8: {  	v30 =	vshll.u32 v25, $0x7;
	[tilespmem:v6+s10+$0x0] =	vst.idx.add.f32.msk $0xffff, v2  }
0x1c9: {  	v6 =	vadd.s32 v3, v30;
	v25 =	vld [tilespmem:s14+$0x4400]  }
0x1ca: {  	v31 =	vshll.u32 v26, $0x7;
	[tilespmem:v4+s10+$0x0] =	vst.idx.add.f32.msk $0xffff, v2  }
0x1cb: {  	v4 =	vadd.s32 v3, v31;
	v32 =	vld [tilespmem:s14+$0x4480]  }
0x1cc: {  	v33 =	vshll.u32 v33, $0x7;
	[tilespmem:v5+s10+$0x0] =	vst.idx.add.f32.msk $0xffff, v2  }
0x1cd: {  	v5 =	vadd.s32 v3, v33;
	v34 =	vld [tilespmem:s14+$0x4500]  }
0x1ce: {  	v35 =	vshll.u32 v35, $0x7;
	[tilespmem:v6+s10+$0x0] =	vst.idx.add.f32.msk $0xffff, v2  }
0x1cf: {  	v6 =	vadd.s32 v3, v35;
	v36 =	vld [tilespmem:s14+$0x4580]  }
0x1d0: {  	v37 =	vshll.u32 v37, $0x7;
	[tilespmem:v4+s10+$0x0] =	vst.idx.add.f32.msk $0xffff, v2  }
0x1d1: {  	v4 =	vadd.s32 v3, v37;
	v38 =	vld [tilespmem:s14+$0x4600]  }
0x1d2: {  	v39 =	vshll.u32 v7, $0x7;
	[tilespmem:v5+s10+$0x0] =	vst.idx.add.f32.msk $0xffff, v2  }
0x1d3: {  	v5 =	vadd.s32 v3, v39;
	v7 =	vld [tilespmem:s14+$0x4680]  }
0x1d4: {  	v40 =	vshll.u32 v8, $0x7;
	[tilespmem:v6+s10+$0x0] =	vst.idx.add.f32.msk $0xffff, v2  }
0x1d5: {  	v6 =	vadd.s32 v3, v40;
	v8 =	vld [tilespmem:s14+$0x4700]  }
0x1d6: {  	v41 =	vshll.u32 v41, $0x7;
	[tilespmem:v4+s10+$0x0] =	vst.idx.add.f32.msk $0xffff, v2  }
0x1d7: {  	v4 =	vadd.s32 v3, v41;
	v42 =	vld [tilespmem:s14+$0x4780]  }
0x1d8: {  	v43 =	vshll.u32 v43, $0x7;
	[tilespmem:v5+s10+$0x0] =	vst.idx.add.f32.msk $0xffff, v2  }
0x1d9: {  	v5 =	vadd.s32 v3, v43;
	v44 =	vld [tilespmem:s14+$0x4800]  }
0x1da: {  	v45 =	vshll.u32 v11, $0x7;
	[tilespmem:v6+s10+$0x0] =	vst.idx.add.f32.msk $0xffff, v2  }
0x1db: {  	v6 =	vadd.s32 v3, v45;
	v11 =	vld [tilespmem:s14+$0x4880]  }
0x1dc: {  	v46 =	vshll.u32 v46, $0x7;
	[tilespmem:v4+s10+$0x0] =	vst.idx.add.f32.msk $0xffff, v2  }
0x1dd: {  	v4 =	vadd.s32 v3, v46;
	v47 =	vld [tilespmem:s14+$0x4900]  }
0x1de: {  	v48 =	vshll.u32 v48, $0x7;
	[tilespmem:v5+s10+$0x0] =	vst.idx.add.f32.msk $0xffff, v2  }
0x1df: {  	v5 =	vadd.s32 v3, v48;
	v49 =	vld [tilespmem:s14+$0x4980]  }
0x1e0: {  	v50 =	vshll.u32 v50, $0x7;
	[tilespmem:v6+s10+$0x0] =	vst.idx.add.f32.msk $0xffff, v2  }
0x1e1: {  	v6 =	vadd.s32 v3, v50;
	v51 =	vld [tilespmem:s14+$0x4A00]  }
0x1e2: {  	v52 =	vshll.u32 v15, $0x7;
	[tilespmem:v4+s10+$0x0] =	vst.idx.add.f32.msk $0xffff, v2  }
0x1e3: {  	v4 =	vadd.s32 v3, v52;
	v15 =	vld [tilespmem:s14+$0x4A80]  }
0x1e4: {  	v53 =	vshll.u32 v16, $0x7;
	[tilespmem:v5+s10+$0x0] =	vst.idx.add.f32.msk $0xffff, v2  }
0x1e5: {  	v5 =	vadd.s32 v3, v53;
	v16 =	vld [tilespmem:s14+$0x4B00]  }
0x1e6: {  	v54 =	vshll.u32 v17, $0x7;
	[tilespmem:v6+s10+$0x0] =	vst.idx.add.f32.msk $0xffff, v2  }
0x1e7: {  	v6 =	vadd.s32 v3, v54;
	v17 =	vld [tilespmem:s14+$0x4B80]  }
0x1e8: {  	v55 =	vshll.u32 v18, $0x7;
	[tilespmem:v4+s10+$0x0] =	vst.idx.add.f32.msk $0xffff, v2  }
0x1e9: {  	v4 =	vadd.s32 v3, v55;
	v18 =	vld [tilespmem:s14+$0x4C00]  }
0x1ea: {  	v56 =	vshll.u32 v19, $0x7;
	[tilespmem:v5+s10+$0x0] =	vst.idx.add.f32.msk $0xffff, v2  }
0x1eb: {  	v5 =	vadd.s32 v3, v56;
	v19 =	vld [tilespmem:s14+$0x4C80]  }
0x1ec: {  	v57 =	vshll.u32 v20, $0x7;
	[tilespmem:v6+s10+$0x0] =	vst.idx.add.f32.msk $0xffff, v2  }
0x1ed: {  	v6 =	vadd.s32 v3, v57;
	v20 =	vld [tilespmem:s14+$0x4D00]  }
0x1ee: {  	v58 =	vshll.u32 v58, $0x7;
	[tilespmem:v4+s10+$0x0] =	vst.idx.add.f32.msk $0xffff, v2  }
0x1ef: {  	v4 =	vadd.s32 v3, v58;
	v59 =	vld [tilespmem:s14+$0x4D80]  }
0x1f0: {  	v60 =	vshll.u32 v60, $0x7;
	[tilespmem:v5+s10+$0x0] =	vst.idx.add.f32.msk $0xffff, v2  }
0x1f1: {  	v5 =	vadd.s32 v3, v60;
	v61 =	vld [tilespmem:s14+$0x4E00]  }
0x1f2: {  	v62 =	vshll.u32 v62, $0x7;
	[tilespmem:v6+s10+$0x0] =	vst.idx.add.f32.msk $0xffff, v2  }
0x1f3: {  	v6 =	vadd.s32 v3, v62;
	v63 =	vld [tilespmem:s14+$0x4E80]  }
0x1f4: {  	v30 =	vshll.u32 v24, $0x7;
	[tilespmem:v4+s10+$0x0] =	vst.idx.add.f32.msk $0xffff, v2  }
0x1f5: {  	v4 =	vadd.s32 v3, v30;
	v24 =	vld [tilespmem:s14+$0x4F00]  }
0x1f6: {  	v31 =	vshll.u32 v25, $0x7;
	[tilespmem:v5+s10+$0x0] =	vst.idx.add.f32.msk $0xffff, v2  }
0x1f7: {  	v5 =	vadd.s32 v3, v31;
	v25 =	vld [tilespmem:s14+$0x4F80]  }
0x1f8: {  	v32 =	vshll.u32 v32, $0x7;
	[tilespmem:v6+s10+$0x0] =	vst.idx.add.f32.msk $0xffff, v2  }
0x1f9: {  	v6 =	vadd.s32 v3, v32;
	v33 =	vld [tilespmem:s14+$0x5000]  }
0x1fa: {  	v34 =	vshll.u32 v34, $0x7;
	[tilespmem:v4+s10+$0x0] =	vst.idx.add.f32.msk $0xffff, v2  }
0x1fb: {  	v4 =	vadd.s32 v3, v34;
	v35 =	vld [tilespmem:s14+$0x5080]  }
0x1fc: {  	v36 =	vshll.u32 v36, $0x7;
	[tilespmem:v5+s10+$0x0] =	vst.idx.add.f32.msk $0xffff, v2  }
0x1fd: {  	v5 =	vadd.s32 v3, v36;
	v37 =	vld [tilespmem:s14+$0x5100]  }
0x1fe: {  	v38 =	vshll.u32 v38, $0x7;
	[tilespmem:v6+s10+$0x0] =	vst.idx.add.f32.msk $0xffff, v2  }
0x1ff: {  	v6 =	vadd.s32 v3, v38;
	v39 =	vld [tilespmem:s14+$0x5180]  }
0x200: {  	v40 =	vshll.u32 v7, $0x7;
	[tilespmem:v4+s10+$0x0] =	vst.idx.add.f32.msk $0xffff, v2  }
0x201: {  	v4 =	vadd.s32 v3, v40;
	v7 =	vld [tilespmem:s14+$0x5200]  }
0x202: {  	v41 =	vshll.u32 v8, $0x7;
	[tilespmem:v5+s10+$0x0] =	vst.idx.add.f32.msk $0xffff, v2  }
0x203: {  	v5 =	vadd.s32 v3, v41;
	v8 =	vld [tilespmem:s14+$0x5280]  }
0x204: {  	v42 =	vshll.u32 v42, $0x7;
	[tilespmem:v6+s10+$0x0] =	vst.idx.add.f32.msk $0xffff, v2  }
0x205: {  	v6 =	vadd.s32 v3, v42;
	v43 =	vld [tilespmem:s14+$0x5300]  }
0x206: {  	v44 =	vshll.u32 v44, $0x7;
	[tilespmem:v4+s10+$0x0] =	vst.idx.add.f32.msk $0xffff, v2  }
0x207: {  	v4 =	vadd.s32 v3, v44;
	v45 =	vld [tilespmem:s14+$0x5380]  }
0x208: {  	v46 =	vshll.u32 v11, $0x7;
	[tilespmem:v5+s10+$0x0] =	vst.idx.add.f32.msk $0xffff, v2  }
0x209: {  	v5 =	vadd.s32 v3, v46;
	v11 =	vld [tilespmem:s14+$0x5400]  }
0x20a: {  	v47 =	vshll.u32 v47, $0x7;
	[tilespmem:v6+s10+$0x0] =	vst.idx.add.f32.msk $0xffff, v2  }
0x20b: {  	v6 =	vadd.s32 v3, v47;
	v48 =	vld [tilespmem:s14+$0x5480]  }
0x20c: {  	v49 =	vshll.u32 v49, $0x7;
	[tilespmem:v4+s10+$0x0] =	vst.idx.add.f32.msk $0xffff, v2  }
0x20d: {  	v4 =	vadd.s32 v3, v49;
	v50 =	vld [tilespmem:s14+$0x5500]  }
0x20e: {  	v51 =	vshll.u32 v51, $0x7;
	[tilespmem:v5+s10+$0x0] =	vst.idx.add.f32.msk $0xffff, v2  }
0x20f: {  	v5 =	vadd.s32 v3, v51;
	v52 =	vld [tilespmem:s14+$0x5580]  }
0x210: {  	v53 =	vshll.u32 v15, $0x7;
	[tilespmem:v6+s10+$0x0] =	vst.idx.add.f32.msk $0xffff, v2  }
0x211: {  	v6 =	vadd.s32 v3, v53;
	v15 =	vld [tilespmem:s14+$0x5600]  }
0x212: {  	v54 =	vshll.u32 v16, $0x7;
	[tilespmem:v4+s10+$0x0] =	vst.idx.add.f32.msk $0xffff, v2  }
0x213: {  	v4 =	vadd.s32 v3, v54;
	v16 =	vld [tilespmem:s14+$0x5680]  }
0x214: {  	v55 =	vshll.u32 v17, $0x7;
	[tilespmem:v5+s10+$0x0] =	vst.idx.add.f32.msk $0xffff, v2  }
0x215: {  	v5 =	vadd.s32 v3, v55;
	v17 =	vld [tilespmem:s14+$0x5700]  }
0x216: {  	v56 =	vshll.u32 v18, $0x7;
	[tilespmem:v6+s10+$0x0] =	vst.idx.add.f32.msk $0xffff, v2  }
0x217: {  	v6 =	vadd.s32 v3, v56;
	v18 =	vld [tilespmem:s14+$0x5780]  }
0x218: {  	v57 =	vshll.u32 v19, $0x7;
	[tilespmem:v4+s10+$0x0] =	vst.idx.add.f32.msk $0xffff, v2  }
0x219: {  	v4 =	vadd.s32 v3, v57;
	v19 =	vld [tilespmem:s14+$0x5800]  }
0x21a: {  	v58 =	vshll.u32 v20, $0x7;
	[tilespmem:v5+s10+$0x0] =	vst.idx.add.f32.msk $0xffff, v2  }
0x21b: {  	v5 =	vadd.s32 v3, v58;
	v20 =	vld [tilespmem:s14+$0x5880]  }
0x21c: {  	v59 =	vshll.u32 v59, $0x7;
	[tilespmem:v6+s10+$0x0] =	vst.idx.add.f32.msk $0xffff, v2  }
0x21d: {  	v6 =	vadd.s32 v3, v59;
	v21 =	vld [tilespmem:s14+$0x5900]  }
0x21e: {  	v60 =	vshll.u32 v61, $0x7;
	[tilespmem:v4+s10+$0x0] =	vst.idx.add.f32.msk $0xffff, v2  }
0x21f: {  	v4 =	vadd.s32 v3, v60;
	v61 =	vld [tilespmem:s14+$0x5980]  }
0x220: {  	v62 =	vshll.u32 v63, $0x7;
	[tilespmem:v5+s10+$0x0] =	vst.idx.add.f32.msk $0xffff, v2  }
0x221: {  	v5 =	vadd.s32 v3, v62;
	v63 =	vld [tilespmem:s14+$0x5A00]  }
0x222: {  	v30 =	vshll.u32 v24, $0x7;
	[tilespmem:v6+s10+$0x0] =	vst.idx.add.f32.msk $0xffff, v2  }
0x223: {  	v6 =	vadd.s32 v3, v30;
	v24 =	vld [tilespmem:s14+$0x5A80]  }
0x224: {  	v31 =	vshll.u32 v25, $0x7;
	[tilespmem:v4+s10+$0x0] =	vst.idx.add.f32.msk $0xffff, v2  }
0x225: {  	v4 =	vadd.s32 v3, v31;
	v32 =	vld [tilespmem:s14+$0x5B00]  }
0x226: {  	v33 =	vshll.u32 v33, $0x7;
	[tilespmem:v5+s10+$0x0] =	vst.idx.add.f32.msk $0xffff, v2  }
0x227: {  	v5 =	vadd.s32 v3, v33;
	v34 =	vld [tilespmem:s14+$0x5B80]  }
0x228: {  	v35 =	vshll.u32 v35, $0x7;
	[tilespmem:v6+s10+$0x0] =	vst.idx.add.f32.msk $0xffff, v2  }
0x229: {  	v6 =	vadd.s32 v3, v35;
	v36 =	vld [tilespmem:s14+$0x5C00]  }
0x22a: {  	v37 =	vshll.u32 v37, $0x7;
	[tilespmem:v4+s10+$0x0] =	vst.idx.add.f32.msk $0xffff, v2  }
0x22b: {  	v4 =	vadd.s32 v3, v37;
	v38 =	vld [tilespmem:s14+$0x5C80]  }
0x22c: {  	v39 =	vshll.u32 v39, $0x7;
	[tilespmem:v5+s10+$0x0] =	vst.idx.add.f32.msk $0xffff, v2  }
0x22d: {  	v5 =	vadd.s32 v3, v39;
	v40 =	vld [tilespmem:s14+$0x5D00]  }
0x22e: {  	v41 =	vshll.u32 v7, $0x7;
	[tilespmem:v6+s10+$0x0] =	vst.idx.add.f32.msk $0xffff, v2  }
0x22f: {  	v6 =	vadd.s32 v3, v41;
	v7 =	vld [tilespmem:s14+$0x5D80]  }
0x230: {  	v42 =	vshll.u32 v8, $0x7;
	[tilespmem:v4+s10+$0x0] =	vst.idx.add.f32.msk $0xffff, v2  }
0x231: {  	v4 =	vadd.s32 v3, v42;
	v8 =	vld [tilespmem:s14+$0x5E00]  }
0x232: {  	v43 =	vshll.u32 v43, $0x7;
	[tilespmem:v5+s10+$0x0] =	vst.idx.add.f32.msk $0xffff, v2  }
0x233: {  	v5 =	vadd.s32 v3, v43;
	v44 =	vld [tilespmem:s14+$0x5E80]  }
0x234: {  	v45 =	vshll.u32 v45, $0x7;
	[tilespmem:v6+s10+$0x0] =	vst.idx.add.f32.msk $0xffff, v2  }
0x235: {  	v6 =	vadd.s32 v3, v45;
	v46 =	vld [tilespmem:s14+$0x5F00]  }
0x236: {  	v47 =	vshll.u32 v11, $0x7;
	[tilespmem:v4+s10+$0x0] =	vst.idx.add.f32.msk $0xffff, v2  }
0x237: {  	v4 =	vadd.s32 v3, v47;
	v11 =	vld [tilespmem:s14+$0x5F80]  }
0x238: {  	v48 =	vshll.u32 v48, $0x7;
	[tilespmem:v5+s10+$0x0] =	vst.idx.add.f32.msk $0xffff, v2  }
0x239: {  	v5 =	vadd.s32 v3, v48;
	v49 =	vld [tilespmem:s14+$0x6000]  }
0x23a: {  	v50 =	vshll.u32 v50, $0x7;
	[tilespmem:v6+s10+$0x0] =	vst.idx.add.f32.msk $0xffff, v2  }
0x23b: {  	v6 =	vadd.s32 v3, v50;
	v51 =	vld [tilespmem:s14+$0x6080]  }
0x23c: {  	v52 =	vshll.u32 v52, $0x7;
	[tilespmem:v4+s10+$0x0] =	vst.idx.add.f32.msk $0xffff, v2  }
0x23d: {  	v4 =	vadd.s32 v3, v52;
	v53 =	vld [tilespmem:s14+$0x6100]  }
0x23e: {  	v54 =	vshll.u32 v15, $0x7;
	[tilespmem:v5+s10+$0x0] =	vst.idx.add.f32.msk $0xffff, v2  }
0x23f: {  	v5 =	vadd.s32 v3, v54;
	v15 =	vld [tilespmem:s14+$0x6180]  }
0x240: {  	v55 =	vshll.u32 v16, $0x7;
	[tilespmem:v6+s10+$0x0] =	vst.idx.add.f32.msk $0xffff, v2  }
0x241: {  	v6 =	vadd.s32 v3, v55;
	v16 =	vld [tilespmem:s14+$0x6200]  }
0x242: {  	v56 =	vshll.u32 v17, $0x7;
	[tilespmem:v4+s10+$0x0] =	vst.idx.add.f32.msk $0xffff, v2  }
0x243: {  	v18 =	vshll.u32 v18, $0x7;
	v4 =	vadd.s32 v3, v56;
	v17 =	vld [tilespmem:s14+$0x6280]  }
0x244: {  	v57 =	vadd.s32 v3, v18;
	v58 =	vshll.u32 v19, $0x7;
	[tilespmem:v5+s10+$0x0] =	vst.idx.add.f32.msk $0xffff, v2  }
0x245: {  	v18 =	vadd.s32 v3, v58;
	v20 =	vshll.u32 v20, $0x7;
	v19 =	vld [tilespmem:s14+$0x6300]  }
0x246: {  	v59 =	vadd.s32 v3, v20;
	v60 =	vshll.u32 v21, $0x7;
	[tilespmem:v6+s10+$0x0] =	vst.idx.add.f32.msk $0xffff, v2  }
0x247: {  	v20 =	vadd.s32 v3, v60;
	v22 =	vshll.u32 v61, $0x7;
	v21 =	vld [tilespmem:s14+$0x6380]  }
0x248: {  	v61 =	vadd.s32 v3, v22;
	v62 =	vshll.u32 v63, $0x7;
	[tilespmem:v4+s10+$0x0] =	vst.idx.add.f32.msk $0xffff, v2  }
0x249: {  	v63 =	vadd.s32 v3, v62;
	v30 =	vshll.u32 v24, $0x7;
	[tilespmem:v57+s10+$0x0] =	vst.idx.add.f32.msk $0xffff, v2  }
0x24a: {  	v31 =	vadd.s32 v3, v30;
	v32 =	vshll.u32 v32, $0x7;
	[tilespmem:v18+s10+$0x0] =	vst.idx.add.f32.msk $0xffff, v2  }
0x24b: {  	v33 =	vadd.s32 v3, v32;
	v34 =	vshll.u32 v34, $0x7;
	[tilespmem:v59+s10+$0x0] =	vst.idx.add.f32.msk $0xffff, v2  }
0x24c: {  	v35 =	vadd.s32 v3, v34;
	v36 =	vshll.u32 v36, $0x7;
	[tilespmem:v20+s10+$0x0] =	vst.idx.add.f32.msk $0xffff, v2  }
0x24d: {  	v37 =	vadd.s32 v3, v36;
	v38 =	vshll.u32 v38, $0x7;
	[tilespmem:v61+s10+$0x0] =	vst.idx.add.f32.msk $0xffff, v2  }
0x24e: {  	v39 =	vadd.s32 v3, v38;
	v40 =	vshll.u32 v40, $0x7;
	[tilespmem:v63+s10+$0x0] =	vst.idx.add.f32.msk $0xffff, v2  }
0x24f: {  	v41 =	vadd.s32 v3, v40;
	v7 =	vshll.u32 v7, $0x7;
	[tilespmem:v31+s10+$0x0] =	vst.idx.add.f32.msk $0xffff, v2  }
0x250: {  	v42 =	vadd.s32 v3, v7;
	v43 =	vshll.u32 v8, $0x7;
	[tilespmem:v33+s10+$0x0] =	vst.idx.add.f32.msk $0xffff, v2  }
0x251: {  	v7 =	vadd.s32 v3, v43;
	v44 =	vshll.u32 v44, $0x7;
	[tilespmem:v35+s10+$0x0] =	vst.idx.add.f32.msk $0xffff, v2  }
0x252: {  	v45 =	vadd.s32 v3, v44;
	v46 =	vshll.u32 v46, $0x7;
	[tilespmem:v37+s10+$0x0] =	vst.idx.add.f32.msk $0xffff, v2  }
0x253: {  	v47 =	vadd.s32 v3, v46;
	v48 =	vshll.u32 v11, $0x7;
	[tilespmem:v39+s10+$0x0] =	vst.idx.add.f32.msk $0xffff, v2  }
0x254: {  	v8 =	vadd.s32 v3, v48;
	v49 =	vshll.u32 v49, $0x7;
	[tilespmem:v41+s10+$0x0] =	vst.idx.add.f32.msk $0xffff, v2  }
0x255: {  	v50 =	vadd.s32 v3, v49;
	v51 =	vshll.u32 v51, $0x7;
	[tilespmem:v42+s10+$0x0] =	vst.idx.add.f32.msk $0xffff, v2  }
0x256: {  	v52 =	vadd.s32 v3, v51;
	v53 =	vshll.u32 v53, $0x7;
	[tilespmem:v7+s10+$0x0] =	vst.idx.add.f32.msk $0xffff, v2  }
0x257: {  	v54 =	vadd.s32 v3, v53;
	v55 =	vshll.u32 v15, $0x7;
	[tilespmem:v45+s10+$0x0] =	vst.idx.add.f32.msk $0xffff, v2  }
0x258: {  	v56 =	vadd.s32 v3, v55;
	v57 =	vshll.u32 v16, $0x7;
	[tilespmem:v47+s10+$0x0] =	vst.idx.add.f32.msk $0xffff, v2  }
0x259: {  	v58 =	vadd.s32 v3, v57;
	v59 =	vshll.u32 v17, $0x7;
	[tilespmem:v8+s10+$0x0] =	vst.idx.add.f32.msk $0xffff, v2  }
0x25a: {  	v60 =	vadd.s32 v3, v59;
	v61 =	vshll.u32 v19, $0x7;
	[tilespmem:v50+s10+$0x0] =	vst.idx.add.f32.msk $0xffff, v2  }
0x25b: {  	v62 =	vadd.s32 v3, v61;
	v63 =	vshll.u32 v21, $0x7;
	[tilespmem:v52+s10+$0x0] =	vst.idx.add.f32.msk $0xffff, v2  }
0x25c: {  	p0 =	sne.s32 s13, $0x7;
	v3 =	vadd.s32 v3, v63;
	[tilespmem:v54+s10+$0x0] =	vst.idx.add.f32.msk $0xffff, v2  }
.Ltmp0:
0x25d: {  	[tilespmem:v56+s10+$0x0] =	vst.idx.add.f32.msk $0xffff, v2;
	(pc) =	sbr.rel @p0 .LBB2_3-.Ltmp0, $4  }
0x25e: {  	[tilespmem:v58+s10+$0x0] =	vst.idx.add.f32.msk $0xffff, v2  }
0x25f: {  	[tilespmem:v60+s10+$0x0] =	vst.idx.add.f32.msk $0xffff, v2  }
0x260: {  	[tilespmem:v62+s10+$0x0] =	vst.idx.add.f32.msk $0xffff, v2  }
0x261: {  	s13 =	sadd.s32 $0x1, s13;
	[tilespmem:v3+s10+$0x0] =	vst.idx.add.f32.msk $0xffff, v2  }
0x262: {  	s11 =	sadd.s32 $0x1, s11  }
0x263: {  	p0 =	sne.s32 s11, $0x4  }
.Ltmp1:
0x264: {  	s12 =	sadd.s32 s2, s12;
	(pc) =	sbr.rel @p0 .LBB2_2-.Ltmp1, $4  }
0x265: {  	[hbm4b:s12+s7] =	stream.strided.scatter [tilespmem:s10], [sflag:$0x1], $0xC00, s8, s7, $0x38;
	[tilespmem:$0x7000] =	vst v63  }
0x266: {  	_ =	swait.ge [sflag:s9], $0xC00  }
0x267: {  	[sflag:s9] =	ssyncset.done $0x0  }
0x268: {  	[sflag:s9] =	ssyncadd.s32 $0xFFFFF400  }
0x269: {  	s3 =	sadd.s32 $0x1, s3  }
0x26a: {  	p0 =	sne.s32 s3, s6  }
.Ltmp2:
0x26b: {  	_ = 	snop;
	(pc) =	sbr.rel @p0 .LBB2_1-.Ltmp2, $1  }
0x26c: {  	_ =	sdelay $0x3  }
0x26d: {  	_ =	sfence.sel $0x180000  }
0x26e: {  	[bflag:$0x0] =	sbarrier.arrive $0xFFFF  }
0x26f: {  	p0 =	sne.s32 s4, $0x0;
	_ =	strace $0x90000047  }
0x270: {  	s0 =	sadd.s32 @!p0 $0x100000, s0;
	[bflag:$0x2] =	sbarrier.arrive $0xFFFF  }
0x271: {  	[sflag:s0] =	ssyncadd.tile.s32 @!p0 $0x1;
	_ =	shalt  }
.Lfunc_end2:
_tile_overlayer_lowered:
.L_overlay_start_2:
0x272: {  	(tag) =	ssettag $0x2  }
0x273: {  	s0 =	rddreg [dreg:$0x0];
	s2 =	stileid.u32  }
0x274: {  	s1 =	rddreg [dreg:$0x1];
	p0 =	sne.s32 s2, $0x0  }
0x275: {  	s3 =	rddreg [dreg:$0x2];
	[bflag:$0x3] =	sbarrier.arrive $0xFFFF;
	s2 =	simm.s32 @!p0 $0x1C01  }
0x276: {  	[timem:s3], [sflag:s2] =	dma.local @!p0 [hbm:s0], s1  }
0x277: {  	s0 =	simm.s32 @!p0 $0x1  }
0x278: {  	_ =	swait.ge @!p0 [sflag:s0], s1  }
0x279: {  	s1 =	ssub.s32 @!p0 $0x0, s1;
	[sflag:s0] =	ssyncset.done @!p0 $0x0  }
0x27a: {  	[sflag:s0] =	ssyncadd.s32 @!p0 s1  }
0x27b: {  	[bflag:$0x3] =	sbarrier.arrive $0xFFFF  }
0x27c: {  	_ =	shalt  }

</sc_bundles>
